<compile_context>
chip_gen: v7x
topology: tpu7x:2x2x1
jax: 0.10.2.dev20260603
libtpu: 0.0.44.dev20260713+nightly
codegen_flags: <defaults>
</compile_context>

<pallas_src>
import functools

import jax
import jax.numpy as jnp
from jax import lax
from jax.experimental import pallas as pl
from jax.experimental.pallas import tpu as pltpu
from jax.experimental.pallas import tpu_sc as plsc

N = 10000
E = 320000
D = 128

NPAD = 10240
PADROW = 10200
NC = 2
NS = 16
NW = NC * NS
CH = 128
KCH = 80
EPW = CH * KCH
EPAD = EPW * NW
EROWS = EPAD // CH
FAST_CORE = 0
KFAST = 144
KSLOW = 16
QCH = 16
RPW = NPAD // NS

BM = 256
NBLK = NPAD // BM
EPS = 1e-5

_mesh = plsc.VectorSubcoreMesh(core_axis_name="c", subcore_axis_name="s")



def _make_deg(width):
    @functools.partial(
        pl.kernel,
        out_type=jax.ShapeDtypeStruct((NC, NPAD, width), jnp.float32),
        mesh=_mesh,
        scratch_types=[
            pltpu.VMEM((KCH, CH), jnp.int32),
            pltpu.VMEM((CH, width), jnp.float32),
            pltpu.VMEM_SHARED((NPAD, width), jnp.float32),
        ],
    )
    def _deg(dst2_hbm, ones_hbm, zeros_hbm, out_hbm, dstv, onesv, deg_sh):
        c = lax.axis_index("c")
        s = lax.axis_index("s")
        wid = s * NC + c
        pltpu.sync_copy(zeros_hbm, deg_sh.at[pl.ds(s * RPW, RPW)])
        pltpu.sync_copy(ones_hbm, onesv)
        pltpu.sync_copy(dst2_hbm.at[pl.ds(wid * KCH, KCH)], dstv)
        plsc.subcore_barrier()

        def body(j, carry):
            pltpu.sync_copy(onesv, deg_sh.at[dstv.at[j]], add=True)
            return carry

        lax.fori_loop(0, KCH, body, 0)
        plsc.subcore_barrier()
        pltpu.sync_copy(deg_sh.at[pl.ds(s * RPW, RPW)],
                        out_hbm.at[c].at[pl.ds(s * RPW, RPW)])

    return _deg


DEGW = 128
_sc_degree = _make_deg(DEGW)


@functools.partial(
    pl.kernel,
    out_type=jax.ShapeDtypeStruct((NC, NPAD, D), jnp.float32),
    mesh=_mesh,
    scratch_types=[
        pltpu.VMEM((QCH, CH), jnp.int32),
        pltpu.VMEM((QCH, CH), jnp.int32),
        pltpu.VMEM((CH, D), jnp.float32),
        pltpu.VMEM((CH, D), jnp.float32),
        pltpu.SemaphoreType.DMA,
        pltpu.VMEM_SHARED((NPAD, D), jnp.float32),
    ],
)
def _sc_spmm(hs_hbm, src2_hbm, dst2_hbm, zeros_hbm, out_hbm,
             srcv, dstv, rows0, rows1, sem, y_sh):
    c = lax.axis_index("c")
    s = lax.axis_index("s")
    pltpu.sync_copy(zeros_hbm, y_sh.at[pl.ds(s * RPW, RPW)])
    plsc.subcore_barrier()

    on_fast = c == FAST_CORE
    nq = jnp.where(on_fast, KFAST // QCH, KSLOW // QCH)
    off = jnp.where(on_fast, s * KFAST, NS * KFAST + s * KSLOW)

    def gath(j, buf):
        pltpu.async_copy(hs_hbm.at[srcv.at[j]], buf, sem)

    def gwait(buf):
        pltpu.make_async_copy(hs_hbm.at[srcv.at[0]], buf, sem).wait()

    def qbody(q, carry):
        base = off + q * QCH
        pltpu.sync_copy(src2_hbm.at[pl.ds(base, QCH)], srcv)
        pltpu.sync_copy(dst2_hbm.at[pl.ds(base, QCH)], dstv)

        gath(0, rows0)

        def body(jj, carry2):
            j0 = 2 * jj
            gwait(rows0)
            gath(j0 + 1, rows1)
            pltpu.sync_copy(rows0, y_sh.at[dstv.at[j0]], add=True)
            gwait(rows1)

            @pl.when(jj < QCH // 2 - 1)
            def _():
                gath(j0 + 2, rows0)

            pltpu.sync_copy(rows1, y_sh.at[dstv.at[j0 + 1]], add=True)
            return carry2

        lax.fori_loop(0, QCH // 2, body, 0)
        return carry

    lax.fori_loop(0, nq, qbody, 0)
    plsc.subcore_barrier()
    pltpu.sync_copy(y_sh.at[pl.ds(s * RPW, RPW)],
                    out_hbm.at[c].at[pl.ds(s * RPW, RPW)])



def _dis_block(deg_ref, i):
    p = deg_ref[...]
    deg = p[0, :, 0:1] + p[1, :, 0:1] + 1.0
    dis = lax.rsqrt(deg)
    rows = i * BM + lax.broadcasted_iota(jnp.int32, (BM, 1), 0)
    return jnp.where(rows < N, dis, 0.0)


def _k1_body(deg_ref, x_ref, w_ref, o_ref):
    i = pl.program_id(0)
    dis = _dis_block(deg_ref, i)
    o_ref[...] = dis * jnp.dot(x_ref[...], w_ref[...],
                               preferred_element_type=jnp.float32)


def _accum_stats(o, j, acc_ref):
    @pl.when(j == 0)
    def _():
        acc_ref[...] = jnp.zeros_like(acc_ref)

    rows = j * BM + lax.broadcasted_iota(jnp.int32, (BM, 1), 0)
    om = jnp.where(rows < N, o, 0.0)
    acc_ref[0:1, :] += jnp.sum(om, axis=0, keepdims=True)
    acc_ref[1:2, :] += jnp.sum(om * om, axis=0, keepdims=True)


def _bn_relu_scr(o_scr, j, acc_ref, g_ref, be_ref):
    m = acc_ref[0:1, :] / N
    rstd = lax.rsqrt(acc_ref[1:2, :] / N - m * m + EPS)
    o = o_scr[pl.ds(j * BM, BM), :]
    return jax.nn.relu((o - m) * rstd * g_ref[...] + be_ref[...])


def _phase0(deg_ref, y_ref, hs_ref, b_ref, j, o_scr, acc_ref):
    dis = _dis_block(deg_ref, j)
    o = dis * (y_ref[0] + y_ref[1] + hs_ref[...]) + b_ref[...]
    o_scr[pl.ds(j * BM, BM), :] = o
    _accum_stats(o, j, acc_ref)


def _k23_body(deg_ref, y_ref, hs_ref, b_ref, g_ref, be_ref, w_ref,
              out_ref, o_scr, acc_ref):
    i, j = pl.program_id(0), pl.program_id(1)

    @pl.when(i == 0)
    def _():
        _phase0(deg_ref, y_ref, hs_ref, b_ref, j, o_scr, acc_ref)

    @pl.when(i == 1)
    def _():
        h = _bn_relu_scr(o_scr, j, acc_ref, g_ref, be_ref)
        out_ref[...] = _dis_block(deg_ref, j) * jnp.dot(
            h, w_ref[...], preferred_element_type=jnp.float32)


def _k2f_body(deg_ref, y_ref, hs_ref, b_ref, g_ref, be_ref,
              w1_ref, b1_ref, w2_ref, b2_ref, out_ref, o_scr, acc_ref):
    i, j = pl.program_id(0), pl.program_id(1)

    @pl.when(i == 0)
    def _():
        _phase0(deg_ref, y_ref, hs_ref, b_ref, j, o_scr, acc_ref)

    @pl.when(i == 1)
    def _():
        h = _bn_relu_scr(o_scr, j, acc_ref, g_ref, be_ref)
        h = jax.nn.relu(jnp.dot(h, w1_ref[...],
                                preferred_element_type=jnp.float32)
                        + b1_ref[...])
        o = jnp.dot(h, w2_ref[...],
                    preferred_element_type=jnp.float32) + b2_ref[...]
        out_ref[...] = jax.nn.sigmoid(o)


def _full(shape):
    return pl.BlockSpec(shape, lambda *ids: tuple(0 for _ in shape))


_deg_spec = pl.BlockSpec((NC, BM, DEGW), lambda i: (0, i, 0))
_row_spec = pl.BlockSpec((BM, D), lambda i: (i, 0))

_deg2_spec = pl.BlockSpec((NC, BM, DEGW), lambda i, j: (0, j, 0))
_y2_spec = pl.BlockSpec((NC, BM, D),
                        lambda i, j: (0, jnp.where(i == 0, j, 0), 0))
_hs2_spec = pl.BlockSpec((BM, D), lambda i, j: (jnp.where(i == 0, j, 0), 0))
_scr23 = [pltpu.VMEM((NPAD, D), jnp.float32), pltpu.VMEM((2, D), jnp.float32)]


def _k1(degp, xpad, W):
    return pl.pallas_call(
        _k1_body,
        grid=(NBLK,),
        in_specs=[_deg_spec, _row_spec, _full((D, D))],
        out_specs=_row_spec,
        out_shape=jax.ShapeDtypeStruct((NPAD, D), jnp.float32),
    )(degp, xpad, W)


def _k23(degp, yp, hs, b, g, be, Wn):
    return pl.pallas_call(
        _k23_body,
        grid=(2, NBLK),
        in_specs=[_deg2_spec, _y2_spec, _hs2_spec, _full((1, D)),
                  _full((1, D)), _full((1, D)), _full((D, D))],
        out_specs=pl.BlockSpec((BM, D), lambda i, j: (j, 0)),
        out_shape=jax.ShapeDtypeStruct((NPAD, D), jnp.float32),
        scratch_shapes=_scr23,
    )(degp, yp, hs, b, g, be, Wn)


def _k2f(degp, yp, hs, b, g, be, fc1_W, fc1_b, fc2_W, fc2_b):
    return pl.pallas_call(
        _k2f_body,
        grid=(2, NBLK),
        in_specs=[_deg2_spec, _y2_spec, _hs2_spec, _full((1, D)),
                  _full((1, D)), _full((1, D)),
                  _full((D, D // 2)), _full((1, D // 2)),
                  _full((D // 2, 1)), _full((1, 1))],
        out_specs=pl.BlockSpec((BM, 1), lambda i, j: (j, 0)),
        out_shape=jax.ShapeDtypeStruct((NPAD, 1), jnp.float32),
        scratch_shapes=_scr23,
    )(degp, yp, hs, b, g, be, fc1_W, fc1_b, fc2_W, fc2_b)



def kernel(x, edge_index, W1, b1, g1, be1, W2, b2, g2, be2, W3, b3, g3, be3,
           fc1_W, fc1_b, fc2_W, fc2_b):
    xpad = jnp.pad(x, ((0, NPAD - N), (0, 0)))
    pad = jnp.full((EPAD - E,), PADROW, jnp.int32)
    src2 = jnp.concatenate([edge_index[0], pad]).reshape(EROWS, CH)
    dst2 = jnp.concatenate([edge_index[1], pad]).reshape(EROWS, CH)
    zrowsD = jnp.zeros((RPW, D), jnp.float32)
    zrowsW = jnp.zeros((RPW, DEGW), jnp.float32)
    onesW = jnp.ones((CH, DEGW), jnp.float32)

    degp = _sc_degree(dst2, onesW, zrowsW)

    hs = _k1(degp, xpad, W1)
    for b, g, be, Wn in [(b1, g1, be1, W2), (b2, g2, be2, W3)]:
        yp = _sc_spmm(hs, src2, dst2, zrowsD)
        hs = _k23(degp, yp, hs, b.reshape(1, D), g.reshape(1, D),
                  be.reshape(1, D), Wn)
    yp = _sc_spmm(hs, src2, dst2, zrowsD)
    out = _k2f(degp, yp, hs, b3.reshape(1, D), g3.reshape(1, D),
               be3.reshape(1, D), fc1_W, fc1_b.reshape(1, D // 2),
               fc2_W, fc2_b.reshape(1, 1))
    return out[:N]

# --- scband reference (transcript-rebuilt; emitter-appended) ---
"""Pipeline reference for scband-gcn-83983790506410 (READ-ONLY COPY).

The authoritative reference and input builder live on the scoring server;
editing this copy changes nothing except your own understanding.
"""

import jax, jax.numpy as jnp
import numpy as np

N = 10000
E = 320000
D = 128


def gcn_conv(x, edge_index, W, b):
    n = x.shape[0]
    loop = jnp.arange(n, dtype=edge_index.dtype)
    src = jnp.concatenate([edge_index[0], loop])
    dst = jnp.concatenate([edge_index[1], loop])
    deg = jnp.zeros((n,), x.dtype).at[dst].add(1.0)
    dis = jnp.where(deg > 0, deg ** -0.5, 0.0)
    norm = dis[src] * dis[dst]
    h = x @ W
    msg = jnp.take(h, src, axis=0) * norm[:, None]
    out = jnp.zeros((n, h.shape[1]), h.dtype).at[dst].add(msg)
    return out + b


def batch_norm(x, gamma, beta, eps=1e-5):
    m = x.mean(axis=0)
    v = x.var(axis=0)
    return (x - m) / jnp.sqrt(v + eps) * gamma + beta


def setup_inputs(seed: int = 0) -> dict:
    key = jax.random.key(seed)
    ks = jax.random.split(key, 12)
    s = 1.0 / np.sqrt(D)
    inp = {
        "x": jax.random.normal(ks[0], (N, D), jnp.float32),
        "edge_index": jax.random.randint(ks[1], (2, E), 0, N, jnp.int32),
        "W1": jax.random.normal(ks[2], (D, D), jnp.float32) * s,
        "b1": jnp.zeros((D,), jnp.float32),
        "g1": jnp.ones((D,), jnp.float32),
        "be1": jnp.zeros((D,), jnp.float32),
        "W2": jax.random.normal(ks[3], (D, D), jnp.float32) * s,
        "b2": jnp.zeros((D,), jnp.float32),
        "g2": jnp.ones((D,), jnp.float32),
        "be2": jnp.zeros((D,), jnp.float32),
        "W3": jax.random.normal(ks[4], (D, D), jnp.float32) * s,
        "b3": jnp.zeros((D,), jnp.float32),
        "g3": jnp.ones((D,), jnp.float32),
        "be3": jnp.zeros((D,), jnp.float32),
        "fc1_W": jax.random.normal(ks[5], (D, D // 2), jnp.float32) * s,
        "fc1_b": jnp.zeros((D // 2,), jnp.float32),
        "fc2_W": jax.random.normal(ks[6], (D // 2, 1), jnp.float32) * (1.0 / np.sqrt(D // 2)),
        "fc2_b": jnp.zeros((1,), jnp.float32),
    }
    return inp


def reference(x, edge_index, W1, b1, g1, be1, W2, b2, g2, be2, W3, b3, g3, be3, fc1_W, fc1_b, fc2_W, fc2_b):
    h = jax.nn.relu(batch_norm(gcn_conv(x, edge_index, W1, b1), g1, be1))
    h = jax.nn.relu(batch_norm(gcn_conv(h, edge_index, W2, b2), g2, be2))
    h = jax.nn.relu(batch_norm(gcn_conv(h, edge_index, W3, b3), g3, be3))
    h = jax.nn.relu(h @ fc1_W + fc1_b)
    h = h @ fc2_W + fc2_b
    return jax.nn.sigmoid(h)

if __name__ == "__main__":
    import jax
    _d = setup_inputs()
    print(jax.jit(kernel)(*tuple(_d.values())))

</pallas_src>

<mosaic_0001>
#map = affine_map<(d0, d1) -> (0, 0)>
#map1 = affine_map<(d0, d1) -> (0, 0, 0)>
module attributes {stable_mosaic.version = 14 : i64} {
  func.func @_sc_spmm(%arg0: i32, %arg1: i32, %arg2: memref<10240x128xf32, #tpu.memory_space<hbm>>, %arg3: memref<2560x128xi32, #tpu.memory_space<hbm>>, %arg4: memref<2560x128xi32, #tpu.memory_space<hbm>>, %arg5: memref<640x128xf32, #tpu.memory_space<hbm>>, %arg6: memref<2x10240x128xf32, #tpu.memory_space<hbm>>, %arg7: memref<16x128xi32, #tpu.memory_space<vmem>>, %arg8: memref<16x128xi32, #tpu.memory_space<vmem>>, %arg9: memref<128x128xf32, #tpu.memory_space<vmem>>, %arg10: memref<128x128xf32, #tpu.memory_space<vmem>>, %arg11: memref<!tpu.dma_semaphore, #tpu.memory_space<semaphore_mem>>, %arg12: memref<10240x128xf32, #tpu.memory_space<vmem_shared>>) attributes {dimension_semantics = [#tpu.dimension_semantics<core_parallel>, #tpu.dimension_semantics<subcore_parallel>], iteration_bounds = array<i64: 2, 16>, scalar_prefetch = 0 : i64, scratch_operands = 6 : i64, tpu.core_type = #tpu.core_type<sc_vector_subcore>, window_params = [{transform_indices = #map}, {transform_indices = #map}, {transform_indices = #map}, {transform_indices = #map}, {transform_indices = #map1}]} {
    %mul3A = arith.constant 640 : i32
    %mul3A_0 = arith.muli %arg1, %mul3A : i32
    "tpu.region"() ({
      %run_scoped3A = tpu.sem_alloc : memref<!tpu.dma_semaphore, #tpu.memory_space<semaphore_mem>>
      %dma_start3A = arith.constant 0 : i32
      %dma_start3A_23 = tpu.memref_slice %arg12[%mul3A_0, %dma_start3A] : memref<10240x128xf32, #tpu.memory_space<vmem_shared>> -> memref<640x128xf32, #tpu.memory_space<vmem_shared>>
      tpu.enqueue_dma source(%arg5 : memref<640x128xf32, #tpu.memory_space<hbm>>) target(%dma_start3A_23 : memref<640x128xf32, #tpu.memory_space<vmem_shared>>) target_semaphore(%run_scoped3A : memref<!tpu.dma_semaphore, #tpu.memory_space<semaphore_mem>>)
      %dma_wait3A = arith.constant 0 : i32
      %dma_wait3A_24 = tpu.memref_slice %arg12[%mul3A_0, %dma_wait3A] : memref<10240x128xf32, #tpu.memory_space<vmem_shared>> -> memref<640x128xf32, #tpu.memory_space<vmem_shared>>
      tpu.wait_dma2 semaphore(%run_scoped3A : memref<!tpu.dma_semaphore, #tpu.memory_space<semaphore_mem>>) src(%arg5 : memref<640x128xf32, #tpu.memory_space<hbm>>) dst(%dma_wait3A_24 : memref<640x128xf32, #tpu.memory_space<vmem_shared>>)
      tpu.yield
    }) : () -> ()
    %barrier3A = arith.constant 0 : index
    tpu.barrier barrier_id(%barrier3A)
    %eq3A = arith.constant 0 : i32
    %eq3A_1 = arith.cmpi eq, %arg0, %eq3A : i32
    %jit3A = arith.constant 9 : i32
    %jit3A_2 = arith.constant 1 : i32
    %select_n3A = arith.select %eq3A_1, %jit3A, %jit3A_2 : i32
    %mul3A_3 = arith.constant 144 : i32
    %mul3A_4 = arith.muli %arg1, %mul3A_3 : i32
    %mul3A_5 = arith.constant 16 : i32
    %mul3A_6 = arith.muli %arg1, %mul3A_5 : i32
    %add3A = arith.constant 2304 : i32
    %add3A_7 = arith.addi %add3A, %mul3A_6 : i32
    %select_n3A_8 = arith.select %eq3A_1, %mul3A_4, %add3A_7 : i32
    %while3A = arith.constant 0 : i32
    %while3A_9 = arith.constant 0 : i32
    %while3A_10 = arith.subi %select_n3A, %while3A_9 : i32
    %while3A_11 = arith.addi %while3A_9, %while3A_10 : i32
    %while3A_12 = arith.constant 1 : i32
    %while3A_13 = arith.divsi %while3A_10, %while3A_12 : i32
    %while3A_14 = arith.muli %while3A_13, %while3A_12 : i32
    %while3A_15 = arith.addi %while3A_9, %while3A_14 : i32
    %while3A_16 = arith.constant 1 : i32
    scf.for %while3A_23 = %while3A_9 to %while3A_15 step %while3A_16  : i32 {
      %mul3A_24 = arith.constant 16 : i32
      %mul3A_25 = arith.muli %while3A_23, %mul3A_24 : i32
      %add3A_26 = arith.addi %select_n3A_8, %mul3A_25 : i32
      "tpu.region"() ({
        %run_scoped3A = tpu.sem_alloc : memref<!tpu.dma_semaphore, #tpu.memory_space<semaphore_mem>>
        %dma_start3A_38 = arith.constant 0 : i32
        %dma_start3A_39 = tpu.memref_slice %arg3[%add3A_26, %dma_start3A_38] : memref<2560x128xi32, #tpu.memory_space<hbm>> -> memref<16x128xi32, #tpu.memory_space<hbm>>
        %dma_start3A_40 = arith.constant 0 : i32
        %dma_start3A_41 = tpu.memref_slice %arg3[%add3A_26, %dma_start3A_40] : memref<2560x128xi32, #tpu.memory_space<hbm>> -> memref<16x128xi32, #tpu.memory_space<hbm>>
        tpu.enqueue_dma source(%dma_start3A_41 : memref<16x128xi32, #tpu.memory_space<hbm>>) target(%arg7 : memref<16x128xi32, #tpu.memory_space<vmem>>) target_semaphore(%run_scoped3A : memref<!tpu.dma_semaphore, #tpu.memory_space<semaphore_mem>>)
        %dma_wait3A = arith.constant 0 : i32
        %dma_wait3A_42 = tpu.memref_slice %arg3[%add3A_26, %dma_wait3A] : memref<2560x128xi32, #tpu.memory_space<hbm>> -> memref<16x128xi32, #tpu.memory_space<hbm>>
        %dma_wait3A_43 = arith.constant 0 : i32
        %dma_wait3A_44 = tpu.memref_slice %arg3[%add3A_26, %dma_wait3A_43] : memref<2560x128xi32, #tpu.memory_space<hbm>> -> memref<16x128xi32, #tpu.memory_space<hbm>>
        tpu.wait_dma2 semaphore(%run_scoped3A : memref<!tpu.dma_semaphore, #tpu.memory_space<semaphore_mem>>) src(%dma_wait3A_44 : memref<16x128xi32, #tpu.memory_space<hbm>>) dst(%arg7 : memref<16x128xi32, #tpu.memory_space<vmem>>)
        tpu.yield
      }) : () -> ()
      "tpu.region"() ({
        %run_scoped3A = tpu.sem_alloc : memref<!tpu.dma_semaphore, #tpu.memory_space<semaphore_mem>>
        %dma_start3A_38 = arith.constant 0 : i32
        %dma_start3A_39 = tpu.memref_slice %arg4[%add3A_26, %dma_start3A_38] : memref<2560x128xi32, #tpu.memory_space<hbm>> -> memref<16x128xi32, #tpu.memory_space<hbm>>
        %dma_start3A_40 = arith.constant 0 : i32
        %dma_start3A_41 = tpu.memref_slice %arg4[%add3A_26, %dma_start3A_40] : memref<2560x128xi32, #tpu.memory_space<hbm>> -> memref<16x128xi32, #tpu.memory_space<hbm>>
        tpu.enqueue_dma source(%dma_start3A_41 : memref<16x128xi32, #tpu.memory_space<hbm>>) target(%arg8 : memref<16x128xi32, #tpu.memory_space<vmem>>) target_semaphore(%run_scoped3A : memref<!tpu.dma_semaphore, #tpu.memory_space<semaphore_mem>>)
        %dma_wait3A = arith.constant 0 : i32
        %dma_wait3A_42 = tpu.memref_slice %arg4[%add3A_26, %dma_wait3A] : memref<2560x128xi32, #tpu.memory_space<hbm>> -> memref<16x128xi32, #tpu.memory_space<hbm>>
        %dma_wait3A_43 = arith.constant 0 : i32
        %dma_wait3A_44 = tpu.memref_slice %arg4[%add3A_26, %dma_wait3A_43] : memref<2560x128xi32, #tpu.memory_space<hbm>> -> memref<16x128xi32, #tpu.memory_space<hbm>>
        tpu.wait_dma2 semaphore(%run_scoped3A : memref<!tpu.dma_semaphore, #tpu.memory_space<semaphore_mem>>) src(%dma_wait3A_44 : memref<16x128xi32, #tpu.memory_space<hbm>>) dst(%arg8 : memref<16x128xi32, #tpu.memory_space<vmem>>)
        tpu.yield
      }) : () -> ()
      %dma_start3A = arith.constant 0 : i32
      %dma_start3A_27 = arith.constant 0 : i32
      %dma_start3A_28 = tpu.memref_slice %arg7[%dma_start3A, %dma_start3A_27] : memref<16x128xi32, #tpu.memory_space<vmem>> -> memref<1x128xi32, #tpu.memory_space<vmem>>
      %dma_start3A_29 = tpu.memref_squeeze %dma_start3A_28 : memref<1x128xi32, #tpu.memory_space<vmem>> -> memref<128xi32, #tpu.memory_space<vmem>>
      %dma_start3A_30 = arith.constant 0 : i32
      %dma_start3A_31 = arith.constant 0 : i32
      %dma_start3A_32 = tpu.memref_slice %arg2[%dma_start3A_30, %dma_start3A_31] : memref<10240x128xf32, #tpu.memory_space<hbm>> -> memref<10240x128xf32, #tpu.memory_space<hbm>>
      tpu.enqueue_indirect_dma source(%dma_start3A_32 : memref<10240x128xf32, #tpu.memory_space<hbm>>) target(%arg9 : memref<128x128xf32, #tpu.memory_space<vmem>>) offsets(%dma_start3A_29 : memref<128xi32, #tpu.memory_space<vmem>>) semaphore(%arg11 : memref<!tpu.dma_semaphore, #tpu.memory_space<semaphore_mem>>)
      %scan3A = arith.constant 0 : i32
      %scan3A_33 = arith.constant 0 : i32
      %scan3A_34 = arith.constant 8 : i32
      %scan3A_35 = arith.addi %scan3A_33, %scan3A_34 : i32
      %scan3A_36 = arith.constant 1 : i32
      scf.for %scan3A_38 = %scan3A_33 to %scan3A_35 step %scan3A_36  : i32 {
        %mul3A_39 = arith.constant 2 : i32
        %mul3A_40 = arith.muli %mul3A_39, %scan3A_38 : i32
        %dma_wait3A = arith.constant 0 : i32
        %dma_wait3A_41 = arith.constant 0 : i32
        %dma_wait3A_42 = tpu.memref_slice %arg7[%dma_wait3A, %dma_wait3A_41] : memref<16x128xi32, #tpu.memory_space<vmem>> -> memref<1x128xi32, #tpu.memory_space<vmem>>
        %dma_wait3A_43 = tpu.memref_squeeze %dma_wait3A_42 : memref<1x128xi32, #tpu.memory_space<vmem>> -> memref<128xi32, #tpu.memory_space<vmem>>
        %dma_wait3A_44 = arith.constant 0 : i32
        %dma_wait3A_45 = arith.constant 0 : i32
        %dma_wait3A_46 = tpu.memref_slice %arg2[%dma_wait3A_44, %dma_wait3A_45] : memref<10240x128xf32, #tpu.memory_space<hbm>> -> memref<10240x128xf32, #tpu.memory_space<hbm>>
        tpu.wait_indirect_dma semaphore(%arg11 : memref<!tpu.dma_semaphore, #tpu.memory_space<semaphore_mem>>) src(%dma_wait3A_46 : memref<10240x128xf32, #tpu.memory_space<hbm>>) dst(%arg9 : memref<128x128xf32, #tpu.memory_space<vmem>>)
        %add3A_47 = arith.constant 1 : i32
        %add3A_48 = arith.addi %mul3A_40, %add3A_47 : i32
        %dma_start3A_49 = arith.constant 0 : i32
        %dma_start3A_50 = tpu.memref_slice %arg7[%add3A_48, %dma_start3A_49] : memref<16x128xi32, #tpu.memory_space<vmem>> -> memref<1x128xi32, #tpu.memory_space<vmem>>
        %dma_start3A_51 = tpu.memref_squeeze %dma_start3A_50 : memref<1x128xi32, #tpu.memory_space<vmem>> -> memref<128xi32, #tpu.memory_space<vmem>>
        %dma_start3A_52 = arith.constant 0 : i32
        %dma_start3A_53 = arith.constant 0 : i32
        %dma_start3A_54 = tpu.memref_slice %arg2[%dma_start3A_52, %dma_start3A_53] : memref<10240x128xf32, #tpu.memory_space<hbm>> -> memref<10240x128xf32, #tpu.memory_space<hbm>>
        tpu.enqueue_indirect_dma source(%dma_start3A_54 : memref<10240x128xf32, #tpu.memory_space<hbm>>) target(%arg10 : memref<128x128xf32, #tpu.memory_space<vmem>>) offsets(%dma_start3A_51 : memref<128xi32, #tpu.memory_space<vmem>>) semaphore(%arg11 : memref<!tpu.dma_semaphore, #tpu.memory_space<semaphore_mem>>)
        "tpu.region"() ({
          %run_scoped3A = tpu.sem_alloc : memref<!tpu.dma_semaphore, #tpu.memory_space<semaphore_mem>>
          %dma_start3A_66 = arith.constant 0 : i32
          %dma_start3A_67 = tpu.memref_slice %arg8[%mul3A_40, %dma_start3A_66] : memref<16x128xi32, #tpu.memory_space<vmem>> -> memref<1x128xi32, #tpu.memory_space<vmem>>
          %dma_start3A_68 = tpu.memref_squeeze %dma_start3A_67 : memref<1x128xi32, #tpu.memory_space<vmem>> -> memref<128xi32, #tpu.memory_space<vmem>>
          %dma_start3A_69 = arith.constant 0 : i32
          %dma_start3A_70 = arith.constant 0 : i32
          %dma_start3A_71 = tpu.memref_slice %arg12[%dma_start3A_69, %dma_start3A_70] : memref<10240x128xf32, #tpu.memory_space<vmem_shared>> -> memref<10240x128xf32, #tpu.memory_space<vmem_shared>>
          tpu.enqueue_indirect_dma source(%arg9 : memref<128x128xf32, #tpu.memory_space<vmem>>) target(%dma_start3A_71 : memref<10240x128xf32, #tpu.memory_space<vmem_shared>>) offsets(%dma_start3A_68 : memref<128xi32, #tpu.memory_space<vmem>>) semaphore(%run_scoped3A : memref<!tpu.dma_semaphore, #tpu.memory_space<semaphore_mem>>) {add = true}
          %dma_wait3A_72 = arith.constant 0 : i32
          %dma_wait3A_73 = tpu.memref_slice %arg8[%mul3A_40, %dma_wait3A_72] : memref<16x128xi32, #tpu.memory_space<vmem>> -> memref<1x128xi32, #tpu.memory_space<vmem>>
          %dma_wait3A_74 = tpu.memref_squeeze %dma_wait3A_73 : memref<1x128xi32, #tpu.memory_space<vmem>> -> memref<128xi32, #tpu.memory_space<vmem>>
          %dma_wait3A_75 = arith.constant 0 : i32
          %dma_wait3A_76 = arith.constant 0 : i32
          %dma_wait3A_77 = tpu.memref_slice %arg12[%dma_wait3A_75, %dma_wait3A_76] : memref<10240x128xf32, #tpu.memory_space<vmem_shared>> -> memref<10240x128xf32, #tpu.memory_space<vmem_shared>>
          tpu.wait_indirect_dma semaphore(%run_scoped3A : memref<!tpu.dma_semaphore, #tpu.memory_space<semaphore_mem>>) src(%arg9 : memref<128x128xf32, #tpu.memory_space<vmem>>) dst(%dma_wait3A_77 : memref<10240x128xf32, #tpu.memory_space<vmem_shared>>)
          tpu.yield
        }) : () -> ()
        %dma_wait3A_55 = arith.constant 0 : i32
        %dma_wait3A_56 = arith.constant 0 : i32
        %dma_wait3A_57 = tpu.memref_slice %arg7[%dma_wait3A_55, %dma_wait3A_56] : memref<16x128xi32, #tpu.memory_space<vmem>> -> memref<1x128xi32, #tpu.memory_space<vmem>>
        %dma_wait3A_58 = tpu.memref_squeeze %dma_wait3A_57 : memref<1x128xi32, #tpu.memory_space<vmem>> -> memref<128xi32, #tpu.memory_space<vmem>>
        %dma_wait3A_59 = arith.constant 0 : i32
        %dma_wait3A_60 = arith.constant 0 : i32
        %dma_wait3A_61 = tpu.memref_slice %arg2[%dma_wait3A_59, %dma_wait3A_60] : memref<10240x128xf32, #tpu.memory_space<hbm>> -> memref<10240x128xf32, #tpu.memory_space<hbm>>
        tpu.wait_indirect_dma semaphore(%arg11 : memref<!tpu.dma_semaphore, #tpu.memory_space<semaphore_mem>>) src(%dma_wait3A_61 : memref<10240x128xf32, #tpu.memory_space<hbm>>) dst(%arg10 : memref<128x128xf32, #tpu.memory_space<vmem>>)
        %lt3A = arith.constant 7 : i32
        %lt3A_62 = arith.cmpi slt, %scan3A_38, %lt3A : i32
        %convert_element_type3A = arith.extui %lt3A_62 : i1 to i32
        %cond3A = arith.constant 0 : i32
        %cond3A_63 = arith.cmpi ne, %convert_element_type3A, %cond3A : i32
        scf.if %cond3A_63 {
          %add3A_66 = arith.constant 2 : i32
          %add3A_67 = arith.addi %mul3A_40, %add3A_66 : i32
          %dma_start3A_68 = arith.constant 0 : i32
          %dma_start3A_69 = tpu.memref_slice %arg7[%add3A_67, %dma_start3A_68] : memref<16x128xi32, #tpu.memory_space<vmem>> -> memref<1x128xi32, #tpu.memory_space<vmem>>
          %dma_start3A_70 = tpu.memref_squeeze %dma_start3A_69 : memref<1x128xi32, #tpu.memory_space<vmem>> -> memref<128xi32, #tpu.memory_space<vmem>>
          %dma_start3A_71 = arith.constant 0 : i32
          %dma_start3A_72 = arith.constant 0 : i32
          %dma_start3A_73 = tpu.memref_slice %arg2[%dma_start3A_71, %dma_start3A_72] : memref<10240x128xf32, #tpu.memory_space<hbm>> -> memref<10240x128xf32, #tpu.memory_space<hbm>>
          tpu.enqueue_indirect_dma source(%dma_start3A_73 : memref<10240x128xf32, #tpu.memory_space<hbm>>) target(%arg9 : memref<128x128xf32, #tpu.memory_space<vmem>>) offsets(%dma_start3A_70 : memref<128xi32, #tpu.memory_space<vmem>>) semaphore(%arg11 : memref<!tpu.dma_semaphore, #tpu.memory_space<semaphore_mem>>)
        } else {
        }
        %add3A_64 = arith.constant 1 : i32
        %add3A_65 = arith.addi %mul3A_40, %add3A_64 : i32
        "tpu.region"() ({
          %run_scoped3A = tpu.sem_alloc : memref<!tpu.dma_semaphore, #tpu.memory_space<semaphore_mem>>
          %dma_start3A_66 = arith.constant 0 : i32
          %dma_start3A_67 = tpu.memref_slice %arg8[%add3A_65, %dma_start3A_66] : memref<16x128xi32, #tpu.memory_space<vmem>> -> memref<1x128xi32, #tpu.memory_space<vmem>>
          %dma_start3A_68 = tpu.memref_squeeze %dma_start3A_67 : memref<1x128xi32, #tpu.memory_space<vmem>> -> memref<128xi32, #tpu.memory_space<vmem>>
          %dma_start3A_69 = arith.constant 0 : i32
          %dma_start3A_70 = arith.constant 0 : i32
          %dma_start3A_71 = tpu.memref_slice %arg12[%dma_start3A_69, %dma_start3A_70] : memref<10240x128xf32, #tpu.memory_space<vmem_shared>> -> memref<10240x128xf32, #tpu.memory_space<vmem_shared>>
          tpu.enqueue_indirect_dma source(%arg10 : memref<128x128xf32, #tpu.memory_space<vmem>>) target(%dma_start3A_71 : memref<10240x128xf32, #tpu.memory_space<vmem_shared>>) offsets(%dma_start3A_68 : memref<128xi32, #tpu.memory_space<vmem>>) semaphore(%run_scoped3A : memref<!tpu.dma_semaphore, #tpu.memory_space<semaphore_mem>>) {add = true}
          %dma_wait3A_72 = arith.constant 0 : i32
          %dma_wait3A_73 = tpu.memref_slice %arg8[%add3A_65, %dma_wait3A_72] : memref<16x128xi32, #tpu.memory_space<vmem>> -> memref<1x128xi32, #tpu.memory_space<vmem>>
          %dma_wait3A_74 = tpu.memref_squeeze %dma_wait3A_73 : memref<1x128xi32, #tpu.memory_space<vmem>> -> memref<128xi32, #tpu.memory_space<vmem>>
          %dma_wait3A_75 = arith.constant 0 : i32
          %dma_wait3A_76 = arith.constant 0 : i32
          %dma_wait3A_77 = tpu.memref_slice %arg12[%dma_wait3A_75, %dma_wait3A_76] : memref<10240x128xf32, #tpu.memory_space<vmem_shared>> -> memref<10240x128xf32, #tpu.memory_space<vmem_shared>>
          tpu.wait_indirect_dma semaphore(%run_scoped3A : memref<!tpu.dma_semaphore, #tpu.memory_space<semaphore_mem>>) src(%arg10 : memref<128x128xf32, #tpu.memory_space<vmem>>) dst(%dma_wait3A_77 : memref<10240x128xf32, #tpu.memory_space<vmem_shared>>)
          tpu.yield
        }) : () -> ()
      }
      %scan3A_37 = arith.constant 8 : i32
    }
    %while3A_17 = arith.constant 1 : i32
    scf.for %while3A_23 = %while3A_15 to %while3A_11 step %while3A_17  : i32 {
      %mul3A_24 = arith.constant 16 : i32
      %mul3A_25 = arith.muli %while3A_23, %mul3A_24 : i32
      %add3A_26 = arith.addi %select_n3A_8, %mul3A_25 : i32
      "tpu.region"() ({
        %run_scoped3A = tpu.sem_alloc : memref<!tpu.dma_semaphore, #tpu.memory_space<semaphore_mem>>
        %dma_start3A_38 = arith.constant 0 : i32
        %dma_start3A_39 = tpu.memref_slice %arg3[%add3A_26, %dma_start3A_38] : memref<2560x128xi32, #tpu.memory_space<hbm>> -> memref<16x128xi32, #tpu.memory_space<hbm>>
        %dma_start3A_40 = arith.constant 0 : i32
        %dma_start3A_41 = tpu.memref_slice %arg3[%add3A_26, %dma_start3A_40] : memref<2560x128xi32, #tpu.memory_space<hbm>> -> memref<16x128xi32, #tpu.memory_space<hbm>>
        tpu.enqueue_dma source(%dma_start3A_41 : memref<16x128xi32, #tpu.memory_space<hbm>>) target(%arg7 : memref<16x128xi32, #tpu.memory_space<vmem>>) target_semaphore(%run_scoped3A : memref<!tpu.dma_semaphore, #tpu.memory_space<semaphore_mem>>)
        %dma_wait3A = arith.constant 0 : i32
        %dma_wait3A_42 = tpu.memref_slice %arg3[%add3A_26, %dma_wait3A] : memref<2560x128xi32, #tpu.memory_space<hbm>> -> memref<16x128xi32, #tpu.memory_space<hbm>>
        %dma_wait3A_43 = arith.constant 0 : i32
        %dma_wait3A_44 = tpu.memref_slice %arg3[%add3A_26, %dma_wait3A_43] : memref<2560x128xi32, #tpu.memory_space<hbm>> -> memref<16x128xi32, #tpu.memory_space<hbm>>
        tpu.wait_dma2 semaphore(%run_scoped3A : memref<!tpu.dma_semaphore, #tpu.memory_space<semaphore_mem>>) src(%dma_wait3A_44 : memref<16x128xi32, #tpu.memory_space<hbm>>) dst(%arg7 : memref<16x128xi32, #tpu.memory_space<vmem>>)
        tpu.yield
      }) : () -> ()
      "tpu.region"() ({
        %run_scoped3A = tpu.sem_alloc : memref<!tpu.dma_semaphore, #tpu.memory_space<semaphore_mem>>
        %dma_start3A_38 = arith.constant 0 : i32
        %dma_start3A_39 = tpu.memref_slice %arg4[%add3A_26, %dma_start3A_38] : memref<2560x128xi32, #tpu.memory_space<hbm>> -> memref<16x128xi32, #tpu.memory_space<hbm>>
        %dma_start3A_40 = arith.constant 0 : i32
        %dma_start3A_41 = tpu.memref_slice %arg4[%add3A_26, %dma_start3A_40] : memref<2560x128xi32, #tpu.memory_space<hbm>> -> memref<16x128xi32, #tpu.memory_space<hbm>>
        tpu.enqueue_dma source(%dma_start3A_41 : memref<16x128xi32, #tpu.memory_space<hbm>>) target(%arg8 : memref<16x128xi32, #tpu.memory_space<vmem>>) target_semaphore(%run_scoped3A : memref<!tpu.dma_semaphore, #tpu.memory_space<semaphore_mem>>)
        %dma_wait3A = arith.constant 0 : i32
        %dma_wait3A_42 = tpu.memref_slice %arg4[%add3A_26, %dma_wait3A] : memref<2560x128xi32, #tpu.memory_space<hbm>> -> memref<16x128xi32, #tpu.memory_space<hbm>>
        %dma_wait3A_43 = arith.constant 0 : i32
        %dma_wait3A_44 = tpu.memref_slice %arg4[%add3A_26, %dma_wait3A_43] : memref<2560x128xi32, #tpu.memory_space<hbm>> -> memref<16x128xi32, #tpu.memory_space<hbm>>
        tpu.wait_dma2 semaphore(%run_scoped3A : memref<!tpu.dma_semaphore, #tpu.memory_space<semaphore_mem>>) src(%dma_wait3A_44 : memref<16x128xi32, #tpu.memory_space<hbm>>) dst(%arg8 : memref<16x128xi32, #tpu.memory_space<vmem>>)
        tpu.yield
      }) : () -> ()
      %dma_start3A = arith.constant 0 : i32
      %dma_start3A_27 = arith.constant 0 : i32
      %dma_start3A_28 = tpu.memref_slice %arg7[%dma_start3A, %dma_start3A_27] : memref<16x128xi32, #tpu.memory_space<vmem>> -> memref<1x128xi32, #tpu.memory_space<vmem>>
      %dma_start3A_29 = tpu.memref_squeeze %dma_start3A_28 : memref<1x128xi32, #tpu.memory_space<vmem>> -> memref<128xi32, #tpu.memory_space<vmem>>
      %dma_start3A_30 = arith.constant 0 : i32
      %dma_start3A_31 = arith.constant 0 : i32
      %dma_start3A_32 = tpu.memref_slice %arg2[%dma_start3A_30, %dma_start3A_31] : memref<10240x128xf32, #tpu.memory_space<hbm>> -> memref<10240x128xf32, #tpu.memory_space<hbm>>
      tpu.enqueue_indirect_dma source(%dma_start3A_32 : memref<10240x128xf32, #tpu.memory_space<hbm>>) target(%arg9 : memref<128x128xf32, #tpu.memory_space<vmem>>) offsets(%dma_start3A_29 : memref<128xi32, #tpu.memory_space<vmem>>) semaphore(%arg11 : memref<!tpu.dma_semaphore, #tpu.memory_space<semaphore_mem>>)
      %scan3A = arith.constant 0 : i32
      %scan3A_33 = arith.constant 0 : i32
      %scan3A_34 = arith.constant 8 : i32
      %scan3A_35 = arith.addi %scan3A_33, %scan3A_34 : i32
      %scan3A_36 = arith.constant 1 : i32
      scf.for %scan3A_38 = %scan3A_33 to %scan3A_35 step %scan3A_36  : i32 {
        %mul3A_39 = arith.constant 2 : i32
        %mul3A_40 = arith.muli %mul3A_39, %scan3A_38 : i32
        %dma_wait3A = arith.constant 0 : i32
        %dma_wait3A_41 = arith.constant 0 : i32
        %dma_wait3A_42 = tpu.memref_slice %arg7[%dma_wait3A, %dma_wait3A_41] : memref<16x128xi32, #tpu.memory_space<vmem>> -> memref<1x128xi32, #tpu.memory_space<vmem>>
        %dma_wait3A_43 = tpu.memref_squeeze %dma_wait3A_42 : memref<1x128xi32, #tpu.memory_space<vmem>> -> memref<128xi32, #tpu.memory_space<vmem>>
        %dma_wait3A_44 = arith.constant 0 : i32
        %dma_wait3A_45 = arith.constant 0 : i32
        %dma_wait3A_46 = tpu.memref_slice %arg2[%dma_wait3A_44, %dma_wait3A_45] : memref<10240x128xf32, #tpu.memory_space<hbm>> -> memref<10240x128xf32, #tpu.memory_space<hbm>>
        tpu.wait_indirect_dma semaphore(%arg11 : memref<!tpu.dma_semaphore, #tpu.memory_space<semaphore_mem>>) src(%dma_wait3A_46 : memref<10240x128xf32, #tpu.memory_space<hbm>>) dst(%arg9 : memref<128x128xf32, #tpu.memory_space<vmem>>)
        %add3A_47 = arith.constant 1 : i32
        %add3A_48 = arith.addi %mul3A_40, %add3A_47 : i32
        %dma_start3A_49 = arith.constant 0 : i32
        %dma_start3A_50 = tpu.memref_slice %arg7[%add3A_48, %dma_start3A_49] : memref<16x128xi32, #tpu.memory_space<vmem>> -> memref<1x128xi32, #tpu.memory_space<vmem>>
        %dma_start3A_51 = tpu.memref_squeeze %dma_start3A_50 : memref<1x128xi32, #tpu.memory_space<vmem>> -> memref<128xi32, #tpu.memory_space<vmem>>
        %dma_start3A_52 = arith.constant 0 : i32
        %dma_start3A_53 = arith.constant 0 : i32
        %dma_start3A_54 = tpu.memref_slice %arg2[%dma_start3A_52, %dma_start3A_53] : memref<10240x128xf32, #tpu.memory_space<hbm>> -> memref<10240x128xf32, #tpu.memory_space<hbm>>
        tpu.enqueue_indirect_dma source(%dma_start3A_54 : memref<10240x128xf32, #tpu.memory_space<hbm>>) target(%arg10 : memref<128x128xf32, #tpu.memory_space<vmem>>) offsets(%dma_start3A_51 : memref<128xi32, #tpu.memory_space<vmem>>) semaphore(%arg11 : memref<!tpu.dma_semaphore, #tpu.memory_space<semaphore_mem>>)
        "tpu.region"() ({
          %run_scoped3A = tpu.sem_alloc : memref<!tpu.dma_semaphore, #tpu.memory_space<semaphore_mem>>
          %dma_start3A_66 = arith.constant 0 : i32
          %dma_start3A_67 = tpu.memref_slice %arg8[%mul3A_40, %dma_start3A_66] : memref<16x128xi32, #tpu.memory_space<vmem>> -> memref<1x128xi32, #tpu.memory_space<vmem>>
          %dma_start3A_68 = tpu.memref_squeeze %dma_start3A_67 : memref<1x128xi32, #tpu.memory_space<vmem>> -> memref<128xi32, #tpu.memory_space<vmem>>
          %dma_start3A_69 = arith.constant 0 : i32
          %dma_start3A_70 = arith.constant 0 : i32
          %dma_start3A_71 = tpu.memref_slice %arg12[%dma_start3A_69, %dma_start3A_70] : memref<10240x128xf32, #tpu.memory_space<vmem_shared>> -> memref<10240x128xf32, #tpu.memory_space<vmem_shared>>
          tpu.enqueue_indirect_dma source(%arg9 : memref<128x128xf32, #tpu.memory_space<vmem>>) target(%dma_start3A_71 : memref<10240x128xf32, #tpu.memory_space<vmem_shared>>) offsets(%dma_start3A_68 : memref<128xi32, #tpu.memory_space<vmem>>) semaphore(%run_scoped3A : memref<!tpu.dma_semaphore, #tpu.memory_space<semaphore_mem>>) {add = true}
          %dma_wait3A_72 = arith.constant 0 : i32
          %dma_wait3A_73 = tpu.memref_slice %arg8[%mul3A_40, %dma_wait3A_72] : memref<16x128xi32, #tpu.memory_space<vmem>> -> memref<1x128xi32, #tpu.memory_space<vmem>>
          %dma_wait3A_74 = tpu.memref_squeeze %dma_wait3A_73 : memref<1x128xi32, #tpu.memory_space<vmem>> -> memref<128xi32, #tpu.memory_space<vmem>>
          %dma_wait3A_75 = arith.constant 0 : i32
          %dma_wait3A_76 = arith.constant 0 : i32
          %dma_wait3A_77 = tpu.memref_slice %arg12[%dma_wait3A_75, %dma_wait3A_76] : memref<10240x128xf32, #tpu.memory_space<vmem_shared>> -> memref<10240x128xf32, #tpu.memory_space<vmem_shared>>
          tpu.wait_indirect_dma semaphore(%run_scoped3A : memref<!tpu.dma_semaphore, #tpu.memory_space<semaphore_mem>>) src(%arg9 : memref<128x128xf32, #tpu.memory_space<vmem>>) dst(%dma_wait3A_77 : memref<10240x128xf32, #tpu.memory_space<vmem_shared>>)
          tpu.yield
        }) : () -> ()
        %dma_wait3A_55 = arith.constant 0 : i32
        %dma_wait3A_56 = arith.constant 0 : i32
        %dma_wait3A_57 = tpu.memref_slice %arg7[%dma_wait3A_55, %dma_wait3A_56] : memref<16x128xi32, #tpu.memory_space<vmem>> -> memref<1x128xi32, #tpu.memory_space<vmem>>
        %dma_wait3A_58 = tpu.memref_squeeze %dma_wait3A_57 : memref<1x128xi32, #tpu.memory_space<vmem>> -> memref<128xi32, #tpu.memory_space<vmem>>
        %dma_wait3A_59 = arith.constant 0 : i32
        %dma_wait3A_60 = arith.constant 0 : i32
        %dma_wait3A_61 = tpu.memref_slice %arg2[%dma_wait3A_59, %dma_wait3A_60] : memref<10240x128xf32, #tpu.memory_space<hbm>> -> memref<10240x128xf32, #tpu.memory_space<hbm>>
        tpu.wait_indirect_dma semaphore(%arg11 : memref<!tpu.dma_semaphore, #tpu.memory_space<semaphore_mem>>) src(%dma_wait3A_61 : memref<10240x128xf32, #tpu.memory_space<hbm>>) dst(%arg10 : memref<128x128xf32, #tpu.memory_space<vmem>>)
        %lt3A = arith.constant 7 : i32
        %lt3A_62 = arith.cmpi slt, %scan3A_38, %lt3A : i32
        %convert_element_type3A = arith.extui %lt3A_62 : i1 to i32
        %cond3A = arith.constant 0 : i32
        %cond3A_63 = arith.cmpi ne, %convert_element_type3A, %cond3A : i32
        scf.if %cond3A_63 {
          %add3A_66 = arith.constant 2 : i32
          %add3A_67 = arith.addi %mul3A_40, %add3A_66 : i32
          %dma_start3A_68 = arith.constant 0 : i32
          %dma_start3A_69 = tpu.memref_slice %arg7[%add3A_67, %dma_start3A_68] : memref<16x128xi32, #tpu.memory_space<vmem>> -> memref<1x128xi32, #tpu.memory_space<vmem>>
          %dma_start3A_70 = tpu.memref_squeeze %dma_start3A_69 : memref<1x128xi32, #tpu.memory_space<vmem>> -> memref<128xi32, #tpu.memory_space<vmem>>
          %dma_start3A_71 = arith.constant 0 : i32
          %dma_start3A_72 = arith.constant 0 : i32
          %dma_start3A_73 = tpu.memref_slice %arg2[%dma_start3A_71, %dma_start3A_72] : memref<10240x128xf32, #tpu.memory_space<hbm>> -> memref<10240x128xf32, #tpu.memory_space<hbm>>
          tpu.enqueue_indirect_dma source(%dma_start3A_73 : memref<10240x128xf32, #tpu.memory_space<hbm>>) target(%arg9 : memref<128x128xf32, #tpu.memory_space<vmem>>) offsets(%dma_start3A_70 : memref<128xi32, #tpu.memory_space<vmem>>) semaphore(%arg11 : memref<!tpu.dma_semaphore, #tpu.memory_space<semaphore_mem>>)
        } else {
        }
        %add3A_64 = arith.constant 1 : i32
        %add3A_65 = arith.addi %mul3A_40, %add3A_64 : i32
        "tpu.region"() ({
          %run_scoped3A = tpu.sem_alloc : memref<!tpu.dma_semaphore, #tpu.memory_space<semaphore_mem>>
          %dma_start3A_66 = arith.constant 0 : i32
          %dma_start3A_67 = tpu.memref_slice %arg8[%add3A_65, %dma_start3A_66] : memref<16x128xi32, #tpu.memory_space<vmem>> -> memref<1x128xi32, #tpu.memory_space<vmem>>
          %dma_start3A_68 = tpu.memref_squeeze %dma_start3A_67 : memref<1x128xi32, #tpu.memory_space<vmem>> -> memref<128xi32, #tpu.memory_space<vmem>>
          %dma_start3A_69 = arith.constant 0 : i32
          %dma_start3A_70 = arith.constant 0 : i32
          %dma_start3A_71 = tpu.memref_slice %arg12[%dma_start3A_69, %dma_start3A_70] : memref<10240x128xf32, #tpu.memory_space<vmem_shared>> -> memref<10240x128xf32, #tpu.memory_space<vmem_shared>>
          tpu.enqueue_indirect_dma source(%arg10 : memref<128x128xf32, #tpu.memory_space<vmem>>) target(%dma_start3A_71 : memref<10240x128xf32, #tpu.memory_space<vmem_shared>>) offsets(%dma_start3A_68 : memref<128xi32, #tpu.memory_space<vmem>>) semaphore(%run_scoped3A : memref<!tpu.dma_semaphore, #tpu.memory_space<semaphore_mem>>) {add = true}
          %dma_wait3A_72 = arith.constant 0 : i32
          %dma_wait3A_73 = tpu.memref_slice %arg8[%add3A_65, %dma_wait3A_72] : memref<16x128xi32, #tpu.memory_space<vmem>> -> memref<1x128xi32, #tpu.memory_space<vmem>>
          %dma_wait3A_74 = tpu.memref_squeeze %dma_wait3A_73 : memref<1x128xi32, #tpu.memory_space<vmem>> -> memref<128xi32, #tpu.memory_space<vmem>>
          %dma_wait3A_75 = arith.constant 0 : i32
          %dma_wait3A_76 = arith.constant 0 : i32
          %dma_wait3A_77 = tpu.memref_slice %arg12[%dma_wait3A_75, %dma_wait3A_76] : memref<10240x128xf32, #tpu.memory_space<vmem_shared>> -> memref<10240x128xf32, #tpu.memory_space<vmem_shared>>
          tpu.wait_indirect_dma semaphore(%run_scoped3A : memref<!tpu.dma_semaphore, #tpu.memory_space<semaphore_mem>>) src(%arg10 : memref<128x128xf32, #tpu.memory_space<vmem>>) dst(%dma_wait3A_77 : memref<10240x128xf32, #tpu.memory_space<vmem_shared>>)
          tpu.yield
        }) : () -> ()
      }
      %scan3A_37 = arith.constant 8 : i32
    }
    %barrier3A_18 = arith.constant 0 : index
    tpu.barrier barrier_id(%barrier3A_18)
    %mul3A_19 = arith.constant 640 : i32
    %mul3A_20 = arith.muli %arg1, %mul3A_19 : i32
    %mul3A_21 = arith.constant 640 : i32
    %mul3A_22 = arith.muli %arg1, %mul3A_21 : i32
    "tpu.region"() ({
      %run_scoped3A = tpu.sem_alloc : memref<!tpu.dma_semaphore, #tpu.memory_space<semaphore_mem>>
      %dma_start3A = arith.constant 0 : i32
      %dma_start3A_23 = arith.constant 0 : i32
      %dma_start3A_24 = tpu.memref_slice %arg6[%arg0, %dma_start3A, %dma_start3A_23] : memref<2x10240x128xf32, #tpu.memory_space<hbm>> -> memref<1x10240x128xf32, #tpu.memory_space<hbm>>
      %dma_start3A_25 = tpu.memref_squeeze %dma_start3A_24 : memref<1x10240x128xf32, #tpu.memory_space<hbm>> -> memref<10240x128xf32, #tpu.memory_space<hbm>>
      %dma_start3A_26 = arith.constant 0 : i32
      %dma_start3A_27 = tpu.memref_slice %dma_start3A_25[%mul3A_22, %dma_start3A_26] : memref<10240x128xf32, #tpu.memory_space<hbm>> -> memref<640x128xf32, #tpu.memory_space<hbm>>
      %dma_start3A_28 = arith.constant 0 : i32
      %dma_start3A_29 = tpu.memref_slice %arg12[%mul3A_20, %dma_start3A_28] : memref<10240x128xf32, #tpu.memory_space<vmem_shared>> -> memref<640x128xf32, #tpu.memory_space<vmem_shared>>
      tpu.enqueue_dma source(%dma_start3A_29 : memref<640x128xf32, #tpu.memory_space<vmem_shared>>) target(%dma_start3A_27 : memref<640x128xf32, #tpu.memory_space<hbm>>) target_semaphore(%run_scoped3A : memref<!tpu.dma_semaphore, #tpu.memory_space<semaphore_mem>>)
      %dma_wait3A = arith.constant 0 : i32
      %dma_wait3A_30 = arith.constant 0 : i32
      %dma_wait3A_31 = tpu.memref_slice %arg6[%arg0, %dma_wait3A, %dma_wait3A_30] : memref<2x10240x128xf32, #tpu.memory_space<hbm>> -> memref<1x10240x128xf32, #tpu.memory_space<hbm>>
      %dma_wait3A_32 = tpu.memref_squeeze %dma_wait3A_31 : memref<1x10240x128xf32, #tpu.memory_space<hbm>> -> memref<10240x128xf32, #tpu.memory_space<hbm>>
      %dma_wait3A_33 = arith.constant 0 : i32
      %dma_wait3A_34 = tpu.memref_slice %dma_wait3A_32[%mul3A_22, %dma_wait3A_33] : memref<10240x128xf32, #tpu.memory_space<hbm>> -> memref<640x128xf32, #tpu.memory_space<hbm>>
      %dma_wait3A_35 = arith.constant 0 : i32
      %dma_wait3A_36 = tpu.memref_slice %arg12[%mul3A_20, %dma_wait3A_35] : memref<10240x128xf32, #tpu.memory_space<vmem_shared>> -> memref<640x128xf32, #tpu.memory_space<vmem_shared>>
      tpu.wait_dma2 semaphore(%run_scoped3A : memref<!tpu.dma_semaphore, #tpu.memory_space<semaphore_mem>>) src(%dma_wait3A_36 : memref<640x128xf32, #tpu.memory_space<vmem_shared>>) dst(%dma_wait3A_34 : memref<640x128xf32, #tpu.memory_space<hbm>>)
      tpu.yield
    }) : () -> ()
    return
  }
}

#map = affine_map<(d0, d1) -> (0, 0)>
#map1 = affine_map<(d0, d1) -> (0, 0, 0)>
module attributes {stable_mosaic.version = 14 : i64} {
  func.func @_deg(%arg0: i32, %arg1: i32, %arg2: memref<2560x128xi32, #tpu.memory_space<hbm>>, %arg3: memref<128x128xf32, #tpu.memory_space<hbm>>, %arg4: memref<640x128xf32, #tpu.memory_space<hbm>>, %arg5: memref<2x10240x128xf32, #tpu.memory_space<hbm>>, %arg6: memref<80x128xi32, #tpu.memory_space<vmem>>, %arg7: memref<128x128xf32, #tpu.memory_space<vmem>>, %arg8: memref<10240x128xf32, #tpu.memory_space<vmem_shared>>) attributes {dimension_semantics = [#tpu.dimension_semantics<core_parallel>, #tpu.dimension_semantics<subcore_parallel>], iteration_bounds = array<i64: 2, 16>, scalar_prefetch = 0 : i64, scratch_operands = 3 : i64, tpu.core_type = #tpu.core_type<sc_vector_subcore>, window_params = [{transform_indices = #map}, {transform_indices = #map}, {transform_indices = #map}, {transform_indices = #map1}]} {
    %mul3A = arith.constant 2 : i32
    %mul3A_0 = arith.muli %arg1, %mul3A : i32
    %add3A = arith.addi %mul3A_0, %arg0 : i32
    %mul3A_1 = arith.constant 640 : i32
    %mul3A_2 = arith.muli %arg1, %mul3A_1 : i32
    "tpu.region"() ({
      %run_scoped3A = tpu.sem_alloc : memref<!tpu.dma_semaphore, #tpu.memory_space<semaphore_mem>>
      %dma_start3A = arith.constant 0 : i32
      %dma_start3A_15 = tpu.memref_slice %arg8[%mul3A_2, %dma_start3A] : memref<10240x128xf32, #tpu.memory_space<vmem_shared>> -> memref<640x128xf32, #tpu.memory_space<vmem_shared>>
      tpu.enqueue_dma source(%arg4 : memref<640x128xf32, #tpu.memory_space<hbm>>) target(%dma_start3A_15 : memref<640x128xf32, #tpu.memory_space<vmem_shared>>) target_semaphore(%run_scoped3A : memref<!tpu.dma_semaphore, #tpu.memory_space<semaphore_mem>>)
      %dma_wait3A = arith.constant 0 : i32
      %dma_wait3A_16 = tpu.memref_slice %arg8[%mul3A_2, %dma_wait3A] : memref<10240x128xf32, #tpu.memory_space<vmem_shared>> -> memref<640x128xf32, #tpu.memory_space<vmem_shared>>
      tpu.wait_dma2 semaphore(%run_scoped3A : memref<!tpu.dma_semaphore, #tpu.memory_space<semaphore_mem>>) src(%arg4 : memref<640x128xf32, #tpu.memory_space<hbm>>) dst(%dma_wait3A_16 : memref<640x128xf32, #tpu.memory_space<vmem_shared>>)
      tpu.yield
    }) : () -> ()
    "tpu.region"() ({
      %run_scoped3A = tpu.sem_alloc : memref<!tpu.dma_semaphore, #tpu.memory_space<semaphore_mem>>
      tpu.enqueue_dma source(%arg3 : memref<128x128xf32, #tpu.memory_space<hbm>>) target(%arg7 : memref<128x128xf32, #tpu.memory_space<vmem>>) target_semaphore(%run_scoped3A : memref<!tpu.dma_semaphore, #tpu.memory_space<semaphore_mem>>)
      tpu.wait_dma2 semaphore(%run_scoped3A : memref<!tpu.dma_semaphore, #tpu.memory_space<semaphore_mem>>) src(%arg3 : memref<128x128xf32, #tpu.memory_space<hbm>>) dst(%arg7 : memref<128x128xf32, #tpu.memory_space<vmem>>)
      tpu.yield
    }) : () -> ()
    %mul3A_3 = arith.constant 80 : i32
    %mul3A_4 = arith.muli %add3A, %mul3A_3 : i32
    "tpu.region"() ({
      %run_scoped3A = tpu.sem_alloc : memref<!tpu.dma_semaphore, #tpu.memory_space<semaphore_mem>>
      %dma_start3A = arith.constant 0 : i32
      %dma_start3A_15 = tpu.memref_slice %arg2[%mul3A_4, %dma_start3A] : memref<2560x128xi32, #tpu.memory_space<hbm>> -> memref<80x128xi32, #tpu.memory_space<hbm>>
      %dma_start3A_16 = arith.constant 0 : i32
      %dma_start3A_17 = tpu.memref_slice %arg2[%mul3A_4, %dma_start3A_16] : memref<2560x128xi32, #tpu.memory_space<hbm>> -> memref<80x128xi32, #tpu.memory_space<hbm>>
      tpu.enqueue_dma source(%dma_start3A_17 : memref<80x128xi32, #tpu.memory_space<hbm>>) target(%arg6 : memref<80x128xi32, #tpu.memory_space<vmem>>) target_semaphore(%run_scoped3A : memref<!tpu.dma_semaphore, #tpu.memory_space<semaphore_mem>>)
      %dma_wait3A = arith.constant 0 : i32
      %dma_wait3A_18 = tpu.memref_slice %arg2[%mul3A_4, %dma_wait3A] : memref<2560x128xi32, #tpu.memory_space<hbm>> -> memref<80x128xi32, #tpu.memory_space<hbm>>
      %dma_wait3A_19 = arith.constant 0 : i32
      %dma_wait3A_20 = tpu.memref_slice %arg2[%mul3A_4, %dma_wait3A_19] : memref<2560x128xi32, #tpu.memory_space<hbm>> -> memref<80x128xi32, #tpu.memory_space<hbm>>
      tpu.wait_dma2 semaphore(%run_scoped3A : memref<!tpu.dma_semaphore, #tpu.memory_space<semaphore_mem>>) src(%dma_wait3A_20 : memref<80x128xi32, #tpu.memory_space<hbm>>) dst(%arg6 : memref<80x128xi32, #tpu.memory_space<vmem>>)
      tpu.yield
    }) : () -> ()
    %barrier3A = arith.constant 0 : index
    tpu.barrier barrier_id(%barrier3A)
    %scan3A = arith.constant 0 : i32
    %scan3A_5 = arith.constant 0 : i32
    %scan3A_6 = arith.constant 80 : i32
    %scan3A_7 = arith.addi %scan3A_5, %scan3A_6 : i32
    %scan3A_8 = arith.constant 1 : i32
    scf.for %scan3A_15 = %scan3A_5 to %scan3A_7 step %scan3A_8  : i32 {
      "tpu.region"() ({
        %run_scoped3A = tpu.sem_alloc : memref<!tpu.dma_semaphore, #tpu.memory_space<semaphore_mem>>
        %dma_start3A = arith.constant 0 : i32
        %dma_start3A_16 = tpu.memref_slice %arg6[%scan3A_15, %dma_start3A] : memref<80x128xi32, #tpu.memory_space<vmem>> -> memref<1x128xi32, #tpu.memory_space<vmem>>
        %dma_start3A_17 = tpu.memref_squeeze %dma_start3A_16 : memref<1x128xi32, #tpu.memory_space<vmem>> -> memref<128xi32, #tpu.memory_space<vmem>>
        %dma_start3A_18 = arith.constant 0 : i32
        %dma_start3A_19 = arith.constant 0 : i32
        %dma_start3A_20 = tpu.memref_slice %arg8[%dma_start3A_18, %dma_start3A_19] : memref<10240x128xf32, #tpu.memory_space<vmem_shared>> -> memref<10240x128xf32, #tpu.memory_space<vmem_shared>>
        tpu.enqueue_indirect_dma source(%arg7 : memref<128x128xf32, #tpu.memory_space<vmem>>) target(%dma_start3A_20 : memref<10240x128xf32, #tpu.memory_space<vmem_shared>>) offsets(%dma_start3A_17 : memref<128xi32, #tpu.memory_space<vmem>>) semaphore(%run_scoped3A : memref<!tpu.dma_semaphore, #tpu.memory_space<semaphore_mem>>) {add = true}
        %dma_wait3A = arith.constant 0 : i32
        %dma_wait3A_21 = tpu.memref_slice %arg6[%scan3A_15, %dma_wait3A] : memref<80x128xi32, #tpu.memory_space<vmem>> -> memref<1x128xi32, #tpu.memory_space<vmem>>
        %dma_wait3A_22 = tpu.memref_squeeze %dma_wait3A_21 : memref<1x128xi32, #tpu.memory_space<vmem>> -> memref<128xi32, #tpu.memory_space<vmem>>
        %dma_wait3A_23 = arith.constant 0 : i32
        %dma_wait3A_24 = arith.constant 0 : i32
        %dma_wait3A_25 = tpu.memref_slice %arg8[%dma_wait3A_23, %dma_wait3A_24] : memref<10240x128xf32, #tpu.memory_space<vmem_shared>> -> memref<10240x128xf32, #tpu.memory_space<vmem_shared>>
        tpu.wait_indirect_dma semaphore(%run_scoped3A : memref<!tpu.dma_semaphore, #tpu.memory_space<semaphore_mem>>) src(%arg7 : memref<128x128xf32, #tpu.memory_space<vmem>>) dst(%dma_wait3A_25 : memref<10240x128xf32, #tpu.memory_space<vmem_shared>>)
        tpu.yield
      }) : () -> ()
    }
    %scan3A_9 = arith.constant 80 : i32
    %barrier3A_10 = arith.constant 0 : index
    tpu.barrier barrier_id(%barrier3A_10)
    %mul3A_11 = arith.constant 640 : i32
    %mul3A_12 = arith.muli %arg1, %mul3A_11 : i32
    %mul3A_13 = arith.constant 640 : i32
    %mul3A_14 = arith.muli %arg1, %mul3A_13 : i32
    "tpu.region"() ({
      %run_scoped3A = tpu.sem_alloc : memref<!tpu.dma_semaphore, #tpu.memory_space<semaphore_mem>>
      %dma_start3A = arith.constant 0 : i32
      %dma_start3A_15 = arith.constant 0 : i32
      %dma_start3A_16 = tpu.memref_slice %arg5[%arg0, %dma_start3A, %dma_start3A_15] : memref<2x10240x128xf32, #tpu.memory_space<hbm>> -> memref<1x10240x128xf32, #tpu.memory_space<hbm>>
      %dma_start3A_17 = tpu.memref_squeeze %dma_start3A_16 : memref<1x10240x128xf32, #tpu.memory_space<hbm>> -> memref<10240x128xf32, #tpu.memory_space<hbm>>
      %dma_start3A_18 = arith.constant 0 : i32
      %dma_start3A_19 = tpu.memref_slice %dma_start3A_17[%mul3A_14, %dma_start3A_18] : memref<10240x128xf32, #tpu.memory_space<hbm>> -> memref<640x128xf32, #tpu.memory_space<hbm>>
      %dma_start3A_20 = arith.constant 0 : i32
      %dma_start3A_21 = tpu.memref_slice %arg8[%mul3A_12, %dma_start3A_20] : memref<10240x128xf32, #tpu.memory_space<vmem_shared>> -> memref<640x128xf32, #tpu.memory_space<vmem_shared>>
      tpu.enqueue_dma source(%dma_start3A_21 : memref<640x128xf32, #tpu.memory_space<vmem_shared>>) target(%dma_start3A_19 : memref<640x128xf32, #tpu.memory_space<hbm>>) target_semaphore(%run_scoped3A : memref<!tpu.dma_semaphore, #tpu.memory_space<semaphore_mem>>)
      %dma_wait3A = arith.constant 0 : i32
      %dma_wait3A_22 = arith.constant 0 : i32
      %dma_wait3A_23 = tpu.memref_slice %arg5[%arg0, %dma_wait3A, %dma_wait3A_22] : memref<2x10240x128xf32, #tpu.memory_space<hbm>> -> memref<1x10240x128xf32, #tpu.memory_space<hbm>>
      %dma_wait3A_24 = tpu.memref_squeeze %dma_wait3A_23 : memref<1x10240x128xf32, #tpu.memory_space<hbm>> -> memref<10240x128xf32, #tpu.memory_space<hbm>>
      %dma_wait3A_25 = arith.constant 0 : i32
      %dma_wait3A_26 = tpu.memref_slice %dma_wait3A_24[%mul3A_14, %dma_wait3A_25] : memref<10240x128xf32, #tpu.memory_space<hbm>> -> memref<640x128xf32, #tpu.memory_space<hbm>>
      %dma_wait3A_27 = arith.constant 0 : i32
      %dma_wait3A_28 = tpu.memref_slice %arg8[%mul3A_12, %dma_wait3A_27] : memref<10240x128xf32, #tpu.memory_space<vmem_shared>> -> memref<640x128xf32, #tpu.memory_space<vmem_shared>>
      tpu.wait_dma2 semaphore(%run_scoped3A : memref<!tpu.dma_semaphore, #tpu.memory_space<semaphore_mem>>) src(%dma_wait3A_28 : memref<640x128xf32, #tpu.memory_space<vmem_shared>>) dst(%dma_wait3A_26 : memref<640x128xf32, #tpu.memory_space<hbm>>)
      tpu.yield
    }) : () -> ()
    return
  }
}

#map = affine_map<(d0, d1) -> (0, 0)>
#map1 = affine_map<(d0, d1) -> (0, 0, 0)>
module attributes {stable_mosaic.version = 14 : i64} {
  func.func @_sc_spmm(%arg0: i32, %arg1: i32, %arg2: memref<10240x128xf32, #tpu.memory_space<hbm>>, %arg3: memref<2560x128xi32, #tpu.memory_space<hbm>>, %arg4: memref<2560x128xi32, #tpu.memory_space<hbm>>, %arg5: memref<640x128xf32, #tpu.memory_space<hbm>>, %arg6: memref<2x10240x128xf32, #tpu.memory_space<hbm>>, %arg7: memref<16x128xi32, #tpu.memory_space<vmem>>, %arg8: memref<16x128xi32, #tpu.memory_space<vmem>>, %arg9: memref<128x128xf32, #tpu.memory_space<vmem>>, %arg10: memref<128x128xf32, #tpu.memory_space<vmem>>, %arg11: memref<!tpu.dma_semaphore, #tpu.memory_space<semaphore_mem>>, %arg12: memref<10240x128xf32, #tpu.memory_space<vmem_shared>>) attributes {dimension_semantics = [#tpu.dimension_semantics<core_parallel>, #tpu.dimension_semantics<subcore_parallel>], iteration_bounds = array<i64: 2, 16>, scalar_prefetch = 0 : i64, scratch_operands = 6 : i64, tpu.core_type = #tpu.core_type<sc_vector_subcore>, window_params = [{transform_indices = #map}, {transform_indices = #map}, {transform_indices = #map}, {transform_indices = #map}, {transform_indices = #map1}]} {
    %mul3A = arith.constant 640 : i32
    %mul3A_0 = arith.muli %arg1, %mul3A : i32
    "tpu.region"() ({
      %run_scoped3A = tpu.sem_alloc : memref<!tpu.dma_semaphore, #tpu.memory_space<semaphore_mem>>
      %dma_start3A = arith.constant 0 : i32
      %dma_start3A_23 = tpu.memref_slice %arg12[%mul3A_0, %dma_start3A] : memref<10240x128xf32, #tpu.memory_space<vmem_shared>> -> memref<640x128xf32, #tpu.memory_space<vmem_shared>>
      tpu.enqueue_dma source(%arg5 : memref<640x128xf32, #tpu.memory_space<hbm>>) target(%dma_start3A_23 : memref<640x128xf32, #tpu.memory_space<vmem_shared>>) target_semaphore(%run_scoped3A : memref<!tpu.dma_semaphore, #tpu.memory_space<semaphore_mem>>)
      %dma_wait3A = arith.constant 0 : i32
      %dma_wait3A_24 = tpu.memref_slice %arg12[%mul3A_0, %dma_wait3A] : memref<10240x128xf32, #tpu.memory_space<vmem_shared>> -> memref<640x128xf32, #tpu.memory_space<vmem_shared>>
      tpu.wait_dma2 semaphore(%run_scoped3A : memref<!tpu.dma_semaphore, #tpu.memory_space<semaphore_mem>>) src(%arg5 : memref<640x128xf32, #tpu.memory_space<hbm>>) dst(%dma_wait3A_24 : memref<640x128xf32, #tpu.memory_space<vmem_shared>>)
      tpu.yield
    }) : () -> ()
    %barrier3A = arith.constant 0 : index
    tpu.barrier barrier_id(%barrier3A)
    %eq3A = arith.constant 0 : i32
    %eq3A_1 = arith.cmpi eq, %arg0, %eq3A : i32
    %jit3A = arith.constant 9 : i32
    %jit3A_2 = arith.constant 1 : i32
    %select_n3A = arith.select %eq3A_1, %jit3A, %jit3A_2 : i32
    %mul3A_3 = arith.constant 144 : i32
    %mul3A_4 = arith.muli %arg1, %mul3A_3 : i32
    %mul3A_5 = arith.constant 16 : i32
    %mul3A_6 = arith.muli %arg1, %mul3A_5 : i32
    %add3A = arith.constant 2304 : i32
    %add3A_7 = arith.addi %add3A, %mul3A_6 : i32
    %select_n3A_8 = arith.select %eq3A_1, %mul3A_4, %add3A_7 : i32
    %while3A = arith.constant 0 : i32
    %while3A_9 = arith.constant 0 : i32
    %while3A_10 = arith.subi %select_n3A, %while3A_9 : i32
    %while3A_11 = arith.addi %while3A_9, %while3A_10 : i32
    %while3A_12 = arith.constant 1 : i32
    %while3A_13 = arith.divsi %while3A_10, %while3A_12 : i32
    %while3A_14 = arith.muli %while3A_13, %while3A_12 : i32
    %while3A_15 = arith.addi %while3A_9, %while3A_14 : i32
    %while3A_16 = arith.constant 1 : i32
    scf.for %while3A_23 = %while3A_9 to %while3A_15 step %while3A_16  : i32 {
      %mul3A_24 = arith.constant 16 : i32
      %mul3A_25 = arith.muli %while3A_23, %mul3A_24 : i32
      %add3A_26 = arith.addi %select_n3A_8, %mul3A_25 : i32
      "tpu.region"() ({
        %run_scoped3A = tpu.sem_alloc : memref<!tpu.dma_semaphore, #tpu.memory_space<semaphore_mem>>
        %dma_start3A_38 = arith.constant 0 : i32
        %dma_start3A_39 = tpu.memref_slice %arg3[%add3A_26, %dma_start3A_38] : memref<2560x128xi32, #tpu.memory_space<hbm>> -> memref<16x128xi32, #tpu.memory_space<hbm>>
        %dma_start3A_40 = arith.constant 0 : i32
        %dma_start3A_41 = tpu.memref_slice %arg3[%add3A_26, %dma_start3A_40] : memref<2560x128xi32, #tpu.memory_space<hbm>> -> memref<16x128xi32, #tpu.memory_space<hbm>>
        tpu.enqueue_dma source(%dma_start3A_41 : memref<16x128xi32, #tpu.memory_space<hbm>>) target(%arg7 : memref<16x128xi32, #tpu.memory_space<vmem>>) target_semaphore(%run_scoped3A : memref<!tpu.dma_semaphore, #tpu.memory_space<semaphore_mem>>)
        %dma_wait3A = arith.constant 0 : i32
        %dma_wait3A_42 = tpu.memref_slice %arg3[%add3A_26, %dma_wait3A] : memref<2560x128xi32, #tpu.memory_space<hbm>> -> memref<16x128xi32, #tpu.memory_space<hbm>>
        %dma_wait3A_43 = arith.constant 0 : i32
        %dma_wait3A_44 = tpu.memref_slice %arg3[%add3A_26, %dma_wait3A_43] : memref<2560x128xi32, #tpu.memory_space<hbm>> -> memref<16x128xi32, #tpu.memory_space<hbm>>
        tpu.wait_dma2 semaphore(%run_scoped3A : memref<!tpu.dma_semaphore, #tpu.memory_space<semaphore_mem>>) src(%dma_wait3A_44 : memref<16x128xi32, #tpu.memory_space<hbm>>) dst(%arg7 : memref<16x128xi32, #tpu.memory_space<vmem>>)
        tpu.yield
      }) : () -> ()
      "tpu.region"() ({
        %run_scoped3A = tpu.sem_alloc : memref<!tpu.dma_semaphore, #tpu.memory_space<semaphore_mem>>
        %dma_start3A_38 = arith.constant 0 : i32
        %dma_start3A_39 = tpu.memref_slice %arg4[%add3A_26, %dma_start3A_38] : memref<2560x128xi32, #tpu.memory_space<hbm>> -> memref<16x128xi32, #tpu.memory_space<hbm>>
        %dma_start3A_40 = arith.constant 0 : i32
        %dma_start3A_41 = tpu.memref_slice %arg4[%add3A_26, %dma_start3A_40] : memref<2560x128xi32, #tpu.memory_space<hbm>> -> memref<16x128xi32, #tpu.memory_space<hbm>>
        tpu.enqueue_dma source(%dma_start3A_41 : memref<16x128xi32, #tpu.memory_space<hbm>>) target(%arg8 : memref<16x128xi32, #tpu.memory_space<vmem>>) target_semaphore(%run_scoped3A : memref<!tpu.dma_semaphore, #tpu.memory_space<semaphore_mem>>)
        %dma_wait3A = arith.constant 0 : i32
        %dma_wait3A_42 = tpu.memref_slice %arg4[%add3A_26, %dma_wait3A] : memref<2560x128xi32, #tpu.memory_space<hbm>> -> memref<16x128xi32, #tpu.memory_space<hbm>>
        %dma_wait3A_43 = arith.constant 0 : i32
        %dma_wait3A_44 = tpu.memref_slice %arg4[%add3A_26, %dma_wait3A_43] : memref<2560x128xi32, #tpu.memory_space<hbm>> -> memref<16x128xi32, #tpu.memory_space<hbm>>
        tpu.wait_dma2 semaphore(%run_scoped3A : memref<!tpu.dma_semaphore, #tpu.memory_space<semaphore_mem>>) src(%dma_wait3A_44 : memref<16x128xi32, #tpu.memory_space<hbm>>) dst(%arg8 : memref<16x128xi32, #tpu.memory_space<vmem>>)
        tpu.yield
      }) : () -> ()
      %dma_start3A = arith.constant 0 : i32
      %dma_start3A_27 = arith.constant 0 : i32
      %dma_start3A_28 = tpu.memref_slice %arg7[%dma_start3A, %dma_start3A_27] : memref<16x128xi32, #tpu.memory_space<vmem>> -> memref<1x128xi32, #tpu.memory_space<vmem>>
      %dma_start3A_29 = tpu.memref_squeeze %dma_start3A_28 : memref<1x128xi32, #tpu.memory_space<vmem>> -> memref<128xi32, #tpu.memory_space<vmem>>
      %dma_start3A_30 = arith.constant 0 : i32
      %dma_start3A_31 = arith.constant 0 : i32
      %dma_start3A_32 = tpu.memref_slice %arg2[%dma_start3A_30, %dma_start3A_31] : memref<10240x128xf32, #tpu.memory_space<hbm>> -> memref<10240x128xf32, #tpu.memory_space<hbm>>
      tpu.enqueue_indirect_dma source(%dma_start3A_32 : memref<10240x128xf32, #tpu.memory_space<hbm>>) target(%arg9 : memref<128x128xf32, #tpu.memory_space<vmem>>) offsets(%dma_start3A_29 : memref<128xi32, #tpu.memory_space<vmem>>) semaphore(%arg11 : memref<!tpu.dma_semaphore, #tpu.memory_space<semaphore_mem>>)
      %scan3A = arith.constant 0 : i32
      %scan3A_33 = arith.constant 0 : i32
      %scan3A_34 = arith.constant 8 : i32
      %scan3A_35 = arith.addi %scan3A_33, %scan3A_34 : i32
      %scan3A_36 = arith.constant 1 : i32
      scf.for %scan3A_38 = %scan3A_33 to %scan3A_35 step %scan3A_36  : i32 {
        %mul3A_39 = arith.constant 2 : i32
        %mul3A_40 = arith.muli %mul3A_39, %scan3A_38 : i32
        %dma_wait3A = arith.constant 0 : i32
        %dma_wait3A_41 = arith.constant 0 : i32
        %dma_wait3A_42 = tpu.memref_slice %arg7[%dma_wait3A, %dma_wait3A_41] : memref<16x128xi32, #tpu.memory_space<vmem>> -> memref<1x128xi32, #tpu.memory_space<vmem>>
        %dma_wait3A_43 = tpu.memref_squeeze %dma_wait3A_42 : memref<1x128xi32, #tpu.memory_space<vmem>> -> memref<128xi32, #tpu.memory_space<vmem>>
        %dma_wait3A_44 = arith.constant 0 : i32
        %dma_wait3A_45 = arith.constant 0 : i32
        %dma_wait3A_46 = tpu.memref_slice %arg2[%dma_wait3A_44, %dma_wait3A_45] : memref<10240x128xf32, #tpu.memory_space<hbm>> -> memref<10240x128xf32, #tpu.memory_space<hbm>>
        tpu.wait_indirect_dma semaphore(%arg11 : memref<!tpu.dma_semaphore, #tpu.memory_space<semaphore_mem>>) src(%dma_wait3A_46 : memref<10240x128xf32, #tpu.memory_space<hbm>>) dst(%arg9 : memref<128x128xf32, #tpu.memory_space<vmem>>)
        %add3A_47 = arith.constant 1 : i32
        %add3A_48 = arith.addi %mul3A_40, %add3A_47 : i32
        %dma_start3A_49 = arith.constant 0 : i32
        %dma_start3A_50 = tpu.memref_slice %arg7[%add3A_48, %dma_start3A_49] : memref<16x128xi32, #tpu.memory_space<vmem>> -> memref<1x128xi32, #tpu.memory_space<vmem>>
        %dma_start3A_51 = tpu.memref_squeeze %dma_start3A_50 : memref<1x128xi32, #tpu.memory_space<vmem>> -> memref<128xi32, #tpu.memory_space<vmem>>
        %dma_start3A_52 = arith.constant 0 : i32
        %dma_start3A_53 = arith.constant 0 : i32
        %dma_start3A_54 = tpu.memref_slice %arg2[%dma_start3A_52, %dma_start3A_53] : memref<10240x128xf32, #tpu.memory_space<hbm>> -> memref<10240x128xf32, #tpu.memory_space<hbm>>
        tpu.enqueue_indirect_dma source(%dma_start3A_54 : memref<10240x128xf32, #tpu.memory_space<hbm>>) target(%arg10 : memref<128x128xf32, #tpu.memory_space<vmem>>) offsets(%dma_start3A_51 : memref<128xi32, #tpu.memory_space<vmem>>) semaphore(%arg11 : memref<!tpu.dma_semaphore, #tpu.memory_space<semaphore_mem>>)
        "tpu.region"() ({
          %run_scoped3A = tpu.sem_alloc : memref<!tpu.dma_semaphore, #tpu.memory_space<semaphore_mem>>
          %dma_start3A_66 = arith.constant 0 : i32
          %dma_start3A_67 = tpu.memref_slice %arg8[%mul3A_40, %dma_start3A_66] : memref<16x128xi32, #tpu.memory_space<vmem>> -> memref<1x128xi32, #tpu.memory_space<vmem>>
          %dma_start3A_68 = tpu.memref_squeeze %dma_start3A_67 : memref<1x128xi32, #tpu.memory_space<vmem>> -> memref<128xi32, #tpu.memory_space<vmem>>
          %dma_start3A_69 = arith.constant 0 : i32
          %dma_start3A_70 = arith.constant 0 : i32
          %dma_start3A_71 = tpu.memref_slice %arg12[%dma_start3A_69, %dma_start3A_70] : memref<10240x128xf32, #tpu.memory_space<vmem_shared>> -> memref<10240x128xf32, #tpu.memory_space<vmem_shared>>
          tpu.enqueue_indirect_dma source(%arg9 : memref<128x128xf32, #tpu.memory_space<vmem>>) target(%dma_start3A_71 : memref<10240x128xf32, #tpu.memory_space<vmem_shared>>) offsets(%dma_start3A_68 : memref<128xi32, #tpu.memory_space<vmem>>) semaphore(%run_scoped3A : memref<!tpu.dma_semaphore, #tpu.memory_space<semaphore_mem>>) {add = true}
          %dma_wait3A_72 = arith.constant 0 : i32
          %dma_wait3A_73 = tpu.memref_slice %arg8[%mul3A_40, %dma_wait3A_72] : memref<16x128xi32, #tpu.memory_space<vmem>> -> memref<1x128xi32, #tpu.memory_space<vmem>>
          %dma_wait3A_74 = tpu.memref_squeeze %dma_wait3A_73 : memref<1x128xi32, #tpu.memory_space<vmem>> -> memref<128xi32, #tpu.memory_space<vmem>>
          %dma_wait3A_75 = arith.constant 0 : i32
          %dma_wait3A_76 = arith.constant 0 : i32
          %dma_wait3A_77 = tpu.memref_slice %arg12[%dma_wait3A_75, %dma_wait3A_76] : memref<10240x128xf32, #tpu.memory_space<vmem_shared>> -> memref<10240x128xf32, #tpu.memory_space<vmem_shared>>
          tpu.wait_indirect_dma semaphore(%run_scoped3A : memref<!tpu.dma_semaphore, #tpu.memory_space<semaphore_mem>>) src(%arg9 : memref<128x128xf32, #tpu.memory_space<vmem>>) dst(%dma_wait3A_77 : memref<10240x128xf32, #tpu.memory_space<vmem_shared>>)
          tpu.yield
        }) : () -> ()
        %dma_wait3A_55 = arith.constant 0 : i32
        %dma_wait3A_56 = arith.constant 0 : i32
        %dma_wait3A_57 = tpu.memref_slice %arg7[%dma_wait3A_55, %dma_wait3A_56] : memref<16x128xi32, #tpu.memory_space<vmem>> -> memref<1x128xi32, #tpu.memory_space<vmem>>
        %dma_wait3A_58 = tpu.memref_squeeze %dma_wait3A_57 : memref<1x128xi32, #tpu.memory_space<vmem>> -> memref<128xi32, #tpu.memory_space<vmem>>
        %dma_wait3A_59 = arith.constant 0 : i32
        %dma_wait3A_60 = arith.constant 0 : i32
        %dma_wait3A_61 = tpu.memref_slice %arg2[%dma_wait3A_59, %dma_wait3A_60] : memref<10240x128xf32, #tpu.memory_space<hbm>> -> memref<10240x128xf32, #tpu.memory_space<hbm>>
        tpu.wait_indirect_dma semaphore(%arg11 : memref<!tpu.dma_semaphore, #tpu.memory_space<semaphore_mem>>) src(%dma_wait3A_61 : memref<10240x128xf32, #tpu.memory_space<hbm>>) dst(%arg10 : memref<128x128xf32, #tpu.memory_space<vmem>>)
        %lt3A = arith.constant 7 : i32
        %lt3A_62 = arith.cmpi slt, %scan3A_38, %lt3A : i32
        %convert_element_type3A = arith.extui %lt3A_62 : i1 to i32
        %cond3A = arith.constant 0 : i32
        %cond3A_63 = arith.cmpi ne, %convert_element_type3A, %cond3A : i32
        scf.if %cond3A_63 {
          %add3A_66 = arith.constant 2 : i32
          %add3A_67 = arith.addi %mul3A_40, %add3A_66 : i32
          %dma_start3A_68 = arith.constant 0 : i32
          %dma_start3A_69 = tpu.memref_slice %arg7[%add3A_67, %dma_start3A_68] : memref<16x128xi32, #tpu.memory_space<vmem>> -> memref<1x128xi32, #tpu.memory_space<vmem>>
          %dma_start3A_70 = tpu.memref_squeeze %dma_start3A_69 : memref<1x128xi32, #tpu.memory_space<vmem>> -> memref<128xi32, #tpu.memory_space<vmem>>
          %dma_start3A_71 = arith.constant 0 : i32
          %dma_start3A_72 = arith.constant 0 : i32
          %dma_start3A_73 = tpu.memref_slice %arg2[%dma_start3A_71, %dma_start3A_72] : memref<10240x128xf32, #tpu.memory_space<hbm>> -> memref<10240x128xf32, #tpu.memory_space<hbm>>
          tpu.enqueue_indirect_dma source(%dma_start3A_73 : memref<10240x128xf32, #tpu.memory_space<hbm>>) target(%arg9 : memref<128x128xf32, #tpu.memory_space<vmem>>) offsets(%dma_start3A_70 : memref<128xi32, #tpu.memory_space<vmem>>) semaphore(%arg11 : memref<!tpu.dma_semaphore, #tpu.memory_space<semaphore_mem>>)
        } else {
        }
        %add3A_64 = arith.constant 1 : i32
        %add3A_65 = arith.addi %mul3A_40, %add3A_64 : i32
        "tpu.region"() ({
          %run_scoped3A = tpu.sem_alloc : memref<!tpu.dma_semaphore, #tpu.memory_space<semaphore_mem>>
          %dma_start3A_66 = arith.constant 0 : i32
          %dma_start3A_67 = tpu.memref_slice %arg8[%add3A_65, %dma_start3A_66] : memref<16x128xi32, #tpu.memory_space<vmem>> -> memref<1x128xi32, #tpu.memory_space<vmem>>
          %dma_start3A_68 = tpu.memref_squeeze %dma_start3A_67 : memref<1x128xi32, #tpu.memory_space<vmem>> -> memref<128xi32, #tpu.memory_space<vmem>>
          %dma_start3A_69 = arith.constant 0 : i32
          %dma_start3A_70 = arith.constant 0 : i32
          %dma_start3A_71 = tpu.memref_slice %arg12[%dma_start3A_69, %dma_start3A_70] : memref<10240x128xf32, #tpu.memory_space<vmem_shared>> -> memref<10240x128xf32, #tpu.memory_space<vmem_shared>>
          tpu.enqueue_indirect_dma source(%arg10 : memref<128x128xf32, #tpu.memory_space<vmem>>) target(%dma_start3A_71 : memref<10240x128xf32, #tpu.memory_space<vmem_shared>>) offsets(%dma_start3A_68 : memref<128xi32, #tpu.memory_space<vmem>>) semaphore(%run_scoped3A : memref<!tpu.dma_semaphore, #tpu.memory_space<semaphore_mem>>) {add = true}
          %dma_wait3A_72 = arith.constant 0 : i32
          %dma_wait3A_73 = tpu.memref_slice %arg8[%add3A_65, %dma_wait3A_72] : memref<16x128xi32, #tpu.memory_space<vmem>> -> memref<1x128xi32, #tpu.memory_space<vmem>>
          %dma_wait3A_74 = tpu.memref_squeeze %dma_wait3A_73 : memref<1x128xi32, #tpu.memory_space<vmem>> -> memref<128xi32, #tpu.memory_space<vmem>>
          %dma_wait3A_75 = arith.constant 0 : i32
          %dma_wait3A_76 = arith.constant 0 : i32
          %dma_wait3A_77 = tpu.memref_slice %arg12[%dma_wait3A_75, %dma_wait3A_76] : memref<10240x128xf32, #tpu.memory_space<vmem_shared>> -> memref<10240x128xf32, #tpu.memory_space<vmem_shared>>
          tpu.wait_indirect_dma semaphore(%run_scoped3A : memref<!tpu.dma_semaphore, #tpu.memory_space<semaphore_mem>>) src(%arg10 : memref<128x128xf32, #tpu.memory_space<vmem>>) dst(%dma_wait3A_77 : memref<10240x128xf32, #tpu.memory_space<vmem_shared>>)
          tpu.yield
        }) : () -> ()
      }
      %scan3A_37 = arith.constant 8 : i32
    }
    %while3A_17 = arith.constant 1 : i32
    scf.for %while3A_23 = %while3A_15 to %while3A_11 step %while3A_17  : i32 {
      %mul3A_24 = arith.constant 16 : i32
      %mul3A_25 = arith.muli %while3A_23, %mul3A_24 : i32
      %add3A_26 = arith.addi %select_n3A_8, %mul3A_25 : i32
      "tpu.region"() ({
        %run_scoped3A = tpu.sem_alloc : memref<!tpu.dma_semaphore, #tpu.memory_space<semaphore_mem>>
        %dma_start3A_38 = arith.constant 0 : i32
        %dma_start3A_39 = tpu.memref_slice %arg3[%add3A_26, %dma_start3A_38] : memref<2560x128xi32, #tpu.memory_space<hbm>> -> memref<16x128xi32, #tpu.memory_space<hbm>>
        %dma_start3A_40 = arith.constant 0 : i32
        %dma_start3A_41 = tpu.memref_slice %arg3[%add3A_26, %dma_start3A_40] : memref<2560x128xi32, #tpu.memory_space<hbm>> -> memref<16x128xi32, #tpu.memory_space<hbm>>
        tpu.enqueue_dma source(%dma_start3A_41 : memref<16x128xi32, #tpu.memory_space<hbm>>) target(%arg7 : memref<16x128xi32, #tpu.memory_space<vmem>>) target_semaphore(%run_scoped3A : memref<!tpu.dma_semaphore, #tpu.memory_space<semaphore_mem>>)
        %dma_wait3A = arith.constant 0 : i32
        %dma_wait3A_42 = tpu.memref_slice %arg3[%add3A_26, %dma_wait3A] : memref<2560x128xi32, #tpu.memory_space<hbm>> -> memref<16x128xi32, #tpu.memory_space<hbm>>
        %dma_wait3A_43 = arith.constant 0 : i32
        %dma_wait3A_44 = tpu.memref_slice %arg3[%add3A_26, %dma_wait3A_43] : memref<2560x128xi32, #tpu.memory_space<hbm>> -> memref<16x128xi32, #tpu.memory_space<hbm>>
        tpu.wait_dma2 semaphore(%run_scoped3A : memref<!tpu.dma_semaphore, #tpu.memory_space<semaphore_mem>>) src(%dma_wait3A_44 : memref<16x128xi32, #tpu.memory_space<hbm>>) dst(%arg7 : memref<16x128xi32, #tpu.memory_space<vmem>>)
        tpu.yield
      }) : () -> ()
      "tpu.region"() ({
        %run_scoped3A = tpu.sem_alloc : memref<!tpu.dma_semaphore, #tpu.memory_space<semaphore_mem>>
        %dma_start3A_38 = arith.constant 0 : i32
        %dma_start3A_39 = tpu.memref_slice %arg4[%add3A_26, %dma_start3A_38] : memref<2560x128xi32, #tpu.memory_space<hbm>> -> memref<16x128xi32, #tpu.memory_space<hbm>>
        %dma_start3A_40 = arith.constant 0 : i32
        %dma_start3A_41 = tpu.memref_slice %arg4[%add3A_26, %dma_start3A_40] : memref<2560x128xi32, #tpu.memory_space<hbm>> -> memref<16x128xi32, #tpu.memory_space<hbm>>
        tpu.enqueue_dma source(%dma_start3A_41 : memref<16x128xi32, #tpu.memory_space<hbm>>) target(%arg8 : memref<16x128xi32, #tpu.memory_space<vmem>>) target_semaphore(%run_scoped3A : memref<!tpu.dma_semaphore, #tpu.memory_space<semaphore_mem>>)
        %dma_wait3A = arith.constant 0 : i32
        %dma_wait3A_42 = tpu.memref_slice %arg4[%add3A_26, %dma_wait3A] : memref<2560x128xi32, #tpu.memory_space<hbm>> -> memref<16x128xi32, #tpu.memory_space<hbm>>
        %dma_wait3A_43 = arith.constant 0 : i32
        %dma_wait3A_44 = tpu.memref_slice %arg4[%add3A_26, %dma_wait3A_43] : memref<2560x128xi32, #tpu.memory_space<hbm>> -> memref<16x128xi32, #tpu.memory_space<hbm>>
        tpu.wait_dma2 semaphore(%run_scoped3A : memref<!tpu.dma_semaphore, #tpu.memory_space<semaphore_mem>>) src(%dma_wait3A_44 : memref<16x128xi32, #tpu.memory_space<hbm>>) dst(%arg8 : memref<16x128xi32, #tpu.memory_space<vmem>>)
        tpu.yield
      }) : () -> ()
      %dma_start3A = arith.constant 0 : i32
      %dma_start3A_27 = arith.constant 0 : i32
      %dma_start3A_28 = tpu.memref_slice %arg7[%dma_start3A, %dma_start3A_27] : memref<16x128xi32, #tpu.memory_space<vmem>> -> memref<1x128xi32, #tpu.memory_space<vmem>>
      %dma_start3A_29 = tpu.memref_squeeze %dma_start3A_28 : memref<1x128xi32, #tpu.memory_space<vmem>> -> memref<128xi32, #tpu.memory_space<vmem>>
      %dma_start3A_30 = arith.constant 0 : i32
      %dma_start3A_31 = arith.constant 0 : i32
      %dma_start3A_32 = tpu.memref_slice %arg2[%dma_start3A_30, %dma_start3A_31] : memref<10240x128xf32, #tpu.memory_space<hbm>> -> memref<10240x128xf32, #tpu.memory_space<hbm>>
      tpu.enqueue_indirect_dma source(%dma_start3A_32 : memref<10240x128xf32, #tpu.memory_space<hbm>>) target(%arg9 : memref<128x128xf32, #tpu.memory_space<vmem>>) offsets(%dma_start3A_29 : memref<128xi32, #tpu.memory_space<vmem>>) semaphore(%arg11 : memref<!tpu.dma_semaphore, #tpu.memory_space<semaphore_mem>>)
      %scan3A = arith.constant 0 : i32
      %scan3A_33 = arith.constant 0 : i32
      %scan3A_34 = arith.constant 8 : i32
      %scan3A_35 = arith.addi %scan3A_33, %scan3A_34 : i32
      %scan3A_36 = arith.constant 1 : i32
      scf.for %scan3A_38 = %scan3A_33 to %scan3A_35 step %scan3A_36  : i32 {
        %mul3A_39 = arith.constant 2 : i32
        %mul3A_40 = arith.muli %mul3A_39, %scan3A_38 : i32
        %dma_wait3A = arith.constant 0 : i32
        %dma_wait3A_41 = arith.constant 0 : i32
        %dma_wait3A_42 = tpu.memref_slice %arg7[%dma_wait3A, %dma_wait3A_41] : memref<16x128xi32, #tpu.memory_space<vmem>> -> memref<1x128xi32, #tpu.memory_space<vmem>>
        %dma_wait3A_43 = tpu.memref_squeeze %dma_wait3A_42 : memref<1x128xi32, #tpu.memory_space<vmem>> -> memref<128xi32, #tpu.memory_space<vmem>>
        %dma_wait3A_44 = arith.constant 0 : i32
        %dma_wait3A_45 = arith.constant 0 : i32
        %dma_wait3A_46 = tpu.memref_slice %arg2[%dma_wait3A_44, %dma_wait3A_45] : memref<10240x128xf32, #tpu.memory_space<hbm>> -> memref<10240x128xf32, #tpu.memory_space<hbm>>
        tpu.wait_indirect_dma semaphore(%arg11 : memref<!tpu.dma_semaphore, #tpu.memory_space<semaphore_mem>>) src(%dma_wait3A_46 : memref<10240x128xf32, #tpu.memory_space<hbm>>) dst(%arg9 : memref<128x128xf32, #tpu.memory_space<vmem>>)
        %add3A_47 = arith.constant 1 : i32
        %add3A_48 = arith.addi %mul3A_40, %add3A_47 : i32
        %dma_start3A_49 = arith.constant 0 : i32
        %dma_start3A_50 = tpu.memref_slice %arg7[%add3A_48, %dma_start3A_49] : memref<16x128xi32, #tpu.memory_space<vmem>> -> memref<1x128xi32, #tpu.memory_space<vmem>>
        %dma_start3A_51 = tpu.memref_squeeze %dma_start3A_50 : memref<1x128xi32, #tpu.memory_space<vmem>> -> memref<128xi32, #tpu.memory_space<vmem>>
        %dma_start3A_52 = arith.constant 0 : i32
        %dma_start3A_53 = arith.constant 0 : i32
        %dma_start3A_54 = tpu.memref_slice %arg2[%dma_start3A_52, %dma_start3A_53] : memref<10240x128xf32, #tpu.memory_space<hbm>> -> memref<10240x128xf32, #tpu.memory_space<hbm>>
        tpu.enqueue_indirect_dma source(%dma_start3A_54 : memref<10240x128xf32, #tpu.memory_space<hbm>>) target(%arg10 : memref<128x128xf32, #tpu.memory_space<vmem>>) offsets(%dma_start3A_51 : memref<128xi32, #tpu.memory_space<vmem>>) semaphore(%arg11 : memref<!tpu.dma_semaphore, #tpu.memory_space<semaphore_mem>>)
        "tpu.region"() ({
          %run_scoped3A = tpu.sem_alloc : memref<!tpu.dma_semaphore, #tpu.memory_space<semaphore_mem>>
          %dma_start3A_66 = arith.constant 0 : i32
          %dma_start3A_67 = tpu.memref_slice %arg8[%mul3A_40, %dma_start3A_66] : memref<16x128xi32, #tpu.memory_space<vmem>> -> memref<1x128xi32, #tpu.memory_space<vmem>>
          %dma_start3A_68 = tpu.memref_squeeze %dma_start3A_67 : memref<1x128xi32, #tpu.memory_space<vmem>> -> memref<128xi32, #tpu.memory_space<vmem>>
          %dma_start3A_69 = arith.constant 0 : i32
          %dma_start3A_70 = arith.constant 0 : i32
          %dma_start3A_71 = tpu.memref_slice %arg12[%dma_start3A_69, %dma_start3A_70] : memref<10240x128xf32, #tpu.memory_space<vmem_shared>> -> memref<10240x128xf32, #tpu.memory_space<vmem_shared>>
          tpu.enqueue_indirect_dma source(%arg9 : memref<128x128xf32, #tpu.memory_space<vmem>>) target(%dma_start3A_71 : memref<10240x128xf32, #tpu.memory_space<vmem_shared>>) offsets(%dma_start3A_68 : memref<128xi32, #tpu.memory_space<vmem>>) semaphore(%run_scoped3A : memref<!tpu.dma_semaphore, #tpu.memory_space<semaphore_mem>>) {add = true}
          %dma_wait3A_72 = arith.constant 0 : i32
          %dma_wait3A_73 = tpu.memref_slice %arg8[%mul3A_40, %dma_wait3A_72] : memref<16x128xi32, #tpu.memory_space<vmem>> -> memref<1x128xi32, #tpu.memory_space<vmem>>
          %dma_wait3A_74 = tpu.memref_squeeze %dma_wait3A_73 : memref<1x128xi32, #tpu.memory_space<vmem>> -> memref<128xi32, #tpu.memory_space<vmem>>
          %dma_wait3A_75 = arith.constant 0 : i32
          %dma_wait3A_76 = arith.constant 0 : i32
          %dma_wait3A_77 = tpu.memref_slice %arg12[%dma_wait3A_75, %dma_wait3A_76] : memref<10240x128xf32, #tpu.memory_space<vmem_shared>> -> memref<10240x128xf32, #tpu.memory_space<vmem_shared>>
          tpu.wait_indirect_dma semaphore(%run_scoped3A : memref<!tpu.dma_semaphore, #tpu.memory_space<semaphore_mem>>) src(%arg9 : memref<128x128xf32, #tpu.memory_space<vmem>>) dst(%dma_wait3A_77 : memref<10240x128xf32, #tpu.memory_space<vmem_shared>>)
          tpu.yield
        }) : () -> ()
        %dma_wait3A_55 = arith.constant 0 : i32
        %dma_wait3A_56 = arith.constant 0 : i32
        %dma_wait3A_57 = tpu.memref_slice %arg7[%dma_wait3A_55, %dma_wait3A_56] : memref<16x128xi32, #tpu.memory_space<vmem>> -> memref<1x128xi32, #tpu.memory_space<vmem>>
        %dma_wait3A_58 = tpu.memref_squeeze %dma_wait3A_57 : memref<1x128xi32, #tpu.memory_space<vmem>> -> memref<128xi32, #tpu.memory_space<vmem>>
        %dma_wait3A_59 = arith.constant 0 : i32
        %dma_wait3A_60 = arith.constant 0 : i32
        %dma_wait3A_61 = tpu.memref_slice %arg2[%dma_wait3A_59, %dma_wait3A_60] : memref<10240x128xf32, #tpu.memory_space<hbm>> -> memref<10240x128xf32, #tpu.memory_space<hbm>>
        tpu.wait_indirect_dma semaphore(%arg11 : memref<!tpu.dma_semaphore, #tpu.memory_space<semaphore_mem>>) src(%dma_wait3A_61 : memref<10240x128xf32, #tpu.memory_space<hbm>>) dst(%arg10 : memref<128x128xf32, #tpu.memory_space<vmem>>)
        %lt3A = arith.constant 7 : i32
        %lt3A_62 = arith.cmpi slt, %scan3A_38, %lt3A : i32
        %convert_element_type3A = arith.extui %lt3A_62 : i1 to i32
        %cond3A = arith.constant 0 : i32
        %cond3A_63 = arith.cmpi ne, %convert_element_type3A, %cond3A : i32
        scf.if %cond3A_63 {
          %add3A_66 = arith.constant 2 : i32
          %add3A_67 = arith.addi %mul3A_40, %add3A_66 : i32
          %dma_start3A_68 = arith.constant 0 : i32
          %dma_start3A_69 = tpu.memref_slice %arg7[%add3A_67, %dma_start3A_68] : memref<16x128xi32, #tpu.memory_space<vmem>> -> memref<1x128xi32, #tpu.memory_space<vmem>>
          %dma_start3A_70 = tpu.memref_squeeze %dma_start3A_69 : memref<1x128xi32, #tpu.memory_space<vmem>> -> memref<128xi32, #tpu.memory_space<vmem>>
          %dma_start3A_71 = arith.constant 0 : i32
          %dma_start3A_72 = arith.constant 0 : i32
          %dma_start3A_73 = tpu.memref_slice %arg2[%dma_start3A_71, %dma_start3A_72] : memref<10240x128xf32, #tpu.memory_space<hbm>> -> memref<10240x128xf32, #tpu.memory_space<hbm>>
          tpu.enqueue_indirect_dma source(%dma_start3A_73 : memref<10240x128xf32, #tpu.memory_space<hbm>>) target(%arg9 : memref<128x128xf32, #tpu.memory_space<vmem>>) offsets(%dma_start3A_70 : memref<128xi32, #tpu.memory_space<vmem>>) semaphore(%arg11 : memref<!tpu.dma_semaphore, #tpu.memory_space<semaphore_mem>>)
        } else {
        }
        %add3A_64 = arith.constant 1 : i32
        %add3A_65 = arith.addi %mul3A_40, %add3A_64 : i32
        "tpu.region"() ({
          %run_scoped3A = tpu.sem_alloc : memref<!tpu.dma_semaphore, #tpu.memory_space<semaphore_mem>>
          %dma_start3A_66 = arith.constant 0 : i32
          %dma_start3A_67 = tpu.memref_slice %arg8[%add3A_65, %dma_start3A_66] : memref<16x128xi32, #tpu.memory_space<vmem>> -> memref<1x128xi32, #tpu.memory_space<vmem>>
          %dma_start3A_68 = tpu.memref_squeeze %dma_start3A_67 : memref<1x128xi32, #tpu.memory_space<vmem>> -> memref<128xi32, #tpu.memory_space<vmem>>
          %dma_start3A_69 = arith.constant 0 : i32
          %dma_start3A_70 = arith.constant 0 : i32
          %dma_start3A_71 = tpu.memref_slice %arg12[%dma_start3A_69, %dma_start3A_70] : memref<10240x128xf32, #tpu.memory_space<vmem_shared>> -> memref<10240x128xf32, #tpu.memory_space<vmem_shared>>
          tpu.enqueue_indirect_dma source(%arg10 : memref<128x128xf32, #tpu.memory_space<vmem>>) target(%dma_start3A_71 : memref<10240x128xf32, #tpu.memory_space<vmem_shared>>) offsets(%dma_start3A_68 : memref<128xi32, #tpu.memory_space<vmem>>) semaphore(%run_scoped3A : memref<!tpu.dma_semaphore, #tpu.memory_space<semaphore_mem>>) {add = true}
          %dma_wait3A_72 = arith.constant 0 : i32
          %dma_wait3A_73 = tpu.memref_slice %arg8[%add3A_65, %dma_wait3A_72] : memref<16x128xi32, #tpu.memory_space<vmem>> -> memref<1x128xi32, #tpu.memory_space<vmem>>
          %dma_wait3A_74 = tpu.memref_squeeze %dma_wait3A_73 : memref<1x128xi32, #tpu.memory_space<vmem>> -> memref<128xi32, #tpu.memory_space<vmem>>
          %dma_wait3A_75 = arith.constant 0 : i32
          %dma_wait3A_76 = arith.constant 0 : i32
          %dma_wait3A_77 = tpu.memref_slice %arg12[%dma_wait3A_75, %dma_wait3A_76] : memref<10240x128xf32, #tpu.memory_space<vmem_shared>> -> memref<10240x128xf32, #tpu.memory_space<vmem_shared>>
          tpu.wait_indirect_dma semaphore(%run_scoped3A : memref<!tpu.dma_semaphore, #tpu.memory_space<semaphore_mem>>) src(%arg10 : memref<128x128xf32, #tpu.memory_space<vmem>>) dst(%dma_wait3A_77 : memref<10240x128xf32, #tpu.memory_space<vmem_shared>>)
          tpu.yield
        }) : () -> ()
      }
      %scan3A_37 = arith.constant 8 : i32
    }
    %barrier3A_18 = arith.constant 0 : index
    tpu.barrier barrier_id(%barrier3A_18)
    %mul3A_19 = arith.constant 640 : i32
    %mul3A_20 = arith.muli %arg1, %mul3A_19 : i32
    %mul3A_21 = arith.constant 640 : i32
    %mul3A_22 = arith.muli %arg1, %mul3A_21 : i32
    "tpu.region"() ({
      %run_scoped3A = tpu.sem_alloc : memref<!tpu.dma_semaphore, #tpu.memory_space<semaphore_mem>>
      %dma_start3A = arith.constant 0 : i32
      %dma_start3A_23 = arith.constant 0 : i32
      %dma_start3A_24 = tpu.memref_slice %arg6[%arg0, %dma_start3A, %dma_start3A_23] : memref<2x10240x128xf32, #tpu.memory_space<hbm>> -> memref<1x10240x128xf32, #tpu.memory_space<hbm>>
      %dma_start3A_25 = tpu.memref_squeeze %dma_start3A_24 : memref<1x10240x128xf32, #tpu.memory_space<hbm>> -> memref<10240x128xf32, #tpu.memory_space<hbm>>
      %dma_start3A_26 = arith.constant 0 : i32
      %dma_start3A_27 = tpu.memref_slice %dma_start3A_25[%mul3A_22, %dma_start3A_26] : memref<10240x128xf32, #tpu.memory_space<hbm>> -> memref<640x128xf32, #tpu.memory_space<hbm>>
      %dma_start3A_28 = arith.constant 0 : i32
      %dma_start3A_29 = tpu.memref_slice %arg12[%mul3A_20, %dma_start3A_28] : memref<10240x128xf32, #tpu.memory_space<vmem_shared>> -> memref<640x128xf32, #tpu.memory_space<vmem_shared>>
      tpu.enqueue_dma source(%dma_start3A_29 : memref<640x128xf32, #tpu.memory_space<vmem_shared>>) target(%dma_start3A_27 : memref<640x128xf32, #tpu.memory_space<hbm>>) target_semaphore(%run_scoped3A : memref<!tpu.dma_semaphore, #tpu.memory_space<semaphore_mem>>)
      %dma_wait3A = arith.constant 0 : i32
      %dma_wait3A_30 = arith.constant 0 : i32
      %dma_wait3A_31 = tpu.memref_slice %arg6[%arg0, %dma_wait3A, %dma_wait3A_30] : memref<2x10240x128xf32, #tpu.memory_space<hbm>> -> memref<1x10240x128xf32, #tpu.memory_space<hbm>>
      %dma_wait3A_32 = tpu.memref_squeeze %dma_wait3A_31 : memref<1x10240x128xf32, #tpu.memory_space<hbm>> -> memref<10240x128xf32, #tpu.memory_space<hbm>>
      %dma_wait3A_33 = arith.constant 0 : i32
      %dma_wait3A_34 = tpu.memref_slice %dma_wait3A_32[%mul3A_22, %dma_wait3A_33] : memref<10240x128xf32, #tpu.memory_space<hbm>> -> memref<640x128xf32, #tpu.memory_space<hbm>>
      %dma_wait3A_35 = arith.constant 0 : i32
      %dma_wait3A_36 = tpu.memref_slice %arg12[%mul3A_20, %dma_wait3A_35] : memref<10240x128xf32, #tpu.memory_space<vmem_shared>> -> memref<640x128xf32, #tpu.memory_space<vmem_shared>>
      tpu.wait_dma2 semaphore(%run_scoped3A : memref<!tpu.dma_semaphore, #tpu.memory_space<semaphore_mem>>) src(%dma_wait3A_36 : memref<640x128xf32, #tpu.memory_space<vmem_shared>>) dst(%dma_wait3A_34 : memref<640x128xf32, #tpu.memory_space<hbm>>)
      tpu.yield
    }) : () -> ()
    return
  }
}

#map = affine_map<(d0, d1) -> (0, 0)>
#map1 = affine_map<(d0, d1) -> (0, 0, 0)>
module attributes {stable_mosaic.version = 14 : i64} {
  func.func @_sc_spmm(%arg0: i32, %arg1: i32, %arg2: memref<10240x128xf32, #tpu.memory_space<hbm>>, %arg3: memref<2560x128xi32, #tpu.memory_space<hbm>>, %arg4: memref<2560x128xi32, #tpu.memory_space<hbm>>, %arg5: memref<640x128xf32, #tpu.memory_space<hbm>>, %arg6: memref<2x10240x128xf32, #tpu.memory_space<hbm>>, %arg7: memref<16x128xi32, #tpu.memory_space<vmem>>, %arg8: memref<16x128xi32, #tpu.memory_space<vmem>>, %arg9: memref<128x128xf32, #tpu.memory_space<vmem>>, %arg10: memref<128x128xf32, #tpu.memory_space<vmem>>, %arg11: memref<!tpu.dma_semaphore, #tpu.memory_space<semaphore_mem>>, %arg12: memref<10240x128xf32, #tpu.memory_space<vmem_shared>>) attributes {dimension_semantics = [#tpu.dimension_semantics<core_parallel>, #tpu.dimension_semantics<subcore_parallel>], iteration_bounds = array<i64: 2, 16>, scalar_prefetch = 0 : i64, scratch_operands = 6 : i64, tpu.core_type = #tpu.core_type<sc_vector_subcore>, window_params = [{transform_indices = #map}, {transform_indices = #map}, {transform_indices = #map}, {transform_indices = #map}, {transform_indices = #map1}]} {
    %mul3A = arith.constant 640 : i32
    %mul3A_0 = arith.muli %arg1, %mul3A : i32
    "tpu.region"() ({
      %run_scoped3A = tpu.sem_alloc : memref<!tpu.dma_semaphore, #tpu.memory_space<semaphore_mem>>
      %dma_start3A = arith.constant 0 : i32
      %dma_start3A_23 = tpu.memref_slice %arg12[%mul3A_0, %dma_start3A] : memref<10240x128xf32, #tpu.memory_space<vmem_shared>> -> memref<640x128xf32, #tpu.memory_space<vmem_shared>>
      tpu.enqueue_dma source(%arg5 : memref<640x128xf32, #tpu.memory_space<hbm>>) target(%dma_start3A_23 : memref<640x128xf32, #tpu.memory_space<vmem_shared>>) target_semaphore(%run_scoped3A : memref<!tpu.dma_semaphore, #tpu.memory_space<semaphore_mem>>)
      %dma_wait3A = arith.constant 0 : i32
      %dma_wait3A_24 = tpu.memref_slice %arg12[%mul3A_0, %dma_wait3A] : memref<10240x128xf32, #tpu.memory_space<vmem_shared>> -> memref<640x128xf32, #tpu.memory_space<vmem_shared>>
      tpu.wait_dma2 semaphore(%run_scoped3A : memref<!tpu.dma_semaphore, #tpu.memory_space<semaphore_mem>>) src(%arg5 : memref<640x128xf32, #tpu.memory_space<hbm>>) dst(%dma_wait3A_24 : memref<640x128xf32, #tpu.memory_space<vmem_shared>>)
      tpu.yield
    }) : () -> ()
    %barrier3A = arith.constant 0 : index
    tpu.barrier barrier_id(%barrier3A)
    %eq3A = arith.constant 0 : i32
    %eq3A_1 = arith.cmpi eq, %arg0, %eq3A : i32
    %jit3A = arith.constant 9 : i32
    %jit3A_2 = arith.constant 1 : i32
    %select_n3A = arith.select %eq3A_1, %jit3A, %jit3A_2 : i32
    %mul3A_3 = arith.constant 144 : i32
    %mul3A_4 = arith.muli %arg1, %mul3A_3 : i32
    %mul3A_5 = arith.constant 16 : i32
    %mul3A_6 = arith.muli %arg1, %mul3A_5 : i32
    %add3A = arith.constant 2304 : i32
    %add3A_7 = arith.addi %add3A, %mul3A_6 : i32
    %select_n3A_8 = arith.select %eq3A_1, %mul3A_4, %add3A_7 : i32
    %while3A = arith.constant 0 : i32
    %while3A_9 = arith.constant 0 : i32
    %while3A_10 = arith.subi %select_n3A, %while3A_9 : i32
    %while3A_11 = arith.addi %while3A_9, %while3A_10 : i32
    %while3A_12 = arith.constant 1 : i32
    %while3A_13 = arith.divsi %while3A_10, %while3A_12 : i32
    %while3A_14 = arith.muli %while3A_13, %while3A_12 : i32
    %while3A_15 = arith.addi %while3A_9, %while3A_14 : i32
    %while3A_16 = arith.constant 1 : i32
    scf.for %while3A_23 = %while3A_9 to %while3A_15 step %while3A_16  : i32 {
      %mul3A_24 = arith.constant 16 : i32
      %mul3A_25 = arith.muli %while3A_23, %mul3A_24 : i32
      %add3A_26 = arith.addi %select_n3A_8, %mul3A_25 : i32
      "tpu.region"() ({
        %run_scoped3A = tpu.sem_alloc : memref<!tpu.dma_semaphore, #tpu.memory_space<semaphore_mem>>
        %dma_start3A_38 = arith.constant 0 : i32
        %dma_start3A_39 = tpu.memref_slice %arg3[%add3A_26, %dma_start3A_38] : memref<2560x128xi32, #tpu.memory_space<hbm>> -> memref<16x128xi32, #tpu.memory_space<hbm>>
        %dma_start3A_40 = arith.constant 0 : i32
        %dma_start3A_41 = tpu.memref_slice %arg3[%add3A_26, %dma_start3A_40] : memref<2560x128xi32, #tpu.memory_space<hbm>> -> memref<16x128xi32, #tpu.memory_space<hbm>>
        tpu.enqueue_dma source(%dma_start3A_41 : memref<16x128xi32, #tpu.memory_space<hbm>>) target(%arg7 : memref<16x128xi32, #tpu.memory_space<vmem>>) target_semaphore(%run_scoped3A : memref<!tpu.dma_semaphore, #tpu.memory_space<semaphore_mem>>)
        %dma_wait3A = arith.constant 0 : i32
        %dma_wait3A_42 = tpu.memref_slice %arg3[%add3A_26, %dma_wait3A] : memref<2560x128xi32, #tpu.memory_space<hbm>> -> memref<16x128xi32, #tpu.memory_space<hbm>>
        %dma_wait3A_43 = arith.constant 0 : i32
        %dma_wait3A_44 = tpu.memref_slice %arg3[%add3A_26, %dma_wait3A_43] : memref<2560x128xi32, #tpu.memory_space<hbm>> -> memref<16x128xi32, #tpu.memory_space<hbm>>
        tpu.wait_dma2 semaphore(%run_scoped3A : memref<!tpu.dma_semaphore, #tpu.memory_space<semaphore_mem>>) src(%dma_wait3A_44 : memref<16x128xi32, #tpu.memory_space<hbm>>) dst(%arg7 : memref<16x128xi32, #tpu.memory_space<vmem>>)
        tpu.yield
      }) : () -> ()
      "tpu.region"() ({
        %run_scoped3A = tpu.sem_alloc : memref<!tpu.dma_semaphore, #tpu.memory_space<semaphore_mem>>
        %dma_start3A_38 = arith.constant 0 : i32
        %dma_start3A_39 = tpu.memref_slice %arg4[%add3A_26, %dma_start3A_38] : memref<2560x128xi32, #tpu.memory_space<hbm>> -> memref<16x128xi32, #tpu.memory_space<hbm>>
        %dma_start3A_40 = arith.constant 0 : i32
        %dma_start3A_41 = tpu.memref_slice %arg4[%add3A_26, %dma_start3A_40] : memref<2560x128xi32, #tpu.memory_space<hbm>> -> memref<16x128xi32, #tpu.memory_space<hbm>>
        tpu.enqueue_dma source(%dma_start3A_41 : memref<16x128xi32, #tpu.memory_space<hbm>>) target(%arg8 : memref<16x128xi32, #tpu.memory_space<vmem>>) target_semaphore(%run_scoped3A : memref<!tpu.dma_semaphore, #tpu.memory_space<semaphore_mem>>)
        %dma_wait3A = arith.constant 0 : i32
        %dma_wait3A_42 = tpu.memref_slice %arg4[%add3A_26, %dma_wait3A] : memref<2560x128xi32, #tpu.memory_space<hbm>> -> memref<16x128xi32, #tpu.memory_space<hbm>>
        %dma_wait3A_43 = arith.constant 0 : i32
        %dma_wait3A_44 = tpu.memref_slice %arg4[%add3A_26, %dma_wait3A_43] : memref<2560x128xi32, #tpu.memory_space<hbm>> -> memref<16x128xi32, #tpu.memory_space<hbm>>
        tpu.wait_dma2 semaphore(%run_scoped3A : memref<!tpu.dma_semaphore, #tpu.memory_space<semaphore_mem>>) src(%dma_wait3A_44 : memref<16x128xi32, #tpu.memory_space<hbm>>) dst(%arg8 : memref<16x128xi32, #tpu.memory_space<vmem>>)
        tpu.yield
      }) : () -> ()
      %dma_start3A = arith.constant 0 : i32
      %dma_start3A_27 = arith.constant 0 : i32
      %dma_start3A_28 = tpu.memref_slice %arg7[%dma_start3A, %dma_start3A_27] : memref<16x128xi32, #tpu.memory_space<vmem>> -> memref<1x128xi32, #tpu.memory_space<vmem>>
      %dma_start3A_29 = tpu.memref_squeeze %dma_start3A_28 : memref<1x128xi32, #tpu.memory_space<vmem>> -> memref<128xi32, #tpu.memory_space<vmem>>
      %dma_start3A_30 = arith.constant 0 : i32
      %dma_start3A_31 = arith.constant 0 : i32
      %dma_start3A_32 = tpu.memref_slice %arg2[%dma_start3A_30, %dma_start3A_31] : memref<10240x128xf32, #tpu.memory_space<hbm>> -> memref<10240x128xf32, #tpu.memory_space<hbm>>
      tpu.enqueue_indirect_dma source(%dma_start3A_32 : memref<10240x128xf32, #tpu.memory_space<hbm>>) target(%arg9 : memref<128x128xf32, #tpu.memory_space<vmem>>) offsets(%dma_start3A_29 : memref<128xi32, #tpu.memory_space<vmem>>) semaphore(%arg11 : memref<!tpu.dma_semaphore, #tpu.memory_space<semaphore_mem>>)
      %scan3A = arith.constant 0 : i32
      %scan3A_33 = arith.constant 0 : i32
      %scan3A_34 = arith.constant 8 : i32
      %scan3A_35 = arith.addi %scan3A_33, %scan3A_34 : i32
      %scan3A_36 = arith.constant 1 : i32
      scf.for %scan3A_38 = %scan3A_33 to %scan3A_35 step %scan3A_36  : i32 {
        %mul3A_39 = arith.constant 2 : i32
        %mul3A_40 = arith.muli %mul3A_39, %scan3A_38 : i32
        %dma_wait3A = arith.constant 0 : i32
        %dma_wait3A_41 = arith.constant 0 : i32
        %dma_wait3A_42 = tpu.memref_slice %arg7[%dma_wait3A, %dma_wait3A_41] : memref<16x128xi32, #tpu.memory_space<vmem>> -> memref<1x128xi32, #tpu.memory_space<vmem>>
        %dma_wait3A_43 = tpu.memref_squeeze %dma_wait3A_42 : memref<1x128xi32, #tpu.memory_space<vmem>> -> memref<128xi32, #tpu.memory_space<vmem>>
        %dma_wait3A_44 = arith.constant 0 : i32
        %dma_wait3A_45 = arith.constant 0 : i32
        %dma_wait3A_46 = tpu.memref_slice %arg2[%dma_wait3A_44, %dma_wait3A_45] : memref<10240x128xf32, #tpu.memory_space<hbm>> -> memref<10240x128xf32, #tpu.memory_space<hbm>>
        tpu.wait_indirect_dma semaphore(%arg11 : memref<!tpu.dma_semaphore, #tpu.memory_space<semaphore_mem>>) src(%dma_wait3A_46 : memref<10240x128xf32, #tpu.memory_space<hbm>>) dst(%arg9 : memref<128x128xf32, #tpu.memory_space<vmem>>)
        %add3A_47 = arith.constant 1 : i32
        %add3A_48 = arith.addi %mul3A_40, %add3A_47 : i32
        %dma_start3A_49 = arith.constant 0 : i32
        %dma_start3A_50 = tpu.memref_slice %arg7[%add3A_48, %dma_start3A_49] : memref<16x128xi32, #tpu.memory_space<vmem>> -> memref<1x128xi32, #tpu.memory_space<vmem>>
        %dma_start3A_51 = tpu.memref_squeeze %dma_start3A_50 : memref<1x128xi32, #tpu.memory_space<vmem>> -> memref<128xi32, #tpu.memory_space<vmem>>
        %dma_start3A_52 = arith.constant 0 : i32
        %dma_start3A_53 = arith.constant 0 : i32
        %dma_start3A_54 = tpu.memref_slice %arg2[%dma_start3A_52, %dma_start3A_53] : memref<10240x128xf32, #tpu.memory_space<hbm>> -> memref<10240x128xf32, #tpu.memory_space<hbm>>
        tpu.enqueue_indirect_dma source(%dma_start3A_54 : memref<10240x128xf32, #tpu.memory_space<hbm>>) target(%arg10 : memref<128x128xf32, #tpu.memory_space<vmem>>) offsets(%dma_start3A_51 : memref<128xi32, #tpu.memory_space<vmem>>) semaphore(%arg11 : memref<!tpu.dma_semaphore, #tpu.memory_space<semaphore_mem>>)
        "tpu.region"() ({
          %run_scoped3A = tpu.sem_alloc : memref<!tpu.dma_semaphore, #tpu.memory_space<semaphore_mem>>
          %dma_start3A_66 = arith.constant 0 : i32
          %dma_start3A_67 = tpu.memref_slice %arg8[%mul3A_40, %dma_start3A_66] : memref<16x128xi32, #tpu.memory_space<vmem>> -> memref<1x128xi32, #tpu.memory_space<vmem>>
          %dma_start3A_68 = tpu.memref_squeeze %dma_start3A_67 : memref<1x128xi32, #tpu.memory_space<vmem>> -> memref<128xi32, #tpu.memory_space<vmem>>
          %dma_start3A_69 = arith.constant 0 : i32
          %dma_start3A_70 = arith.constant 0 : i32
          %dma_start3A_71 = tpu.memref_slice %arg12[%dma_start3A_69, %dma_start3A_70] : memref<10240x128xf32, #tpu.memory_space<vmem_shared>> -> memref<10240x128xf32, #tpu.memory_space<vmem_shared>>
          tpu.enqueue_indirect_dma source(%arg9 : memref<128x128xf32, #tpu.memory_space<vmem>>) target(%dma_start3A_71 : memref<10240x128xf32, #tpu.memory_space<vmem_shared>>) offsets(%dma_start3A_68 : memref<128xi32, #tpu.memory_space<vmem>>) semaphore(%run_scoped3A : memref<!tpu.dma_semaphore, #tpu.memory_space<semaphore_mem>>) {add = true}
          %dma_wait3A_72 = arith.constant 0 : i32
          %dma_wait3A_73 = tpu.memref_slice %arg8[%mul3A_40, %dma_wait3A_72] : memref<16x128xi32, #tpu.memory_space<vmem>> -> memref<1x128xi32, #tpu.memory_space<vmem>>
          %dma_wait3A_74 = tpu.memref_squeeze %dma_wait3A_73 : memref<1x128xi32, #tpu.memory_space<vmem>> -> memref<128xi32, #tpu.memory_space<vmem>>
          %dma_wait3A_75 = arith.constant 0 : i32
          %dma_wait3A_76 = arith.constant 0 : i32
          %dma_wait3A_77 = tpu.memref_slice %arg12[%dma_wait3A_75, %dma_wait3A_76] : memref<10240x128xf32, #tpu.memory_space<vmem_shared>> -> memref<10240x128xf32, #tpu.memory_space<vmem_shared>>
          tpu.wait_indirect_dma semaphore(%run_scoped3A : memref<!tpu.dma_semaphore, #tpu.memory_space<semaphore_mem>>) src(%arg9 : memref<128x128xf32, #tpu.memory_space<vmem>>) dst(%dma_wait3A_77 : memref<10240x128xf32, #tpu.memory_space<vmem_shared>>)
          tpu.yield
        }) : () -> ()
        %dma_wait3A_55 = arith.constant 0 : i32
        %dma_wait3A_56 = arith.constant 0 : i32
        %dma_wait3A_57 = tpu.memref_slice %arg7[%dma_wait3A_55, %dma_wait3A_56] : memref<16x128xi32, #tpu.memory_space<vmem>> -> memref<1x128xi32, #tpu.memory_space<vmem>>
        %dma_wait3A_58 = tpu.memref_squeeze %dma_wait3A_57 : memref<1x128xi32, #tpu.memory_space<vmem>> -> memref<128xi32, #tpu.memory_space<vmem>>
        %dma_wait3A_59 = arith.constant 0 : i32
        %dma_wait3A_60 = arith.constant 0 : i32
        %dma_wait3A_61 = tpu.memref_slice %arg2[%dma_wait3A_59, %dma_wait3A_60] : memref<10240x128xf32, #tpu.memory_space<hbm>> -> memref<10240x128xf32, #tpu.memory_space<hbm>>
        tpu.wait_indirect_dma semaphore(%arg11 : memref<!tpu.dma_semaphore, #tpu.memory_space<semaphore_mem>>) src(%dma_wait3A_61 : memref<10240x128xf32, #tpu.memory_space<hbm>>) dst(%arg10 : memref<128x128xf32, #tpu.memory_space<vmem>>)
        %lt3A = arith.constant 7 : i32
        %lt3A_62 = arith.cmpi slt, %scan3A_38, %lt3A : i32
        %convert_element_type3A = arith.extui %lt3A_62 : i1 to i32
        %cond3A = arith.constant 0 : i32
        %cond3A_63 = arith.cmpi ne, %convert_element_type3A, %cond3A : i32
        scf.if %cond3A_63 {
          %add3A_66 = arith.constant 2 : i32
          %add3A_67 = arith.addi %mul3A_40, %add3A_66 : i32
          %dma_start3A_68 = arith.constant 0 : i32
          %dma_start3A_69 = tpu.memref_slice %arg7[%add3A_67, %dma_start3A_68] : memref<16x128xi32, #tpu.memory_space<vmem>> -> memref<1x128xi32, #tpu.memory_space<vmem>>
          %dma_start3A_70 = tpu.memref_squeeze %dma_start3A_69 : memref<1x128xi32, #tpu.memory_space<vmem>> -> memref<128xi32, #tpu.memory_space<vmem>>
          %dma_start3A_71 = arith.constant 0 : i32
          %dma_start3A_72 = arith.constant 0 : i32
          %dma_start3A_73 = tpu.memref_slice %arg2[%dma_start3A_71, %dma_start3A_72] : memref<10240x128xf32, #tpu.memory_space<hbm>> -> memref<10240x128xf32, #tpu.memory_space<hbm>>
          tpu.enqueue_indirect_dma source(%dma_start3A_73 : memref<10240x128xf32, #tpu.memory_space<hbm>>) target(%arg9 : memref<128x128xf32, #tpu.memory_space<vmem>>) offsets(%dma_start3A_70 : memref<128xi32, #tpu.memory_space<vmem>>) semaphore(%arg11 : memref<!tpu.dma_semaphore, #tpu.memory_space<semaphore_mem>>)
        } else {
        }
        %add3A_64 = arith.constant 1 : i32
        %add3A_65 = arith.addi %mul3A_40, %add3A_64 : i32
        "tpu.region"() ({
          %run_scoped3A = tpu.sem_alloc : memref<!tpu.dma_semaphore, #tpu.memory_space<semaphore_mem>>
          %dma_start3A_66 = arith.constant 0 : i32
          %dma_start3A_67 = tpu.memref_slice %arg8[%add3A_65, %dma_start3A_66] : memref<16x128xi32, #tpu.memory_space<vmem>> -> memref<1x128xi32, #tpu.memory_space<vmem>>
          %dma_start3A_68 = tpu.memref_squeeze %dma_start3A_67 : memref<1x128xi32, #tpu.memory_space<vmem>> -> memref<128xi32, #tpu.memory_space<vmem>>
          %dma_start3A_69 = arith.constant 0 : i32
          %dma_start3A_70 = arith.constant 0 : i32
          %dma_start3A_71 = tpu.memref_slice %arg12[%dma_start3A_69, %dma_start3A_70] : memref<10240x128xf32, #tpu.memory_space<vmem_shared>> -> memref<10240x128xf32, #tpu.memory_space<vmem_shared>>
          tpu.enqueue_indirect_dma source(%arg10 : memref<128x128xf32, #tpu.memory_space<vmem>>) target(%dma_start3A_71 : memref<10240x128xf32, #tpu.memory_space<vmem_shared>>) offsets(%dma_start3A_68 : memref<128xi32, #tpu.memory_space<vmem>>) semaphore(%run_scoped3A : memref<!tpu.dma_semaphore, #tpu.memory_space<semaphore_mem>>) {add = true}
          %dma_wait3A_72 = arith.constant 0 : i32
          %dma_wait3A_73 = tpu.memref_slice %arg8[%add3A_65, %dma_wait3A_72] : memref<16x128xi32, #tpu.memory_space<vmem>> -> memref<1x128xi32, #tpu.memory_space<vmem>>
          %dma_wait3A_74 = tpu.memref_squeeze %dma_wait3A_73 : memref<1x128xi32, #tpu.memory_space<vmem>> -> memref<128xi32, #tpu.memory_space<vmem>>
          %dma_wait3A_75 = arith.constant 0 : i32
          %dma_wait3A_76 = arith.constant 0 : i32
          %dma_wait3A_77 = tpu.memref_slice %arg12[%dma_wait3A_75, %dma_wait3A_76] : memref<10240x128xf32, #tpu.memory_space<vmem_shared>> -> memref<10240x128xf32, #tpu.memory_space<vmem_shared>>
          tpu.wait_indirect_dma semaphore(%run_scoped3A : memref<!tpu.dma_semaphore, #tpu.memory_space<semaphore_mem>>) src(%arg10 : memref<128x128xf32, #tpu.memory_space<vmem>>) dst(%dma_wait3A_77 : memref<10240x128xf32, #tpu.memory_space<vmem_shared>>)
          tpu.yield
        }) : () -> ()
      }
      %scan3A_37 = arith.constant 8 : i32
    }
    %while3A_17 = arith.constant 1 : i32
    scf.for %while3A_23 = %while3A_15 to %while3A_11 step %while3A_17  : i32 {
      %mul3A_24 = arith.constant 16 : i32
      %mul3A_25 = arith.muli %while3A_23, %mul3A_24 : i32
      %add3A_26 = arith.addi %select_n3A_8, %mul3A_25 : i32
      "tpu.region"() ({
        %run_scoped3A = tpu.sem_alloc : memref<!tpu.dma_semaphore, #tpu.memory_space<semaphore_mem>>
        %dma_start3A_38 = arith.constant 0 : i32
        %dma_start3A_39 = tpu.memref_slice %arg3[%add3A_26, %dma_start3A_38] : memref<2560x128xi32, #tpu.memory_space<hbm>> -> memref<16x128xi32, #tpu.memory_space<hbm>>
        %dma_start3A_40 = arith.constant 0 : i32
        %dma_start3A_41 = tpu.memref_slice %arg3[%add3A_26, %dma_start3A_40] : memref<2560x128xi32, #tpu.memory_space<hbm>> -> memref<16x128xi32, #tpu.memory_space<hbm>>
        tpu.enqueue_dma source(%dma_start3A_41 : memref<16x128xi32, #tpu.memory_space<hbm>>) target(%arg7 : memref<16x128xi32, #tpu.memory_space<vmem>>) target_semaphore(%run_scoped3A : memref<!tpu.dma_semaphore, #tpu.memory_space<semaphore_mem>>)
        %dma_wait3A = arith.constant 0 : i32
        %dma_wait3A_42 = tpu.memref_slice %arg3[%add3A_26, %dma_wait3A] : memref<2560x128xi32, #tpu.memory_space<hbm>> -> memref<16x128xi32, #tpu.memory_space<hbm>>
        %dma_wait3A_43 = arith.constant 0 : i32
        %dma_wait3A_44 = tpu.memref_slice %arg3[%add3A_26, %dma_wait3A_43] : memref<2560x128xi32, #tpu.memory_space<hbm>> -> memref<16x128xi32, #tpu.memory_space<hbm>>
        tpu.wait_dma2 semaphore(%run_scoped3A : memref<!tpu.dma_semaphore, #tpu.memory_space<semaphore_mem>>) src(%dma_wait3A_44 : memref<16x128xi32, #tpu.memory_space<hbm>>) dst(%arg7 : memref<16x128xi32, #tpu.memory_space<vmem>>)
        tpu.yield
      }) : () -> ()
      "tpu.region"() ({
        %run_scoped3A = tpu.sem_alloc : memref<!tpu.dma_semaphore, #tpu.memory_space<semaphore_mem>>
        %dma_start3A_38 = arith.constant 0 : i32
        %dma_start3A_39 = tpu.memref_slice %arg4[%add3A_26, %dma_start3A_38] : memref<2560x128xi32, #tpu.memory_space<hbm>> -> memref<16x128xi32, #tpu.memory_space<hbm>>
        %dma_start3A_40 = arith.constant 0 : i32
        %dma_start3A_41 = tpu.memref_slice %arg4[%add3A_26, %dma_start3A_40] : memref<2560x128xi32, #tpu.memory_space<hbm>> -> memref<16x128xi32, #tpu.memory_space<hbm>>
        tpu.enqueue_dma source(%dma_start3A_41 : memref<16x128xi32, #tpu.memory_space<hbm>>) target(%arg8 : memref<16x128xi32, #tpu.memory_space<vmem>>) target_semaphore(%run_scoped3A : memref<!tpu.dma_semaphore, #tpu.memory_space<semaphore_mem>>)
        %dma_wait3A = arith.constant 0 : i32
        %dma_wait3A_42 = tpu.memref_slice %arg4[%add3A_26, %dma_wait3A] : memref<2560x128xi32, #tpu.memory_space<hbm>> -> memref<16x128xi32, #tpu.memory_space<hbm>>
        %dma_wait3A_43 = arith.constant 0 : i32
        %dma_wait3A_44 = tpu.memref_slice %arg4[%add3A_26, %dma_wait3A_43] : memref<2560x128xi32, #tpu.memory_space<hbm>> -> memref<16x128xi32, #tpu.memory_space<hbm>>
        tpu.wait_dma2 semaphore(%run_scoped3A : memref<!tpu.dma_semaphore, #tpu.memory_space<semaphore_mem>>) src(%dma_wait3A_44 : memref<16x128xi32, #tpu.memory_space<hbm>>) dst(%arg8 : memref<16x128xi32, #tpu.memory_space<vmem>>)
        tpu.yield
      }) : () -> ()
      %dma_start3A = arith.constant 0 : i32
      %dma_start3A_27 = arith.constant 0 : i32
      %dma_start3A_28 = tpu.memref_slice %arg7[%dma_start3A, %dma_start3A_27] : memref<16x128xi32, #tpu.memory_space<vmem>> -> memref<1x128xi32, #tpu.memory_space<vmem>>
      %dma_start3A_29 = tpu.memref_squeeze %dma_start3A_28 : memref<1x128xi32, #tpu.memory_space<vmem>> -> memref<128xi32, #tpu.memory_space<vmem>>
      %dma_start3A_30 = arith.constant 0 : i32
      %dma_start3A_31 = arith.constant 0 : i32
      %dma_start3A_32 = tpu.memref_slice %arg2[%dma_start3A_30, %dma_start3A_31] : memref<10240x128xf32, #tpu.memory_space<hbm>> -> memref<10240x128xf32, #tpu.memory_space<hbm>>
      tpu.enqueue_indirect_dma source(%dma_start3A_32 : memref<10240x128xf32, #tpu.memory_space<hbm>>) target(%arg9 : memref<128x128xf32, #tpu.memory_space<vmem>>) offsets(%dma_start3A_29 : memref<128xi32, #tpu.memory_space<vmem>>) semaphore(%arg11 : memref<!tpu.dma_semaphore, #tpu.memory_space<semaphore_mem>>)
      %scan3A = arith.constant 0 : i32
      %scan3A_33 = arith.constant 0 : i32
      %scan3A_34 = arith.constant 8 : i32
      %scan3A_35 = arith.addi %scan3A_33, %scan3A_34 : i32
      %scan3A_36 = arith.constant 1 : i32
      scf.for %scan3A_38 = %scan3A_33 to %scan3A_35 step %scan3A_36  : i32 {
        %mul3A_39 = arith.constant 2 : i32
        %mul3A_40 = arith.muli %mul3A_39, %scan3A_38 : i32
        %dma_wait3A = arith.constant 0 : i32
        %dma_wait3A_41 = arith.constant 0 : i32
        %dma_wait3A_42 = tpu.memref_slice %arg7[%dma_wait3A, %dma_wait3A_41] : memref<16x128xi32, #tpu.memory_space<vmem>> -> memref<1x128xi32, #tpu.memory_space<vmem>>
        %dma_wait3A_43 = tpu.memref_squeeze %dma_wait3A_42 : memref<1x128xi32, #tpu.memory_space<vmem>> -> memref<128xi32, #tpu.memory_space<vmem>>
        %dma_wait3A_44 = arith.constant 0 : i32
        %dma_wait3A_45 = arith.constant 0 : i32
        %dma_wait3A_46 = tpu.memref_slice %arg2[%dma_wait3A_44, %dma_wait3A_45] : memref<10240x128xf32, #tpu.memory_space<hbm>> -> memref<10240x128xf32, #tpu.memory_space<hbm>>
        tpu.wait_indirect_dma semaphore(%arg11 : memref<!tpu.dma_semaphore, #tpu.memory_space<semaphore_mem>>) src(%dma_wait3A_46 : memref<10240x128xf32, #tpu.memory_space<hbm>>) dst(%arg9 : memref<128x128xf32, #tpu.memory_space<vmem>>)
        %add3A_47 = arith.constant 1 : i32
        %add3A_48 = arith.addi %mul3A_40, %add3A_47 : i32
        %dma_start3A_49 = arith.constant 0 : i32
        %dma_start3A_50 = tpu.memref_slice %arg7[%add3A_48, %dma_start3A_49] : memref<16x128xi32, #tpu.memory_space<vmem>> -> memref<1x128xi32, #tpu.memory_space<vmem>>
        %dma_start3A_51 = tpu.memref_squeeze %dma_start3A_50 : memref<1x128xi32, #tpu.memory_space<vmem>> -> memref<128xi32, #tpu.memory_space<vmem>>
        %dma_start3A_52 = arith.constant 0 : i32
        %dma_start3A_53 = arith.constant 0 : i32
        %dma_start3A_54 = tpu.memref_slice %arg2[%dma_start3A_52, %dma_start3A_53] : memref<10240x128xf32, #tpu.memory_space<hbm>> -> memref<10240x128xf32, #tpu.memory_space<hbm>>
        tpu.enqueue_indirect_dma source(%dma_start3A_54 : memref<10240x128xf32, #tpu.memory_space<hbm>>) target(%arg10 : memref<128x128xf32, #tpu.memory_space<vmem>>) offsets(%dma_start3A_51 : memref<128xi32, #tpu.memory_space<vmem>>) semaphore(%arg11 : memref<!tpu.dma_semaphore, #tpu.memory_space<semaphore_mem>>)
        "tpu.region"() ({
          %run_scoped3A = tpu.sem_alloc : memref<!tpu.dma_semaphore, #tpu.memory_space<semaphore_mem>>
          %dma_start3A_66 = arith.constant 0 : i32
          %dma_start3A_67 = tpu.memref_slice %arg8[%mul3A_40, %dma_start3A_66] : memref<16x128xi32, #tpu.memory_space<vmem>> -> memref<1x128xi32, #tpu.memory_space<vmem>>
          %dma_start3A_68 = tpu.memref_squeeze %dma_start3A_67 : memref<1x128xi32, #tpu.memory_space<vmem>> -> memref<128xi32, #tpu.memory_space<vmem>>
          %dma_start3A_69 = arith.constant 0 : i32
          %dma_start3A_70 = arith.constant 0 : i32
          %dma_start3A_71 = tpu.memref_slice %arg12[%dma_start3A_69, %dma_start3A_70] : memref<10240x128xf32, #tpu.memory_space<vmem_shared>> -> memref<10240x128xf32, #tpu.memory_space<vmem_shared>>
          tpu.enqueue_indirect_dma source(%arg9 : memref<128x128xf32, #tpu.memory_space<vmem>>) target(%dma_start3A_71 : memref<10240x128xf32, #tpu.memory_space<vmem_shared>>) offsets(%dma_start3A_68 : memref<128xi32, #tpu.memory_space<vmem>>) semaphore(%run_scoped3A : memref<!tpu.dma_semaphore, #tpu.memory_space<semaphore_mem>>) {add = true}
          %dma_wait3A_72 = arith.constant 0 : i32
          %dma_wait3A_73 = tpu.memref_slice %arg8[%mul3A_40, %dma_wait3A_72] : memref<16x128xi32, #tpu.memory_space<vmem>> -> memref<1x128xi32, #tpu.memory_space<vmem>>
          %dma_wait3A_74 = tpu.memref_squeeze %dma_wait3A_73 : memref<1x128xi32, #tpu.memory_space<vmem>> -> memref<128xi32, #tpu.memory_space<vmem>>
          %dma_wait3A_75 = arith.constant 0 : i32
          %dma_wait3A_76 = arith.constant 0 : i32
          %dma_wait3A_77 = tpu.memref_slice %arg12[%dma_wait3A_75, %dma_wait3A_76] : memref<10240x128xf32, #tpu.memory_space<vmem_shared>> -> memref<10240x128xf32, #tpu.memory_space<vmem_shared>>
          tpu.wait_indirect_dma semaphore(%run_scoped3A : memref<!tpu.dma_semaphore, #tpu.memory_space<semaphore_mem>>) src(%arg9 : memref<128x128xf32, #tpu.memory_space<vmem>>) dst(%dma_wait3A_77 : memref<10240x128xf32, #tpu.memory_space<vmem_shared>>)
          tpu.yield
        }) : () -> ()
        %dma_wait3A_55 = arith.constant 0 : i32
        %dma_wait3A_56 = arith.constant 0 : i32
        %dma_wait3A_57 = tpu.memref_slice %arg7[%dma_wait3A_55, %dma_wait3A_56] : memref<16x128xi32, #tpu.memory_space<vmem>> -> memref<1x128xi32, #tpu.memory_space<vmem>>
        %dma_wait3A_58 = tpu.memref_squeeze %dma_wait3A_57 : memref<1x128xi32, #tpu.memory_space<vmem>> -> memref<128xi32, #tpu.memory_space<vmem>>
        %dma_wait3A_59 = arith.constant 0 : i32
        %dma_wait3A_60 = arith.constant 0 : i32
        %dma_wait3A_61 = tpu.memref_slice %arg2[%dma_wait3A_59, %dma_wait3A_60] : memref<10240x128xf32, #tpu.memory_space<hbm>> -> memref<10240x128xf32, #tpu.memory_space<hbm>>
        tpu.wait_indirect_dma semaphore(%arg11 : memref<!tpu.dma_semaphore, #tpu.memory_space<semaphore_mem>>) src(%dma_wait3A_61 : memref<10240x128xf32, #tpu.memory_space<hbm>>) dst(%arg10 : memref<128x128xf32, #tpu.memory_space<vmem>>)
        %lt3A = arith.constant 7 : i32
        %lt3A_62 = arith.cmpi slt, %scan3A_38, %lt3A : i32
        %convert_element_type3A = arith.extui %lt3A_62 : i1 to i32
        %cond3A = arith.constant 0 : i32
        %cond3A_63 = arith.cmpi ne, %convert_element_type3A, %cond3A : i32
        scf.if %cond3A_63 {
          %add3A_66 = arith.constant 2 : i32
          %add3A_67 = arith.addi %mul3A_40, %add3A_66 : i32
          %dma_start3A_68 = arith.constant 0 : i32
          %dma_start3A_69 = tpu.memref_slice %arg7[%add3A_67, %dma_start3A_68] : memref<16x128xi32, #tpu.memory_space<vmem>> -> memref<1x128xi32, #tpu.memory_space<vmem>>
          %dma_start3A_70 = tpu.memref_squeeze %dma_start3A_69 : memref<1x128xi32, #tpu.memory_space<vmem>> -> memref<128xi32, #tpu.memory_space<vmem>>
          %dma_start3A_71 = arith.constant 0 : i32
          %dma_start3A_72 = arith.constant 0 : i32
          %dma_start3A_73 = tpu.memref_slice %arg2[%dma_start3A_71, %dma_start3A_72] : memref<10240x128xf32, #tpu.memory_space<hbm>> -> memref<10240x128xf32, #tpu.memory_space<hbm>>
          tpu.enqueue_indirect_dma source(%dma_start3A_73 : memref<10240x128xf32, #tpu.memory_space<hbm>>) target(%arg9 : memref<128x128xf32, #tpu.memory_space<vmem>>) offsets(%dma_start3A_70 : memref<128xi32, #tpu.memory_space<vmem>>) semaphore(%arg11 : memref<!tpu.dma_semaphore, #tpu.memory_space<semaphore_mem>>)
        } else {
        }
        %add3A_64 = arith.constant 1 : i32
        %add3A_65 = arith.addi %mul3A_40, %add3A_64 : i32
        "tpu.region"() ({
          %run_scoped3A = tpu.sem_alloc : memref<!tpu.dma_semaphore, #tpu.memory_space<semaphore_mem>>
          %dma_start3A_66 = arith.constant 0 : i32
          %dma_start3A_67 = tpu.memref_slice %arg8[%add3A_65, %dma_start3A_66] : memref<16x128xi32, #tpu.memory_space<vmem>> -> memref<1x128xi32, #tpu.memory_space<vmem>>
          %dma_start3A_68 = tpu.memref_squeeze %dma_start3A_67 : memref<1x128xi32, #tpu.memory_space<vmem>> -> memref<128xi32, #tpu.memory_space<vmem>>
          %dma_start3A_69 = arith.constant 0 : i32
          %dma_start3A_70 = arith.constant 0 : i32
          %dma_start3A_71 = tpu.memref_slice %arg12[%dma_start3A_69, %dma_start3A_70] : memref<10240x128xf32, #tpu.memory_space<vmem_shared>> -> memref<10240x128xf32, #tpu.memory_space<vmem_shared>>
          tpu.enqueue_indirect_dma source(%arg10 : memref<128x128xf32, #tpu.memory_space<vmem>>) target(%dma_start3A_71 : memref<10240x128xf32, #tpu.memory_space<vmem_shared>>) offsets(%dma_start3A_68 : memref<128xi32, #tpu.memory_space<vmem>>) semaphore(%run_scoped3A : memref<!tpu.dma_semaphore, #tpu.memory_space<semaphore_mem>>) {add = true}
          %dma_wait3A_72 = arith.constant 0 : i32
          %dma_wait3A_73 = tpu.memref_slice %arg8[%add3A_65, %dma_wait3A_72] : memref<16x128xi32, #tpu.memory_space<vmem>> -> memref<1x128xi32, #tpu.memory_space<vmem>>
          %dma_wait3A_74 = tpu.memref_squeeze %dma_wait3A_73 : memref<1x128xi32, #tpu.memory_space<vmem>> -> memref<128xi32, #tpu.memory_space<vmem>>
          %dma_wait3A_75 = arith.constant 0 : i32
          %dma_wait3A_76 = arith.constant 0 : i32
          %dma_wait3A_77 = tpu.memref_slice %arg12[%dma_wait3A_75, %dma_wait3A_76] : memref<10240x128xf32, #tpu.memory_space<vmem_shared>> -> memref<10240x128xf32, #tpu.memory_space<vmem_shared>>
          tpu.wait_indirect_dma semaphore(%run_scoped3A : memref<!tpu.dma_semaphore, #tpu.memory_space<semaphore_mem>>) src(%arg10 : memref<128x128xf32, #tpu.memory_space<vmem>>) dst(%dma_wait3A_77 : memref<10240x128xf32, #tpu.memory_space<vmem_shared>>)
          tpu.yield
        }) : () -> ()
      }
      %scan3A_37 = arith.constant 8 : i32
    }
    %barrier3A_18 = arith.constant 0 : index
    tpu.barrier barrier_id(%barrier3A_18)
    %mul3A_19 = arith.constant 640 : i32
    %mul3A_20 = arith.muli %arg1, %mul3A_19 : i32
    %mul3A_21 = arith.constant 640 : i32
    %mul3A_22 = arith.muli %arg1, %mul3A_21 : i32
    "tpu.region"() ({
      %run_scoped3A = tpu.sem_alloc : memref<!tpu.dma_semaphore, #tpu.memory_space<semaphore_mem>>
      %dma_start3A = arith.constant 0 : i32
      %dma_start3A_23 = arith.constant 0 : i32
      %dma_start3A_24 = tpu.memref_slice %arg6[%arg0, %dma_start3A, %dma_start3A_23] : memref<2x10240x128xf32, #tpu.memory_space<hbm>> -> memref<1x10240x128xf32, #tpu.memory_space<hbm>>
      %dma_start3A_25 = tpu.memref_squeeze %dma_start3A_24 : memref<1x10240x128xf32, #tpu.memory_space<hbm>> -> memref<10240x128xf32, #tpu.memory_space<hbm>>
      %dma_start3A_26 = arith.constant 0 : i32
      %dma_start3A_27 = tpu.memref_slice %dma_start3A_25[%mul3A_22, %dma_start3A_26] : memref<10240x128xf32, #tpu.memory_space<hbm>> -> memref<640x128xf32, #tpu.memory_space<hbm>>
      %dma_start3A_28 = arith.constant 0 : i32
      %dma_start3A_29 = tpu.memref_slice %arg12[%mul3A_20, %dma_start3A_28] : memref<10240x128xf32, #tpu.memory_space<vmem_shared>> -> memref<640x128xf32, #tpu.memory_space<vmem_shared>>
      tpu.enqueue_dma source(%dma_start3A_29 : memref<640x128xf32, #tpu.memory_space<vmem_shared>>) target(%dma_start3A_27 : memref<640x128xf32, #tpu.memory_space<hbm>>) target_semaphore(%run_scoped3A : memref<!tpu.dma_semaphore, #tpu.memory_space<semaphore_mem>>)
      %dma_wait3A = arith.constant 0 : i32
      %dma_wait3A_30 = arith.constant 0 : i32
      %dma_wait3A_31 = tpu.memref_slice %arg6[%arg0, %dma_wait3A, %dma_wait3A_30] : memref<2x10240x128xf32, #tpu.memory_space<hbm>> -> memref<1x10240x128xf32, #tpu.memory_space<hbm>>
      %dma_wait3A_32 = tpu.memref_squeeze %dma_wait3A_31 : memref<1x10240x128xf32, #tpu.memory_space<hbm>> -> memref<10240x128xf32, #tpu.memory_space<hbm>>
      %dma_wait3A_33 = arith.constant 0 : i32
      %dma_wait3A_34 = tpu.memref_slice %dma_wait3A_32[%mul3A_22, %dma_wait3A_33] : memref<10240x128xf32, #tpu.memory_space<hbm>> -> memref<640x128xf32, #tpu.memory_space<hbm>>
      %dma_wait3A_35 = arith.constant 0 : i32
      %dma_wait3A_36 = tpu.memref_slice %arg12[%mul3A_20, %dma_wait3A_35] : memref<10240x128xf32, #tpu.memory_space<vmem_shared>> -> memref<640x128xf32, #tpu.memory_space<vmem_shared>>
      tpu.wait_dma2 semaphore(%run_scoped3A : memref<!tpu.dma_semaphore, #tpu.memory_space<semaphore_mem>>) src(%dma_wait3A_36 : memref<640x128xf32, #tpu.memory_space<vmem_shared>>) dst(%dma_wait3A_34 : memref<640x128xf32, #tpu.memory_space<hbm>>)
      tpu.yield
    }) : () -> ()
    return
  }
}

module attributes {stable_mosaic.version = 14 : i64} {
  func.func @_k23_body(%arg0: i32, %arg1: i32, %arg2: memref<2x256x128xf32, #tpu.memory_space<vmem>>, %arg3: memref<2x256x128xf32, #tpu.memory_space<vmem>>, %arg4: memref<256x128xf32, #tpu.memory_space<vmem>>, %arg5: memref<1x128xf32, #tpu.memory_space<vmem>>, %arg6: memref<1x128xf32, #tpu.memory_space<vmem>>, %arg7: memref<1x128xf32, #tpu.memory_space<vmem>>, %arg8: memref<128x128xf32, #tpu.memory_space<vmem>>, %arg9: memref<256x128xf32, #tpu.memory_space<vmem>>, %arg10: memref<10240x128xf32, #tpu.memory_space<vmem>>, %arg11: memref<2x128xf32, #tpu.memory_space<vmem>>) attributes {dimension_semantics = [#tpu.dimension_semantics<arbitrary>, #tpu.dimension_semantics<arbitrary>], iteration_bounds = array<i64: 2, 40>, scalar_prefetch = 0 : i64, scratch_operands = 2 : i64, tpu.core_type = #tpu.core_type<tc>, window_params = [{transform_indices = @transform_0, window_bounds = array<i64: 2, 256, 128>}, {transform_indices = @transform_1, window_bounds = array<i64: 2, 256, 128>}, {transform_indices = @transform_2, window_bounds = array<i64: 256, 128>}, {pipeline_mode = #tpu.pipeline_mode<synchronous>, transform_indices = @transform_3, window_bounds = array<i64: 1, 128>}, {pipeline_mode = #tpu.pipeline_mode<synchronous>, transform_indices = @transform_4, window_bounds = array<i64: 1, 128>}, {pipeline_mode = #tpu.pipeline_mode<synchronous>, transform_indices = @transform_5, window_bounds = array<i64: 1, 128>}, {pipeline_mode = #tpu.pipeline_mode<synchronous>, transform_indices = @transform_6, window_bounds = array<i64: 128, 128>}, {transform_indices = @transform_7, window_bounds = array<i64: 256, 128>}]} {
    %eq3A = arith.constant 0 : i32
    %eq3A_0 = arith.cmpi eq, %arg0, %eq3A : i32
    %convert_element_type3A = arith.extui %eq3A_0 : i1 to i32
    %cond3A = arith.constant 0 : i32
    %cond3A_1 = arith.cmpi ne, %convert_element_type3A, %cond3A : i32
    scf.if %cond3A_1 {
      %get3A = arith.constant 0 : index
      %get3A_7 = arith.constant 0 : index
      %get3A_8 = arith.constant 0 : index
      %get3A_9 = vector.load %arg2[%get3A, %get3A_7, %get3A_8] : memref<2x256x128xf32, #tpu.memory_space<vmem>>, vector<2x256x128xf32>
      %slice3A = vector.extract_strided_slice %get3A_9 {offsets = [0, 0, 0], sizes = [1, 256, 1], strides = [1, 1, 1]} : vector<2x256x128xf32> to vector<1x256x1xf32>
      %squeeze3A = vector.shape_cast %slice3A : vector<1x256x1xf32> to vector<256x1xf32>
      %slice3A_10 = vector.extract_strided_slice %get3A_9 {offsets = [1, 0, 0], sizes = [1, 256, 1], strides = [1, 1, 1]} : vector<2x256x128xf32> to vector<1x256x1xf32>
      %squeeze3A_11 = vector.shape_cast %slice3A_10 : vector<1x256x1xf32> to vector<256x1xf32>
      %add3A = arith.addf %squeeze3A, %squeeze3A_11 : vector<256x1xf32>
      %add3A_12 = arith.constant 1.000000e+00 : f32
      %add3A_13 = vector.broadcast %add3A_12 : f32 to vector<256x1xf32>
      %add3A_14 = arith.addf %add3A, %add3A_13 : vector<256x1xf32>
      %rsqrt3A = math.rsqrt %add3A_14 : vector<256x1xf32>
      %mul3A = arith.constant 256 : i32
      %mul3A_15 = arith.muli %arg1, %mul3A : i32
      %iota3A = tpu.iota {dimensions = array<i32: 0>} : vector<256x1xi32>
      %add3A_16 = vector.broadcast %mul3A_15 : i32 to vector<256x1xi32>
      %add3A_17 = arith.addi %add3A_16, %iota3A : vector<256x1xi32>
      %lt3A = arith.constant 10000 : i32
      %lt3A_18 = vector.broadcast %lt3A : i32 to vector<256x1xi32>
      %lt3A_19 = arith.cmpi slt, %add3A_17, %lt3A_18 : vector<256x1xi32>
      %jit3A = arith.constant 0.000000e+00 : f32
      %broadcast_in_dim3A = vector.broadcast %jit3A : f32 to vector<256x1xf32>
      %select_n3A = arith.select %lt3A_19, %rsqrt3A, %broadcast_in_dim3A : vector<256x1xi1>, vector<256x1xf32>
      %get3A_20 = arith.constant 0 : index
      %get3A_21 = arith.constant 0 : index
      %get3A_22 = arith.constant 0 : index
      %get3A_23 = vector.load %arg3[%get3A_20, %get3A_21, %get3A_22] : memref<2x256x128xf32, #tpu.memory_space<vmem>>, vector<1x256x128xf32>
      %get3A_24 = vector.shape_cast %get3A_23 : vector<1x256x128xf32> to vector<256x128xf32>
      %get3A_25 = arith.constant 1 : index
      %get3A_26 = arith.constant 0 : index
      %get3A_27 = arith.constant 0 : index
      %get3A_28 = vector.load %arg3[%get3A_25, %get3A_26, %get3A_27] : memref<2x256x128xf32, #tpu.memory_space<vmem>>, vector<1x256x128xf32>
      %get3A_29 = vector.shape_cast %get3A_28 : vector<1x256x128xf32> to vector<256x128xf32>
      %add3A_30 = arith.addf %get3A_24, %get3A_29 : vector<256x128xf32>
      %get3A_31 = arith.constant 0 : index
      %get3A_32 = arith.constant 0 : index
      %get3A_33 = vector.load %arg4[%get3A_31, %get3A_32] : memref<256x128xf32, #tpu.memory_space<vmem>>, vector<256x128xf32>
      %add3A_34 = arith.addf %add3A_30, %get3A_33 : vector<256x128xf32>
      %mul3A_35 = vector.broadcast %select_n3A : vector<256x1xf32> to vector<256x128xf32>
      %mul3A_36 = arith.mulf %mul3A_35, %add3A_34 : vector<256x128xf32>
      %get3A_37 = arith.constant 0 : index
      %get3A_38 = arith.constant 0 : index
      %get3A_39 = vector.load %arg5[%get3A_37, %get3A_38] : memref<1x128xf32, #tpu.memory_space<vmem>>, vector<1x128xf32>
      %add3A_40 = vector.broadcast %get3A_39 : vector<1x128xf32> to vector<256x128xf32>
      %add3A_41 = arith.addf %mul3A_36, %add3A_40 : vector<256x128xf32>
      %mul3A_42 = arith.constant 256 : i32
      %mul3A_43 = arith.muli %arg1, %mul3A_42 : i32
      %swap3A = arith.index_cast %mul3A_43 : i32 to index
      %swap3A_44 = arith.constant 0 : index
      %swap3A_45 = vector.load %arg10[%swap3A, %swap3A_44] : memref<10240x128xf32, #tpu.memory_space<vmem>>, vector<256x128xf32>
      tpu.vector_store %arg10[%swap3A, %swap3A_44], %add3A_41 {strides = array<i32>} : memref<10240x128xf32, #tpu.memory_space<vmem>>, vector<256x128xf32>,
      %eq3A_46 = arith.constant 0 : i32
      %eq3A_47 = arith.cmpi eq, %arg1, %eq3A_46 : i32
      %convert_element_type3A_48 = arith.extui %eq3A_47 : i1 to i32
      %cond3A_49 = arith.constant 0 : i32
      %cond3A_50 = arith.cmpi ne, %convert_element_type3A_48, %cond3A_49 : i32
      scf.if %cond3A_50 {
        %broadcast_in_dim3A_84 = arith.constant 0.000000e+00 : f32
        %broadcast_in_dim3A_85 = vector.broadcast %broadcast_in_dim3A_84 : f32 to vector<2x128xf32>
        %swap3A_86 = arith.constant 0 : index
        %swap3A_87 = arith.constant 0 : index
        %swap3A_88 = vector.load %arg11[%swap3A_86, %swap3A_87] : memref<2x128xf32, #tpu.memory_space<vmem>>, vector<2x128xf32>
        tpu.vector_store %arg11[%swap3A_86, %swap3A_87], %broadcast_in_dim3A_85 {strides = array<i32>} : memref<2x128xf32, #tpu.memory_space<vmem>>, vector<2x128xf32>,
      } else {
      }
      %mul3A_51 = arith.constant 256 : i32
      %mul3A_52 = arith.muli %arg1, %mul3A_51 : i32
      %iota3A_53 = tpu.iota {dimensions = array<i32: 0>} : vector<256x1xi32>
      %add3A_54 = vector.broadcast %mul3A_52 : i32 to vector<256x1xi32>
      %add3A_55 = arith.addi %add3A_54, %iota3A_53 : vector<256x1xi32>
      %lt3A_56 = arith.constant 10000 : i32
      %lt3A_57 = vector.broadcast %lt3A_56 : i32 to vector<256x1xi32>
      %lt3A_58 = arith.cmpi slt, %add3A_55, %lt3A_57 : vector<256x1xi32>
      %jit3A_59 = arith.constant 0.000000e+00 : f32
      %broadcast_in_dim3A_60 = vector.shape_cast %lt3A_58 : vector<256x1xi1> to vector<256x1xi1>
      %broadcast_in_dim3A_61 = vector.broadcast %broadcast_in_dim3A_60 : vector<256x1xi1> to vector<256x128xi1>
      %broadcast_in_dim3A_62 = vector.broadcast %jit3A_59 : f32 to vector<256x128xf32>
      %select_n3A_63 = arith.select %broadcast_in_dim3A_61, %add3A_41, %broadcast_in_dim3A_62 : vector<256x128xi1>, vector<256x128xf32>
      %get3A_64 = arith.constant 0 : index
      %get3A_65 = arith.constant 0 : index
      %get3A_66 = vector.load %arg11[%get3A_64, %get3A_65] : memref<2x128xf32, #tpu.memory_space<vmem>>, vector<1x128xf32>
      %reduce_sum3A = arith.constant dense<0.000000e+00> : vector<128xf32>
      %reduce_sum3A_67 = vector.multi_reduction <add>, %select_n3A_63, %reduce_sum3A [0] : vector<256x128xf32> to vector<128xf32>
      %broadcast_in_dim3A_68 = vector.shape_cast %reduce_sum3A_67 : vector<128xf32> to vector<1x128xf32>
      %add3A_69 = arith.addf %get3A_66, %broadcast_in_dim3A_68 : vector<1x128xf32>
      %swap3A_70 = arith.constant 0 : index
      %swap3A_71 = arith.constant 0 : index
      %swap3A_72 = vector.load %arg11[%swap3A_70, %swap3A_71] : memref<2x128xf32, #tpu.memory_space<vmem>>, vector<1x128xf32>
      tpu.vector_store %arg11[%swap3A_70, %swap3A_71], %add3A_69 {strides = array<i32>} : memref<2x128xf32, #tpu.memory_space<vmem>>, vector<1x128xf32>,
      %get3A_73 = arith.constant 1 : index
      %get3A_74 = arith.constant 0 : index
      %get3A_75 = vector.load %arg11[%get3A_73, %get3A_74] : memref<2x128xf32, #tpu.memory_space<vmem>>, vector<1x128xf32>
      %mul3A_76 = arith.mulf %select_n3A_63, %select_n3A_63 : vector<256x128xf32>
      %reduce_sum3A_77 = arith.constant dense<0.000000e+00> : vector<128xf32>
      %reduce_sum3A_78 = vector.multi_reduction <add>, %mul3A_76, %reduce_sum3A_77 [0] : vector<256x128xf32> to vector<128xf32>
      %broadcast_in_dim3A_79 = vector.shape_cast %reduce_sum3A_78 : vector<128xf32> to vector<1x128xf32>
      %add3A_80 = arith.addf %get3A_75, %broadcast_in_dim3A_79 : vector<1x128xf32>
      %swap3A_81 = arith.constant 1 : index
      %swap3A_82 = arith.constant 0 : index
      %swap3A_83 = vector.load %arg11[%swap3A_81, %swap3A_82] : memref<2x128xf32, #tpu.memory_space<vmem>>, vector<1x128xf32>
      tpu.vector_store %arg11[%swap3A_81, %swap3A_82], %add3A_80 {strides = array<i32>} : memref<2x128xf32, #tpu.memory_space<vmem>>, vector<1x128xf32>,
    } else {
    }
    %eq3A_2 = arith.constant 1 : i32
    %eq3A_3 = arith.cmpi eq, %arg0, %eq3A_2 : i32
    %convert_element_type3A_4 = arith.extui %eq3A_3 : i1 to i32
    %cond3A_5 = arith.constant 0 : i32
    %cond3A_6 = arith.cmpi ne, %convert_element_type3A_4, %cond3A_5 : i32
    scf.if %cond3A_6 {
      %get3A = arith.constant 0 : index
      %get3A_7 = arith.constant 0 : index
      %get3A_8 = vector.load %arg11[%get3A, %get3A_7] : memref<2x128xf32, #tpu.memory_space<vmem>>, vector<1x128xf32>
      %div3A = arith.constant 1.000000e+04 : f32
      %div3A_9 = vector.broadcast %div3A : f32 to vector<1x128xf32>
      %div3A_10 = arith.divf %get3A_8, %div3A_9 : vector<1x128xf32>
      %get3A_11 = arith.constant 1 : index
      %get3A_12 = arith.constant 0 : index
      %get3A_13 = vector.load %arg11[%get3A_11, %get3A_12] : memref<2x128xf32, #tpu.memory_space<vmem>>, vector<1x128xf32>
      %div3A_14 = arith.constant 1.000000e+04 : f32
      %div3A_15 = vector.broadcast %div3A_14 : f32 to vector<1x128xf32>
      %div3A_16 = arith.divf %get3A_13, %div3A_15 : vector<1x128xf32>
      %mul3A = arith.mulf %div3A_10, %div3A_10 : vector<1x128xf32>
      %sub3A = arith.subf %div3A_16, %mul3A : vector<1x128xf32>
      %add3A = arith.constant 9.99999974E-6 : f32
      %add3A_17 = vector.broadcast %add3A : f32 to vector<1x128xf32>
      %add3A_18 = arith.addf %sub3A, %add3A_17 : vector<1x128xf32>
      %rsqrt3A = math.rsqrt %add3A_18 : vector<1x128xf32>
      %mul3A_19 = arith.constant 256 : i32
      %mul3A_20 = arith.muli %arg1, %mul3A_19 : i32
      %get3A_21 = arith.index_cast %mul3A_20 : i32 to index
      %get3A_22 = arith.constant 0 : index
      %get3A_23 = vector.load %arg10[%get3A_21, %get3A_22] : memref<10240x128xf32, #tpu.memory_space<vmem>>, vector<256x128xf32>
      %sub3A_24 = vector.broadcast %div3A_10 : vector<1x128xf32> to vector<256x128xf32>
      %sub3A_25 = arith.subf %get3A_23, %sub3A_24 : vector<256x128xf32>
      %mul3A_26 = vector.broadcast %rsqrt3A : vector<1x128xf32> to vector<256x128xf32>
      %mul3A_27 = arith.mulf %sub3A_25, %mul3A_26 : vector<256x128xf32>
      %get3A_28 = arith.constant 0 : index
      %get3A_29 = arith.constant 0 : index
      %get3A_30 = vector.load %arg6[%get3A_28, %get3A_29] : memref<1x128xf32, #tpu.memory_space<vmem>>, vector<1x128xf32>
      %mul3A_31 = vector.broadcast %get3A_30 : vector<1x128xf32> to vector<256x128xf32>
      %mul3A_32 = arith.mulf %mul3A_27, %mul3A_31 : vector<256x128xf32>
      %get3A_33 = arith.constant 0 : index
      %get3A_34 = arith.constant 0 : index
      %get3A_35 = vector.load %arg7[%get3A_33, %get3A_34] : memref<1x128xf32, #tpu.memory_space<vmem>>, vector<1x128xf32>
      %add3A_36 = vector.broadcast %get3A_35 : vector<1x128xf32> to vector<256x128xf32>
      %add3A_37 = arith.addf %mul3A_32, %add3A_36 : vector<256x128xf32>
      %max3A = arith.constant 0.000000e+00 : f32
      %max3A_38 = vector.broadcast %max3A : f32 to vector<256x128xf32>
      %max3A_39 = arith.maximumf %add3A_37, %max3A_38 : vector<256x128xf32>
      %get3A_40 = arith.constant 0 : index
      %get3A_41 = arith.constant 0 : index
      %get3A_42 = arith.constant 0 : index
      %get3A_43 = vector.load %arg2[%get3A_40, %get3A_41, %get3A_42] : memref<2x256x128xf32, #tpu.memory_space<vmem>>, vector<2x256x128xf32>
      %slice3A = vector.extract_strided_slice %get3A_43 {offsets = [0, 0, 0], sizes = [1, 256, 1], strides = [1, 1, 1]} : vector<2x256x128xf32> to vector<1x256x1xf32>
      %squeeze3A = vector.shape_cast %slice3A : vector<1x256x1xf32> to vector<256x1xf32>
      %slice3A_44 = vector.extract_strided_slice %get3A_43 {offsets = [1, 0, 0], sizes = [1, 256, 1], strides = [1, 1, 1]} : vector<2x256x128xf32> to vector<1x256x1xf32>
      %squeeze3A_45 = vector.shape_cast %slice3A_44 : vector<1x256x1xf32> to vector<256x1xf32>
      %add3A_46 = arith.addf %squeeze3A, %squeeze3A_45 : vector<256x1xf32>
      %add3A_47 = arith.constant 1.000000e+00 : f32
      %add3A_48 = vector.broadcast %add3A_47 : f32 to vector<256x1xf32>
      %add3A_49 = arith.addf %add3A_46, %add3A_48 : vector<256x1xf32>
      %rsqrt3A_50 = math.rsqrt %add3A_49 : vector<256x1xf32>
      %mul3A_51 = arith.constant 256 : i32
      %mul3A_52 = arith.muli %arg1, %mul3A_51 : i32
      %iota3A = tpu.iota {dimensions = array<i32: 0>} : vector<256x1xi32>
      %add3A_53 = vector.broadcast %mul3A_52 : i32 to vector<256x1xi32>
      %add3A_54 = arith.addi %add3A_53, %iota3A : vector<256x1xi32>
      %lt3A = arith.constant 10000 : i32
      %lt3A_55 = vector.broadcast %lt3A : i32 to vector<256x1xi32>
      %lt3A_56 = arith.cmpi slt, %add3A_54, %lt3A_55 : vector<256x1xi32>
      %jit3A = arith.constant 0.000000e+00 : f32
      %broadcast_in_dim3A = vector.broadcast %jit3A : f32 to vector<256x1xf32>
      %select_n3A = arith.select %lt3A_56, %rsqrt3A_50, %broadcast_in_dim3A : vector<256x1xi1>, vector<256x1xf32>
      %get3A_57 = arith.constant 0 : index
      %get3A_58 = arith.constant 0 : index
      %get3A_59 = vector.load %arg8[%get3A_57, %get3A_58] : memref<128x128xf32, #tpu.memory_space<vmem>>, vector<128x128xf32>
      %dot_general3A = arith.constant dense<0.000000e+00> : vector<256x128xf32>
      %dot_general3A_60 = tpu.matmul %max3A_39, %get3A_59, %dot_general3A {dimension_numbers = #tpu.dot_dimension_numbers<[1], [0], [0], [1], [0, 0, 1, 1], [], []>, transpose_lhs_hint = false} : vector<256x128xf32>, vector<128x128xf32>, vector<256x128xf32> -> vector<256x128xf32>
      %mul3A_61 = vector.broadcast %select_n3A : vector<256x1xf32> to vector<256x128xf32>
      %mul3A_62 = arith.mulf %mul3A_61, %dot_general3A_60 : vector<256x128xf32>
      %swap3A = arith.constant 0 : index
      %swap3A_63 = arith.constant 0 : index
      %swap3A_64 = vector.load %arg9[%swap3A, %swap3A_63] : memref<256x128xf32, #tpu.memory_space<vmem>>, vector<256x128xf32>
      tpu.vector_store %arg9[%swap3A, %swap3A_63], %mul3A_62 {strides = array<i32>} : memref<256x128xf32, #tpu.memory_space<vmem>>, vector<256x128xf32>,
    } else {
    }
    return
  }
  func.func @transform_0(%arg0: i32, %arg1: i32) -> (i32, i32, i32) {
    %c0_i32 = arith.constant 0 : i32
    %c0_i32_0 = arith.constant 0 : i32
    %c0_i32_1 = arith.constant 0 : i32
    return %c0_i32, %arg1, %c0_i32_0 : i32, i32, i32
  }
  func.func @transform_1(%arg0: i32, %arg1: i32) -> (i32, i32, i32) {
    %eq3A = arith.constant 0 : i32
    %eq3A_0 = arith.cmpi eq, %arg0, %eq3A : i32
    %jit3A = arith.constant 0 : i32
    %select_n3A = arith.select %eq3A_0, %arg1, %jit3A : i32
    %c0_i32 = arith.constant 0 : i32
    %c0_i32_1 = arith.constant 0 : i32
    %c0_i32_2 = arith.constant 0 : i32
    return %c0_i32, %select_n3A, %c0_i32_1 : i32, i32, i32
  }
  func.func @transform_2(%arg0: i32, %arg1: i32) -> (i32, i32) {
    %eq3A = arith.constant 0 : i32
    %eq3A_0 = arith.cmpi eq, %arg0, %eq3A : i32
    %jit3A = arith.constant 0 : i32
    %select_n3A = arith.select %eq3A_0, %arg1, %jit3A : i32
    %c0_i32 = arith.constant 0 : i32
    %c0_i32_1 = arith.constant 0 : i32
    return %select_n3A, %c0_i32 : i32, i32
  }
  func.func @transform_3(%arg0: i32, %arg1: i32) -> (i32, i32) {
    %c0_i32 = arith.constant 0 : i32
    %c0_i32_0 = arith.constant 0 : i32
    %c0_i32_1 = arith.constant 0 : i32
    return %c0_i32, %c0_i32_0 : i32, i32
  }
  func.func @transform_4(%arg0: i32, %arg1: i32) -> (i32, i32) {
    %c0_i32 = arith.constant 0 : i32
    %c0_i32_0 = arith.constant 0 : i32
    %c0_i32_1 = arith.constant 0 : i32
    return %c0_i32, %c0_i32_0 : i32, i32
  }
  func.func @transform_5(%arg0: i32, %arg1: i32) -> (i32, i32) {
    %c0_i32 = arith.constant 0 : i32
    %c0_i32_0 = arith.constant 0 : i32
    %c0_i32_1 = arith.constant 0 : i32
    return %c0_i32, %c0_i32_0 : i32, i32
  }
  func.func @transform_6(%arg0: i32, %arg1: i32) -> (i32, i32) {
    %c0_i32 = arith.constant 0 : i32
    %c0_i32_0 = arith.constant 0 : i32
    %c0_i32_1 = arith.constant 0 : i32
    return %c0_i32, %c0_i32_0 : i32, i32
  }
  func.func @transform_7(%arg0: i32, %arg1: i32) -> (i32, i32) {
    %c0_i32 = arith.constant 0 : i32
    %c0_i32_0 = arith.constant 0 : i32
    return %arg1, %c0_i32 : i32, i32
  }
}

module attributes {stable_mosaic.version = 14 : i64} {
  func.func @_k1_body(%arg0: i32, %arg1: memref<2x256x128xf32, #tpu.memory_space<vmem>>, %arg2: memref<256x128xf32, #tpu.memory_space<vmem>>, %arg3: memref<128x128xf32, #tpu.memory_space<vmem>>, %arg4: memref<256x128xf32, #tpu.memory_space<vmem>>) attributes {dimension_semantics = [#tpu.dimension_semantics<arbitrary>], iteration_bounds = array<i64: 40>, scalar_prefetch = 0 : i64, scratch_operands = 0 : i64, tpu.core_type = #tpu.core_type<tc>, window_params = [{transform_indices = @transform_0, window_bounds = array<i64: 2, 256, 128>}, {transform_indices = @transform_1, window_bounds = array<i64: 256, 128>}, {pipeline_mode = #tpu.pipeline_mode<synchronous>, transform_indices = @transform_2, window_bounds = array<i64: 128, 128>}, {transform_indices = @transform_3, window_bounds = array<i64: 256, 128>}]} {
    %get3A = arith.constant 0 : index
    %get3A_0 = arith.constant 0 : index
    %get3A_1 = arith.constant 0 : index
    %get3A_2 = vector.load %arg1[%get3A, %get3A_0, %get3A_1] : memref<2x256x128xf32, #tpu.memory_space<vmem>>, vector<2x256x128xf32>
    %slice3A = vector.extract_strided_slice %get3A_2 {offsets = [0, 0, 0], sizes = [1, 256, 1], strides = [1, 1, 1]} : vector<2x256x128xf32> to vector<1x256x1xf32>
    %squeeze3A = vector.shape_cast %slice3A : vector<1x256x1xf32> to vector<256x1xf32>
    %slice3A_3 = vector.extract_strided_slice %get3A_2 {offsets = [1, 0, 0], sizes = [1, 256, 1], strides = [1, 1, 1]} : vector<2x256x128xf32> to vector<1x256x1xf32>
    %squeeze3A_4 = vector.shape_cast %slice3A_3 : vector<1x256x1xf32> to vector<256x1xf32>
    %add3A = arith.addf %squeeze3A, %squeeze3A_4 : vector<256x1xf32>
    %add3A_5 = arith.constant 1.000000e+00 : f32
    %add3A_6 = vector.broadcast %add3A_5 : f32 to vector<256x1xf32>
    %add3A_7 = arith.addf %add3A, %add3A_6 : vector<256x1xf32>
    %rsqrt3A = math.rsqrt %add3A_7 : vector<256x1xf32>
    %mul3A = arith.constant 256 : i32
    %mul3A_8 = arith.muli %arg0, %mul3A : i32
    %iota3A = tpu.iota {dimensions = array<i32: 0>} : vector<256x1xi32>
    %add3A_9 = vector.broadcast %mul3A_8 : i32 to vector<256x1xi32>
    %add3A_10 = arith.addi %add3A_9, %iota3A : vector<256x1xi32>
    %lt3A = arith.constant 10000 : i32
    %lt3A_11 = vector.broadcast %lt3A : i32 to vector<256x1xi32>
    %lt3A_12 = arith.cmpi slt, %add3A_10, %lt3A_11 : vector<256x1xi32>
    %jit3A = arith.constant 0.000000e+00 : f32
    %broadcast_in_dim3A = vector.broadcast %jit3A : f32 to vector<256x1xf32>
    %select_n3A = arith.select %lt3A_12, %rsqrt3A, %broadcast_in_dim3A : vector<256x1xi1>, vector<256x1xf32>
    %get3A_13 = arith.constant 0 : index
    %get3A_14 = arith.constant 0 : index
    %get3A_15 = vector.load %arg2[%get3A_13, %get3A_14] : memref<256x128xf32, #tpu.memory_space<vmem>>, vector<256x128xf32>
    %get3A_16 = arith.constant 0 : index
    %get3A_17 = arith.constant 0 : index
    %get3A_18 = vector.load %arg3[%get3A_16, %get3A_17] : memref<128x128xf32, #tpu.memory_space<vmem>>, vector<128x128xf32>
    %dot_general3A = arith.constant dense<0.000000e+00> : vector<256x128xf32>
    %dot_general3A_19 = tpu.matmul %get3A_15, %get3A_18, %dot_general3A {dimension_numbers = #tpu.dot_dimension_numbers<[1], [0], [0], [1], [0, 0, 1, 1], [], []>, transpose_lhs_hint = false} : vector<256x128xf32>, vector<128x128xf32>, vector<256x128xf32> -> vector<256x128xf32>
    %mul3A_20 = vector.broadcast %select_n3A : vector<256x1xf32> to vector<256x128xf32>
    %mul3A_21 = arith.mulf %mul3A_20, %dot_general3A_19 : vector<256x128xf32>
    %swap3A = arith.constant 0 : index
    %swap3A_22 = arith.constant 0 : index
    %swap3A_23 = vector.load %arg4[%swap3A, %swap3A_22] : memref<256x128xf32, #tpu.memory_space<vmem>>, vector<256x128xf32>
    tpu.vector_store %arg4[%swap3A, %swap3A_22], %mul3A_21 {strides = array<i32>} : memref<256x128xf32, #tpu.memory_space<vmem>>, vector<256x128xf32>,
    return
  }
  func.func @transform_0(%arg0: i32) -> (i32, i32, i32) {
    %c0_i32 = arith.constant 0 : i32
    %c0_i32_0 = arith.constant 0 : i32
    %c0_i32_1 = arith.constant 0 : i32
    return %c0_i32, %arg0, %c0_i32_0 : i32, i32, i32
  }
  func.func @transform_1(%arg0: i32) -> (i32, i32) {
    %c0_i32 = arith.constant 0 : i32
    %c0_i32_0 = arith.constant 0 : i32
    return %arg0, %c0_i32 : i32, i32
  }
  func.func @transform_2(%arg0: i32) -> (i32, i32) {
    %c0_i32 = arith.constant 0 : i32
    %c0_i32_0 = arith.constant 0 : i32
    %c0_i32_1 = arith.constant 0 : i32
    return %c0_i32, %c0_i32_0 : i32, i32
  }
  func.func @transform_3(%arg0: i32) -> (i32, i32) {
    %c0_i32 = arith.constant 0 : i32
    %c0_i32_0 = arith.constant 0 : i32
    return %arg0, %c0_i32 : i32, i32
  }
}

module attributes {stable_mosaic.version = 14 : i64} {
  func.func @_k2f_body(%arg0: i32, %arg1: i32, %arg2: memref<2x256x128xf32, #tpu.memory_space<vmem>>, %arg3: memref<2x256x128xf32, #tpu.memory_space<vmem>>, %arg4: memref<256x128xf32, #tpu.memory_space<vmem>>, %arg5: memref<1x128xf32, #tpu.memory_space<vmem>>, %arg6: memref<1x128xf32, #tpu.memory_space<vmem>>, %arg7: memref<1x128xf32, #tpu.memory_space<vmem>>, %arg8: memref<128x64xf32, #tpu.memory_space<vmem>>, %arg9: memref<1x64xf32, #tpu.memory_space<vmem>>, %arg10: memref<64x1xf32, #tpu.memory_space<vmem>>, %arg11: memref<1x1xf32, #tpu.memory_space<vmem>>, %arg12: memref<256x1xf32, #tpu.memory_space<vmem>>, %arg13: memref<10240x128xf32, #tpu.memory_space<vmem>>, %arg14: memref<2x128xf32, #tpu.memory_space<vmem>>) attributes {dimension_semantics = [#tpu.dimension_semantics<arbitrary>, #tpu.dimension_semantics<arbitrary>], iteration_bounds = array<i64: 2, 40>, scalar_prefetch = 0 : i64, scratch_operands = 2 : i64, tpu.core_type = #tpu.core_type<tc>, window_params = [{transform_indices = @transform_0, window_bounds = array<i64: 2, 256, 128>}, {transform_indices = @transform_1, window_bounds = array<i64: 2, 256, 128>}, {transform_indices = @transform_2, window_bounds = array<i64: 256, 128>}, {pipeline_mode = #tpu.pipeline_mode<synchronous>, transform_indices = @transform_3, window_bounds = array<i64: 1, 128>}, {pipeline_mode = #tpu.pipeline_mode<synchronous>, transform_indices = @transform_4, window_bounds = array<i64: 1, 128>}, {pipeline_mode = #tpu.pipeline_mode<synchronous>, transform_indices = @transform_5, window_bounds = array<i64: 1, 128>}, {pipeline_mode = #tpu.pipeline_mode<synchronous>, transform_indices = @transform_6, window_bounds = array<i64: 128, 64>}, {pipeline_mode = #tpu.pipeline_mode<synchronous>, transform_indices = @transform_7, window_bounds = array<i64: 1, 64>}, {pipeline_mode = #tpu.pipeline_mode<synchronous>, transform_indices = @transform_8, window_bounds = array<i64: 64, 1>}, {pipeline_mode = #tpu.pipeline_mode<synchronous>, transform_indices = @transform_9, window_bounds = array<i64: 1, 1>}, {transform_indices = @transform_10, window_bounds = array<i64: 256, 1>}]} {
    %eq3A = arith.constant 0 : i32
    %eq3A_0 = arith.cmpi eq, %arg0, %eq3A : i32
    %convert_element_type3A = arith.extui %eq3A_0 : i1 to i32
    %cond3A = arith.constant 0 : i32
    %cond3A_1 = arith.cmpi ne, %convert_element_type3A, %cond3A : i32
    scf.if %cond3A_1 {
      %get3A = arith.constant 0 : index
      %get3A_7 = arith.constant 0 : index
      %get3A_8 = arith.constant 0 : index
      %get3A_9 = vector.load %arg2[%get3A, %get3A_7, %get3A_8] : memref<2x256x128xf32, #tpu.memory_space<vmem>>, vector<2x256x128xf32>
      %slice3A = vector.extract_strided_slice %get3A_9 {offsets = [0, 0, 0], sizes = [1, 256, 1], strides = [1, 1, 1]} : vector<2x256x128xf32> to vector<1x256x1xf32>
      %squeeze3A = vector.shape_cast %slice3A : vector<1x256x1xf32> to vector<256x1xf32>
      %slice3A_10 = vector.extract_strided_slice %get3A_9 {offsets = [1, 0, 0], sizes = [1, 256, 1], strides = [1, 1, 1]} : vector<2x256x128xf32> to vector<1x256x1xf32>
      %squeeze3A_11 = vector.shape_cast %slice3A_10 : vector<1x256x1xf32> to vector<256x1xf32>
      %add3A = arith.addf %squeeze3A, %squeeze3A_11 : vector<256x1xf32>
      %add3A_12 = arith.constant 1.000000e+00 : f32
      %add3A_13 = vector.broadcast %add3A_12 : f32 to vector<256x1xf32>
      %add3A_14 = arith.addf %add3A, %add3A_13 : vector<256x1xf32>
      %rsqrt3A = math.rsqrt %add3A_14 : vector<256x1xf32>
      %mul3A = arith.constant 256 : i32
      %mul3A_15 = arith.muli %arg1, %mul3A : i32
      %iota3A = tpu.iota {dimensions = array<i32: 0>} : vector<256x1xi32>
      %add3A_16 = vector.broadcast %mul3A_15 : i32 to vector<256x1xi32>
      %add3A_17 = arith.addi %add3A_16, %iota3A : vector<256x1xi32>
      %lt3A = arith.constant 10000 : i32
      %lt3A_18 = vector.broadcast %lt3A : i32 to vector<256x1xi32>
      %lt3A_19 = arith.cmpi slt, %add3A_17, %lt3A_18 : vector<256x1xi32>
      %jit3A = arith.constant 0.000000e+00 : f32
      %broadcast_in_dim3A = vector.broadcast %jit3A : f32 to vector<256x1xf32>
      %select_n3A = arith.select %lt3A_19, %rsqrt3A, %broadcast_in_dim3A : vector<256x1xi1>, vector<256x1xf32>
      %get3A_20 = arith.constant 0 : index
      %get3A_21 = arith.constant 0 : index
      %get3A_22 = arith.constant 0 : index
      %get3A_23 = vector.load %arg3[%get3A_20, %get3A_21, %get3A_22] : memref<2x256x128xf32, #tpu.memory_space<vmem>>, vector<1x256x128xf32>
      %get3A_24 = vector.shape_cast %get3A_23 : vector<1x256x128xf32> to vector<256x128xf32>
      %get3A_25 = arith.constant 1 : index
      %get3A_26 = arith.constant 0 : index
      %get3A_27 = arith.constant 0 : index
      %get3A_28 = vector.load %arg3[%get3A_25, %get3A_26, %get3A_27] : memref<2x256x128xf32, #tpu.memory_space<vmem>>, vector<1x256x128xf32>
      %get3A_29 = vector.shape_cast %get3A_28 : vector<1x256x128xf32> to vector<256x128xf32>
      %add3A_30 = arith.addf %get3A_24, %get3A_29 : vector<256x128xf32>
      %get3A_31 = arith.constant 0 : index
      %get3A_32 = arith.constant 0 : index
      %get3A_33 = vector.load %arg4[%get3A_31, %get3A_32] : memref<256x128xf32, #tpu.memory_space<vmem>>, vector<256x128xf32>
      %add3A_34 = arith.addf %add3A_30, %get3A_33 : vector<256x128xf32>
      %mul3A_35 = vector.broadcast %select_n3A : vector<256x1xf32> to vector<256x128xf32>
      %mul3A_36 = arith.mulf %mul3A_35, %add3A_34 : vector<256x128xf32>
      %get3A_37 = arith.constant 0 : index
      %get3A_38 = arith.constant 0 : index
      %get3A_39 = vector.load %arg5[%get3A_37, %get3A_38] : memref<1x128xf32, #tpu.memory_space<vmem>>, vector<1x128xf32>
      %add3A_40 = vector.broadcast %get3A_39 : vector<1x128xf32> to vector<256x128xf32>
      %add3A_41 = arith.addf %mul3A_36, %add3A_40 : vector<256x128xf32>
      %mul3A_42 = arith.constant 256 : i32
      %mul3A_43 = arith.muli %arg1, %mul3A_42 : i32
      %swap3A = arith.index_cast %mul3A_43 : i32 to index
      %swap3A_44 = arith.constant 0 : index
      %swap3A_45 = vector.load %arg13[%swap3A, %swap3A_44] : memref<10240x128xf32, #tpu.memory_space<vmem>>, vector<256x128xf32>
      tpu.vector_store %arg13[%swap3A, %swap3A_44], %add3A_41 {strides = array<i32>} : memref<10240x128xf32, #tpu.memory_space<vmem>>, vector<256x128xf32>,
      %eq3A_46 = arith.constant 0 : i32
      %eq3A_47 = arith.cmpi eq, %arg1, %eq3A_46 : i32
      %convert_element_type3A_48 = arith.extui %eq3A_47 : i1 to i32
      %cond3A_49 = arith.constant 0 : i32
      %cond3A_50 = arith.cmpi ne, %convert_element_type3A_48, %cond3A_49 : i32
      scf.if %cond3A_50 {
        %broadcast_in_dim3A_84 = arith.constant 0.000000e+00 : f32
        %broadcast_in_dim3A_85 = vector.broadcast %broadcast_in_dim3A_84 : f32 to vector<2x128xf32>
        %swap3A_86 = arith.constant 0 : index
        %swap3A_87 = arith.constant 0 : index
        %swap3A_88 = vector.load %arg14[%swap3A_86, %swap3A_87] : memref<2x128xf32, #tpu.memory_space<vmem>>, vector<2x128xf32>
        tpu.vector_store %arg14[%swap3A_86, %swap3A_87], %broadcast_in_dim3A_85 {strides = array<i32>} : memref<2x128xf32, #tpu.memory_space<vmem>>, vector<2x128xf32>,
      } else {
      }
      %mul3A_51 = arith.constant 256 : i32
      %mul3A_52 = arith.muli %arg1, %mul3A_51 : i32
      %iota3A_53 = tpu.iota {dimensions = array<i32: 0>} : vector<256x1xi32>
      %add3A_54 = vector.broadcast %mul3A_52 : i32 to vector<256x1xi32>
      %add3A_55 = arith.addi %add3A_54, %iota3A_53 : vector<256x1xi32>
      %lt3A_56 = arith.constant 10000 : i32
      %lt3A_57 = vector.broadcast %lt3A_56 : i32 to vector<256x1xi32>
      %lt3A_58 = arith.cmpi slt, %add3A_55, %lt3A_57 : vector<256x1xi32>
      %jit3A_59 = arith.constant 0.000000e+00 : f32
      %broadcast_in_dim3A_60 = vector.shape_cast %lt3A_58 : vector<256x1xi1> to vector<256x1xi1>
      %broadcast_in_dim3A_61 = vector.broadcast %broadcast_in_dim3A_60 : vector<256x1xi1> to vector<256x128xi1>
      %broadcast_in_dim3A_62 = vector.broadcast %jit3A_59 : f32 to vector<256x128xf32>
      %select_n3A_63 = arith.select %broadcast_in_dim3A_61, %add3A_41, %broadcast_in_dim3A_62 : vector<256x128xi1>, vector<256x128xf32>
      %get3A_64 = arith.constant 0 : index
      %get3A_65 = arith.constant 0 : index
      %get3A_66 = vector.load %arg14[%get3A_64, %get3A_65] : memref<2x128xf32, #tpu.memory_space<vmem>>, vector<1x128xf32>
      %reduce_sum3A = arith.constant dense<0.000000e+00> : vector<128xf32>
      %reduce_sum3A_67 = vector.multi_reduction <add>, %select_n3A_63, %reduce_sum3A [0] : vector<256x128xf32> to vector<128xf32>
      %broadcast_in_dim3A_68 = vector.shape_cast %reduce_sum3A_67 : vector<128xf32> to vector<1x128xf32>
      %add3A_69 = arith.addf %get3A_66, %broadcast_in_dim3A_68 : vector<1x128xf32>
      %swap3A_70 = arith.constant 0 : index
      %swap3A_71 = arith.constant 0 : index
      %swap3A_72 = vector.load %arg14[%swap3A_70, %swap3A_71] : memref<2x128xf32, #tpu.memory_space<vmem>>, vector<1x128xf32>
      tpu.vector_store %arg14[%swap3A_70, %swap3A_71], %add3A_69 {strides = array<i32>} : memref<2x128xf32, #tpu.memory_space<vmem>>, vector<1x128xf32>,
      %get3A_73 = arith.constant 1 : index
      %get3A_74 = arith.constant 0 : index
      %get3A_75 = vector.load %arg14[%get3A_73, %get3A_74] : memref<2x128xf32, #tpu.memory_space<vmem>>, vector<1x128xf32>
      %mul3A_76 = arith.mulf %select_n3A_63, %select_n3A_63 : vector<256x128xf32>
      %reduce_sum3A_77 = arith.constant dense<0.000000e+00> : vector<128xf32>
      %reduce_sum3A_78 = vector.multi_reduction <add>, %mul3A_76, %reduce_sum3A_77 [0] : vector<256x128xf32> to vector<128xf32>
      %broadcast_in_dim3A_79 = vector.shape_cast %reduce_sum3A_78 : vector<128xf32> to vector<1x128xf32>
      %add3A_80 = arith.addf %get3A_75, %broadcast_in_dim3A_79 : vector<1x128xf32>
      %swap3A_81 = arith.constant 1 : index
      %swap3A_82 = arith.constant 0 : index
      %swap3A_83 = vector.load %arg14[%swap3A_81, %swap3A_82] : memref<2x128xf32, #tpu.memory_space<vmem>>, vector<1x128xf32>
      tpu.vector_store %arg14[%swap3A_81, %swap3A_82], %add3A_80 {strides = array<i32>} : memref<2x128xf32, #tpu.memory_space<vmem>>, vector<1x128xf32>,
    } else {
    }
    %eq3A_2 = arith.constant 1 : i32
    %eq3A_3 = arith.cmpi eq, %arg0, %eq3A_2 : i32
    %convert_element_type3A_4 = arith.extui %eq3A_3 : i1 to i32
    %cond3A_5 = arith.constant 0 : i32
    %cond3A_6 = arith.cmpi ne, %convert_element_type3A_4, %cond3A_5 : i32
    scf.if %cond3A_6 {
      %get3A = arith.constant 0 : index
      %get3A_7 = arith.constant 0 : index
      %get3A_8 = vector.load %arg14[%get3A, %get3A_7] : memref<2x128xf32, #tpu.memory_space<vmem>>, vector<1x128xf32>
      %div3A = arith.constant 1.000000e+04 : f32
      %div3A_9 = vector.broadcast %div3A : f32 to vector<1x128xf32>
      %div3A_10 = arith.divf %get3A_8, %div3A_9 : vector<1x128xf32>
      %get3A_11 = arith.constant 1 : index
      %get3A_12 = arith.constant 0 : index
      %get3A_13 = vector.load %arg14[%get3A_11, %get3A_12] : memref<2x128xf32, #tpu.memory_space<vmem>>, vector<1x128xf32>
      %div3A_14 = arith.constant 1.000000e+04 : f32
      %div3A_15 = vector.broadcast %div3A_14 : f32 to vector<1x128xf32>
      %div3A_16 = arith.divf %get3A_13, %div3A_15 : vector<1x128xf32>
      %mul3A = arith.mulf %div3A_10, %div3A_10 : vector<1x128xf32>
      %sub3A = arith.subf %div3A_16, %mul3A : vector<1x128xf32>
      %add3A = arith.constant 9.99999974E-6 : f32
      %add3A_17 = vector.broadcast %add3A : f32 to vector<1x128xf32>
      %add3A_18 = arith.addf %sub3A, %add3A_17 : vector<1x128xf32>
      %rsqrt3A = math.rsqrt %add3A_18 : vector<1x128xf32>
      %mul3A_19 = arith.constant 256 : i32
      %mul3A_20 = arith.muli %arg1, %mul3A_19 : i32
      %get3A_21 = arith.index_cast %mul3A_20 : i32 to index
      %get3A_22 = arith.constant 0 : index
      %get3A_23 = vector.load %arg13[%get3A_21, %get3A_22] : memref<10240x128xf32, #tpu.memory_space<vmem>>, vector<256x128xf32>
      %sub3A_24 = vector.broadcast %div3A_10 : vector<1x128xf32> to vector<256x128xf32>
      %sub3A_25 = arith.subf %get3A_23, %sub3A_24 : vector<256x128xf32>
      %mul3A_26 = vector.broadcast %rsqrt3A : vector<1x128xf32> to vector<256x128xf32>
      %mul3A_27 = arith.mulf %sub3A_25, %mul3A_26 : vector<256x128xf32>
      %get3A_28 = arith.constant 0 : index
      %get3A_29 = arith.constant 0 : index
      %get3A_30 = vector.load %arg6[%get3A_28, %get3A_29] : memref<1x128xf32, #tpu.memory_space<vmem>>, vector<1x128xf32>
      %mul3A_31 = vector.broadcast %get3A_30 : vector<1x128xf32> to vector<256x128xf32>
      %mul3A_32 = arith.mulf %mul3A_27, %mul3A_31 : vector<256x128xf32>
      %get3A_33 = arith.constant 0 : index
      %get3A_34 = arith.constant 0 : index
      %get3A_35 = vector.load %arg7[%get3A_33, %get3A_34] : memref<1x128xf32, #tpu.memory_space<vmem>>, vector<1x128xf32>
      %add3A_36 = vector.broadcast %get3A_35 : vector<1x128xf32> to vector<256x128xf32>
      %add3A_37 = arith.addf %mul3A_32, %add3A_36 : vector<256x128xf32>
      %max3A = arith.constant 0.000000e+00 : f32
      %max3A_38 = vector.broadcast %max3A : f32 to vector<256x128xf32>
      %max3A_39 = arith.maximumf %add3A_37, %max3A_38 : vector<256x128xf32>
      %get3A_40 = arith.constant 0 : index
      %get3A_41 = arith.constant 0 : index
      %get3A_42 = vector.load %arg8[%get3A_40, %get3A_41] : memref<128x64xf32, #tpu.memory_space<vmem>>, vector<128x64xf32>
      %dot_general3A = arith.constant dense<0.000000e+00> : vector<256x64xf32>
      %dot_general3A_43 = tpu.matmul %max3A_39, %get3A_42, %dot_general3A {dimension_numbers = #tpu.dot_dimension_numbers<[1], [0], [0], [1], [0, 0, 1, 1], [], []>, transpose_lhs_hint = false} : vector<256x128xf32>, vector<128x64xf32>, vector<256x64xf32> -> vector<256x64xf32>
      %get3A_44 = arith.constant 0 : index
      %get3A_45 = arith.constant 0 : index
      %get3A_46 = vector.load %arg9[%get3A_44, %get3A_45] : memref<1x64xf32, #tpu.memory_space<vmem>>, vector<1x64xf32>
      %add3A_47 = vector.broadcast %get3A_46 : vector<1x64xf32> to vector<256x64xf32>
      %add3A_48 = arith.addf %dot_general3A_43, %add3A_47 : vector<256x64xf32>
      %max3A_49 = arith.constant 0.000000e+00 : f32
      %max3A_50 = vector.broadcast %max3A_49 : f32 to vector<256x64xf32>
      %max3A_51 = arith.maximumf %add3A_48, %max3A_50 : vector<256x64xf32>
      %get3A_52 = arith.constant 0 : index
      %get3A_53 = arith.constant 0 : index
      %get3A_54 = vector.load %arg10[%get3A_52, %get3A_53] : memref<64x1xf32, #tpu.memory_space<vmem>>, vector<64x1xf32>
      %dot_general3A_55 = arith.constant dense<0.000000e+00> : vector<256x1xf32>
      %dot_general3A_56 = tpu.matmul %max3A_51, %get3A_54, %dot_general3A_55 {dimension_numbers = #tpu.dot_dimension_numbers<[1], [0], [0], [1], [0, 0, 1, 1], [], []>, transpose_lhs_hint = false} : vector<256x64xf32>, vector<64x1xf32>, vector<256x1xf32> -> vector<256x1xf32>
      %get3A_57 = arith.constant 0 : index
      %get3A_58 = arith.constant 0 : index
      %get3A_59 = vector.load %arg11[%get3A_57, %get3A_58] : memref<1x1xf32, #tpu.memory_space<vmem>>, vector<1x1xf32>
      %add3A_60 = vector.broadcast %get3A_59 : vector<1x1xf32> to vector<256x1xf32>
      %add3A_61 = arith.addf %dot_general3A_56, %add3A_60 : vector<256x1xf32>
      %logistic3A = arith.negf %add3A_61 : vector<256x1xf32>
      %logistic3A_62 = math.exp %logistic3A : vector<256x1xf32>
      %logistic3A_63 = arith.constant 1.000000e+00 : f32
      %logistic3A_64 = vector.broadcast %logistic3A_63 : f32 to vector<256x1xf32>
      %logistic3A_65 = arith.addf %logistic3A_64, %logistic3A_62 : vector<256x1xf32>
      %logistic3A_66 = arith.divf %logistic3A_64, %logistic3A_65 : vector<256x1xf32>
      %swap3A = arith.constant 0 : index
      %swap3A_67 = arith.constant 0 : index
      %swap3A_68 = vector.load %arg12[%swap3A, %swap3A_67] : memref<256x1xf32, #tpu.memory_space<vmem>>, vector<256x1xf32>
      tpu.vector_store %arg12[%swap3A, %swap3A_67], %logistic3A_66 {strides = array<i32>} : memref<256x1xf32, #tpu.memory_space<vmem>>, vector<256x1xf32>,
    } else {
    }
    return
  }
  func.func @transform_0(%arg0: i32, %arg1: i32) -> (i32, i32, i32) {
    %c0_i32 = arith.constant 0 : i32
    %c0_i32_0 = arith.constant 0 : i32
    %c0_i32_1 = arith.constant 0 : i32
    return %c0_i32, %arg1, %c0_i32_0 : i32, i32, i32
  }
  func.func @transform_1(%arg0: i32, %arg1: i32) -> (i32, i32, i32) {
    %eq3A = arith.constant 0 : i32
    %eq3A_0 = arith.cmpi eq, %arg0, %eq3A : i32
    %jit3A = arith.constant 0 : i32
    %select_n3A = arith.select %eq3A_0, %arg1, %jit3A : i32
    %c0_i32 = arith.constant 0 : i32
    %c0_i32_1 = arith.constant 0 : i32
    %c0_i32_2 = arith.constant 0 : i32
    return %c0_i32, %select_n3A, %c0_i32_1 : i32, i32, i32
  }
  func.func @transform_2(%arg0: i32, %arg1: i32) -> (i32, i32) {
    %eq3A = arith.constant 0 : i32
    %eq3A_0 = arith.cmpi eq, %arg0, %eq3A : i32
    %jit3A = arith.constant 0 : i32
    %select_n3A = arith.select %eq3A_0, %arg1, %jit3A : i32
    %c0_i32 = arith.constant 0 : i32
    %c0_i32_1 = arith.constant 0 : i32
    return %select_n3A, %c0_i32 : i32, i32
  }
  func.func @transform_3(%arg0: i32, %arg1: i32) -> (i32, i32) {
    %c0_i32 = arith.constant 0 : i32
    %c0_i32_0 = arith.constant 0 : i32
    %c0_i32_1 = arith.constant 0 : i32
    return %c0_i32, %c0_i32_0 : i32, i32
  }
  func.func @transform_4(%arg0: i32, %arg1: i32) -> (i32, i32) {
    %c0_i32 = arith.constant 0 : i32
    %c0_i32_0 = arith.constant 0 : i32
    %c0_i32_1 = arith.constant 0 : i32
    return %c0_i32, %c0_i32_0 : i32, i32
  }
  func.func @transform_5(%arg0: i32, %arg1: i32) -> (i32, i32) {
    %c0_i32 = arith.constant 0 : i32
    %c0_i32_0 = arith.constant 0 : i32
    %c0_i32_1 = arith.constant 0 : i32
    return %c0_i32, %c0_i32_0 : i32, i32
  }
  func.func @transform_6(%arg0: i32, %arg1: i32) -> (i32, i32) {
    %c0_i32 = arith.constant 0 : i32
    %c0_i32_0 = arith.constant 0 : i32
    %c0_i32_1 = arith.constant 0 : i32
    return %c0_i32, %c0_i32_0 : i32, i32
  }
  func.func @transform_7(%arg0: i32, %arg1: i32) -> (i32, i32) {
    %c0_i32 = arith.constant 0 : i32
    %c0_i32_0 = arith.constant 0 : i32
    %c0_i32_1 = arith.constant 0 : i32
    return %c0_i32, %c0_i32_0 : i32, i32
  }
  func.func @transform_8(%arg0: i32, %arg1: i32) -> (i32, i32) {
    %c0_i32 = arith.constant 0 : i32
    %c0_i32_0 = arith.constant 0 : i32
    %c0_i32_1 = arith.constant 0 : i32
    return %c0_i32, %c0_i32_0 : i32, i32
  }
  func.func @transform_9(%arg0: i32, %arg1: i32) -> (i32, i32) {
    %c0_i32 = arith.constant 0 : i32
    %c0_i32_0 = arith.constant 0 : i32
    %c0_i32_1 = arith.constant 0 : i32
    return %c0_i32, %c0_i32_0 : i32, i32
  }
  func.func @transform_10(%arg0: i32, %arg1: i32) -> (i32, i32) {
    %c0_i32 = arith.constant 0 : i32
    %c0_i32_0 = arith.constant 0 : i32
    return %arg1, %c0_i32 : i32, i32
  }
}

</mosaic_0001>

<sc_bundles>
// kernel: kernel.10.cloned.1.call-start
scs
__scs_entry_jumppad:
0x0: {  	(pc) =	sbr.rel $0x88, $3  }
0x1: {  	(tag) =	ssettag $0x0;
	lr =	simm.s32 $0x1  }
0x2: {  	[smem:$0x3F8F] =	sst lr;
	_ =	strace $0xD0000000  }
0x3: {  	_ = 	snop  }
0x4: {  	_ = 	snop  }
0x5: {  	_ = 	snop  }
0x6: {  	_ = 	snop  }
0x7: {  	_ = 	snop  }
__scs_overlays_trampoline_lowered:
0x8: {  	[smem:$0x3F9E] =	sst s0  }
0x9: {  	[smem:$0x3F9F] =	sst s1  }
0xa: {  	[smem:$0x3FA0] =	sst s2  }
0xb: {  	[smem:$0x3FA1] =	sst s3  }
0xc: {  	[smem:$0x3FA2] =	sst s4  }
0xd: {  	[smem:$0x3FA3] =	sst s5  }
0xe: {  	[smem:$0x3FA4] =	sst s6  }
0xf: {  	[smem:$0x3FA5] =	sst s7  }
0x10: {  	[smem:$0x3FA6] =	sst s8  }
0x11: {  	[smem:$0x3FA7] =	sst s9;
	s0 =	simm.s32 @!p0 $0x0  }
0x12: {  	s1 =	sld [smem:$0x3F8D];
	s0 =	simm.s32 @p0 $0x1  }
0x13: {  	[smem:$0x3FA8] =	sst s0;
	s0 =	simm.s32 @!p1 $0x0  }
0x14: {  	s2 =	sld [smem:$0x3F8C];
	s0 =	simm.s32 @p1 $0x1  }
0x15: {  	[smem:$0x3FA9] =	sst s0;
	s0 =	simm.s32 @!p2 $0x0  }
0x16: {  	s3 =	sld [smem:$0x3FDB];
	s0 =	simm.s32 @p2 $0x1  }
0x17: {  	s4 =	simm.s32 $0x1BF5;
	[smem:$0x3FAB] =	sst s0  }
0x18: {  	s0 =	sld [smem:$0x3F8E];
	_ =	swait.ge [sflag:s4], $0x0  }
0x19: {  	s7 =	sld [smem:$0x3F8F]  }
0x1a: {  	s8 =	sadd.s32 $0xFFFFE003, lr  }
0x1b: {  	s9 =	sadd.s32 $0xFFFFFEF7, lr;
	s5 =	simm.s32 $0xFFFFFFFF;
	p2 =	slt.u32 s8, $0xFFFFF086  }
0x1c: {  	p1 =	slt.u32 s9, $0xF7A;
	s5 =	simm.s32 @!p2 $0x0  }
0x1d: {  	s5 =	simm.s32 @p1 $0x1;
	p0 =	seq.s32 s7, s2  }
0x1e: {  	s7 =	smul.u32 @!p0 $0xF7A, s2;
	p2 =	seq.s32 @!p0 s5, $0x0  }
0x1f: {  	s9 =	smul.u32 $0xF7A, s1;
	s8 =	simm.s32 @!p0 $0x1BF5;
	p2 =	por !p2, p0  }
0x20: {  	[sflag:s8] =	ssyncset.s32 @!p0 $0xFFFFF086;
	s6 =	sadd.s32 @!p0 s3, s7;
	s7 =	simm.s32 @!p0 $0x108  }
0x21: {  	s3 =	sadd.s32 s3, s9;
	s6 =	sadd.s32 @!p0 $0x88, s6;
	s7 =	simm.s32 @p2 $0x1082  }
0x22: {  	[simem:s7], [sflag:s8] =	dma.local @!p0 [hbm:s6], $0xF7A  }
0x23: {  	s9 =	sor.u32 $0xD0000000, s2;
	s6 =	simm.s32 $0x108;
	_ =	swait.ge @!p0 [sflag:s8], $0x0  }
0x24: {  	s3 =	sadd.s32 $0x88, s3;
	s6 =	simm.s32 @!p1 $0x1082;
	[sflag:s4] =	ssyncset.s32 $0xFFFFF086  }
0x25: {  	[simem:s6], [sflag:s4] =	dma.local [hbm:s3], $0xF7A  }
0x26: {  	[smem:$0x3F8F] =	sst s1;
	(tag) =	ssettag s2;
	_ =	strace s9  }
0x27: {  	s1 =	sld [smem:$0x3F9F]  }
0x28: {  	s2 =	sld [smem:$0x3FA0]  }
0x29: {  	s4 =	sld [smem:$0x3FA2]  }
0x2a: {  	p0 =	seq.s32 s5, $0x0;
	s5 =	sld [smem:$0x3FA3]  }
0x2b: {  	s6 =	sld [smem:$0x3FA4]  }
0x2c: {  	s7 =	sld [smem:$0x3FA5]  }
0x2d: {  	s3 =	simm.s32 $0x108;
	s8 =	sld [smem:$0x3FA6]  }
0x2e: {  	s3 =	simm.s32 @!p0 $0x1082;
	s9 =	sld [smem:$0x3FA7]  }
0x2f: {  	lr =	sadd.s32 s0, s3;
	s0 =	sld [smem:$0x3F9E]  }
0x30: {  	s3 =	sld [smem:$0x3FA1]  }
0x31: {  	[smem:$0x3FAA] =	sst s10  }
0x32: {  	s10 =	sld [smem:$0x3FA8];
	_ =	sdelay $0x3  }
0x33: {  	p0 =	seq.s32 s10, $0x1;
	s10 =	sld [smem:$0x3FAA];
	_ =	sdelay $0x3  }
0x34: {  	[smem:$0x3FAA] =	sst s10  }
0x35: {  	s10 =	sld [smem:$0x3FA9];
	_ =	sdelay $0x3  }
0x36: {  	p1 =	seq.s32 s10, $0x1;
	s10 =	sld [smem:$0x3FAA];
	_ =	sdelay $0x3  }
0x37: {  	[smem:$0x3FAA] =	sst s10  }
0x38: {  	s10 =	sld [smem:$0x3FAB]  }
0x39: {  	_ = 	snop;
	(pc) =	sbr.ind lr, $3  }
0x3a: {  	_ = 	snop  }
0x3b: {  	_ = 	snop  }
0x3c: {  	p2 =	seq.s32 s10, $0x1;
	s10 =	sld [smem:$0x3FAA]  }
0x3d: {  	_ =	shalt  }
0x3e: {  	_ =	shalt  }
0x3f: {  	_ =	shalt  }
0x40: {  	_ =	shalt  }
0x41: {  	_ =	shalt  }
0x42: {  	_ =	shalt  }
0x43: {  	_ =	shalt  }
0x44: {  	_ =	shalt  }
0x45: {  	_ =	shalt  }
0x46: {  	_ =	shalt  }
0x47: {  	_ =	shalt  }
0x48: {  	_ =	shalt  }
0x49: {  	_ =	shalt  }
0x4a: {  	_ =	shalt  }
0x4b: {  	_ =	shalt  }
0x4c: {  	_ =	shalt  }
0x4d: {  	_ =	shalt  }
0x4e: {  	_ =	shalt  }
0x4f: {  	_ =	shalt  }
0x50: {  	_ =	shalt  }
0x51: {  	_ =	shalt  }
0x52: {  	_ =	shalt  }
0x53: {  	_ =	shalt  }
0x54: {  	_ =	shalt  }
0x55: {  	_ =	shalt  }
0x56: {  	_ =	shalt  }
0x57: {  	_ =	shalt  }
0x58: {  	_ =	shalt  }
0x59: {  	_ =	shalt  }
0x5a: {  	_ =	shalt  }
0x5b: {  	_ =	shalt  }
0x5c: {  	_ =	shalt  }
0x5d: {  	_ =	shalt  }
0x5e: {  	_ =	shalt  }
0x5f: {  	_ =	shalt  }
0x60: {  	_ =	shalt  }
0x61: {  	_ =	shalt  }
0x62: {  	_ =	shalt  }
0x63: {  	_ =	shalt  }
0x64: {  	_ =	shalt  }
0x65: {  	_ =	shalt  }
0x66: {  	_ =	shalt  }
0x67: {  	_ =	shalt  }
0x68: {  	_ =	shalt  }
0x69: {  	_ =	shalt  }
0x6a: {  	_ =	shalt  }
0x6b: {  	_ =	shalt  }
0x6c: {  	_ =	shalt  }
0x6d: {  	_ =	shalt  }
0x6e: {  	_ =	shalt  }
0x6f: {  	_ =	shalt  }
0x70: {  	_ =	shalt  }
0x71: {  	_ =	shalt  }
0x72: {  	_ =	shalt  }
0x73: {  	_ =	shalt  }
0x74: {  	_ =	shalt  }
0x75: {  	_ =	shalt  }
0x76: {  	_ =	shalt  }
0x77: {  	_ =	shalt  }
0x78: {  	_ =	shalt  }
0x79: {  	_ =	shalt  }
0x7a: {  	_ =	shalt  }
0x7b: {  	_ =	shalt  }
0x7c: {  	_ =	shalt  }
0x7d: {  	_ =	shalt  }
0x7e: {  	_ =	shalt  }
0x7f: {  	_ =	shalt  }
0x80: {  	_ =	shalt  }
0x81: {  	_ =	shalt  }
0x82: {  	_ =	shalt  }
0x83: {  	_ =	shalt  }
0x84: {  	_ =	shalt  }
0x85: {  	_ =	shalt  }
0x86: {  	_ =	shalt  }
0x87: {  	_ =	shalt  }
.Lfunc_end0:
.L_simem_size_0:
called_computation_lowered:
.L_overlay_start_0:
0x88: {  	s2 =	sld [smem:$0x3FD9]  }
0x89: {  	s3 =	sld [smem:$0x3FFE];
	_ =	sdelay $0x1  }
0x8a: {  	s1 =	srdreg.scid  }
0x8b: {  	s0 =	sand.u32 $0x1, s1  }
0x8c: {  	s16 =	sshll.u32 s0, $0xA;
	s2 =	sadd.s32 s3, s2  }
0x8d: {  	s2 =	sadd.s32 s2, s16  }
0x8e: {  	[smem:$0x3FB6] =	sst s2  }
0x8f: {  	_ = 	snop  }
0x90: {  	(tm) =	ssettm $0x1  }
0x91: {  	s17 =	sld [smem:$0x3FFB];
	_ =	sdelay $0x3  }
0x92: {  	_ =	strace s17  }
0x93: {  	s2 =	sld [smem:$0x3FFC];
	_ =	sdelay $0x3  }
0x94: {  	_ =	strace s2  }
0x95: {  	s2 =	sld [smem:$0x3FFD];
	_ =	sdelay $0x3  }
0x96: {  	_ =	strace s2  }
0x97: {  	_ =	strace $0x8FFFFFFF  }
0x98: {  	s18 =	sld [smem:$0x3FDB];
	_ =	sdelay $0x1  }
0x99: {  	s19 =	simm.s32 $_scs_section_size  }
0x9a: {  	s4 =	simm.s32 $_size__tile_overlayer_lowered;
	s5 =	simm.s32 $_tile_overlayer_lowered  }
0x9b: {  	s22 =	simm.s32 $0x1BFF;
	s21 =	sshll.u32 s5, $0x1;
	s2 =	sadd.s32 s19, s18  }
0x9c: {  	s6 =	simm.s32 $0x0;
	s20 =	sshll.u32 s4, $0x1;
	s4 =	sadd.s32 s21, s2  }
0x9d: {  	[timem:s6], [sflag:s22] =	dma.local [hbm:s4], s20  }
0x9e: {  	_ =	swait.ge [sflag:s22], s20  }
0x9f: {  	s3 =	ssub.s32 $0x0, s20;
	[sflag:s22] =	ssyncset.done $0x0  }
0xa0: {  	[sflag:s22] =	ssyncadd.s32 s3;
	_ =	sdelay $0x1  }
0xa1: {  	s23 =	simm.s32 $0x1B8B  }
0xa2: {  	_ =	swait.ge [sflag:s23], $0x1  }
0xa3: {  	[sflag:s23] =	ssyncset.done $0x0  }
0xa4: {  	s25 =	simm.s32 $0x1B8E;
	s24 =	sld [smem:$0x3FFE];
	[sflag:s23] =	ssyncadd.s32 $0xFFFFFFFF  }
0xa5: {  	s26 =	simm.s32 $execute0_lowered;
	[smem:$0x3FD2] =	sst s25  }
0xa6: {  	s4 =	sshll.u32 s26, $0x1;
	_ =	strace $0x80000046;
	[dreg:$0x1] =	wrdreg $0xFFFFFFFF  }
0xa7: {  	s28 =	simm.s32 $_size_execute0_lowered;
	s2 =	sadd.s32 s2, s4;
	[dreg:$0x0] =	wrdreg $0x0  }
0xa8: {  	s4 =	sshll.u32 s28, $0x1;
	[dreg:$0x2] =	wrdreg s2  }
0xa9: {  	[dreg:$0x3] =	wrdreg s4  }
0xaa: {  	[dreg:$0x4] =	wrdreg $0xC0  }
0xab: {  	_ =	task [dreg:s6], $0x5FFFF  }
0xac: {  	[dreg:$0x1] =	wrdreg $0xFFFFFFFF  }
0xad: {  	[dreg:$0x0] =	wrdreg $0x60  }
0xae: {  	[dreg:$0x2] =	wrdreg s24  }
0xaf: {  	[dreg:$0x3] =	wrdreg $0x68000  }
0xb0: {  	[dreg:$0x4] =	wrdreg $0x9  }
0xb1: {  	_ =	task.clear_ibuf [dreg:s6], $0x5FFFF;
	_ =	strace $0x90000046  }
0xb2: {  	s29 =	simm.s32 $0x9;
	_ =	strace $0x80000048  }
0xb3: {  	_ =	swait.ge [sflag:s29], $0x1  }
0xb4: {  	[sflag:s29] =	ssyncadd.s32 $0xFFFFFFFF  }
0xb5: {  	_ =	strace $0x90000048  }
0xb6: {  	_ =	sfence  }
0xb7: {  	s30 =	sld [smem:$0x0];
	_ =	sdelay $0x2  }
0xb8: {  	s31 =	sshll.u32 s1, $0xD;
	s1 =	sshrl.u32 s1, $0x2  }
0xb9: {  	s3 =	sand.u32 $0x4000, s31;
	s1 =	sadd.s32 s1, s30  }
0xba: {  	s0 =	sor.u32 s3, s0;
	s1 =	sshll.u32 s1, $0x11  }
0xbb: {  	s0 =	sor.u32 s1, s0  }
0xbc: {  	s0 =	sadd.s32 $0x8F2B, s0  }
0xbd: {  	[sflag:s0] =	ssyncadd.remote.s32 $0x1  }
0xbe: {  	_ =	sfence.sel $0xFFFF  }
0xbf: {  	[dreg:$0x0] =	wrdreg $0xFFFFFFFF;
	(pc) =	sbr.abs _section_cstart, $3  }
0xc0: {  	[dreg:$0x1] =	wrdreg $0xFFFFFFFF  }
0xc1: {  	_ =	task.clear_ibuf [dreg:s6], $0x2FFFF;
	_ =	strace $0x9FFFFFFF  }
0xc2: {  	(tm) =	ssettm $0x7FFFFFFF  }
0xc3: {  	_ =	shalt  }
tec
execute0_lowered:
.L_overlay_start_1:
0x0: {  	(tag) =	ssettag $0x1  }
0x1: {  	s1 =	srdreg.scid;
	s6 =	rddreg [dreg:$0x0]  }
0x2: {  	s0 =	stileid.u32;
	s2 =	rddreg [dreg:$0x1];
	s3 =	simm.s32 $0x0  }
0x3: {  	s12 =	simm.s32 $0x80;
	s5 =	sand.u32 $0x1, s1;
	s1 =	rddreg [dreg:$0x2]  }
0x4: {  	s28 =	sshll.u32 s0, $0x1;
	[smem:$0x7FF] =	sst s3;
	s10 =	smul.u32 $0x50000, s0  }
0x5: {  	s31 =	sshll.u32 s0, $0x6;
	s14 =	smul.u32 $0x2800, s0;
	s4 =	sor.u32 s5, s28  }
0x6: {  	_ =	strace $0x80000047;
	s8 =	smul.u32 $0x28000, s5;
	s9 =	ssub.s32 $0x2, s5  }
0x7: {  	s5 =	sadd.s32 $0x18400, s6;
	s4 =	smul.u32 $0x500, s4;
	s29 =	sshrl.u32 s9, $0x1  }
0x8: {  	s30 =	sshrl.u32 s10, $0x2;
	s10 =	simm.s32 $0x1;
	s8 =	sadd.s32 s8, s6  }
0x9: {  	s9 =	ssub.s32 s9, s29;
	s11 =	sadd.s32 s30, s2;
	s7 =	sadd.s32 s4, s6  }
0xa: {  	s4 =	sadd.s32 $0x1AC00, s6;
	s6 =	sor.u32 $0x1C01, s31;
	s13 =	sadd.s32 $0x1B400, s8  }
0xb: {  	s8 =	smax.u32 s9, $0x1;
	s9 =	sshrl.u32 s11, $0x3;
	s11 =	simm.s32 $0x2800  }
0xc: {  	s7 =	sadd.s32 $0xE400, s7;
	s13 =	sadd.s32 s14, s13;
	s14 =	simm.s32 $0x0  }
.LBB2_1:
0xd: {  	[spmem:s9], [sflag:s6] =	dma.local [hbm:s5], $0x2800  }
0xe: {  	_ =	swait.ge [sflag:s10], $0x2800  }
0xf: {  	[sflag:s10] =	ssyncset.done $0x0  }
0x10: {  	[sflag:s10] =	ssyncadd.s32 $0xFFFFD800  }
0x11: {  	[tilespmem:s11], [sflag:$0x1] =	stream.linear.gather [hbm4b:s4+s3], $0x4000, $0x38;
	[tilespmem:$0x1A800] =	vst v63  }
0x12: {  	_ =	swait.ge [sflag:s10], $0x4000  }
0x13: {  	[sflag:s10] =	ssyncset.done $0x0  }
0x14: {  	[sflag:s10] =	ssyncadd.s32 $0xFFFFC000  }
0x15: {  	[tilespmem:s3], [sflag:$0x1] =	stream.linear.gather [hbm4b:s7+s3], $0x2800, $0x38;
	[tilespmem:$0x1A800] =	vst v63  }
0x16: {  	_ =	swait.ge [sflag:s10], $0x2800  }
0x17: {  	[sflag:s10] =	ssyncset.done $0x0  }
0x18: {  	[sflag:s10] =	ssyncadd.s32 $0xFFFFD800  }
0x19: {  	s15 =	simm.s32 $0x0;
	[bflag:$0x0] =	sbarrier.arrive $0xFFFF  }
0x1a: {  	[spmem:s2] =	stream.indirect.scatter.add.f32 [tilespmem:s11], [sflag:$0x1], $0x80, s15, s12, $0xb8;
	[tilespmem:$0x1A800] =	vst v63  }
0x1b: {  	_ =	swait.ge [sflag:s10], $0x4000  }
0x1c: {  	s15 =	simm.s32 $0x200;
	[sflag:s10] =	ssyncset.done $0x0  }
.LBB2_2:
0x1d: {  	s16 =	sshra.s32 s15, $0x2;
	[sflag:s10] =	ssyncadd.s32 $0xFFFFC000;
	p0 =	sne.s32 s15, $0x9E00  }
0x1e: {  	[spmem:s2] =	stream.indirect.scatter.add.f32 [tilespmem:s11], [sflag:$0x1], $0x80, s16, s12, $0xb8;
	[tilespmem:$0x1A800] =	vst v63  }
.Ltmp0:
0x1f: {  	_ = 	snop;
	(pc) =	sbr.rel @p0 .LBB2_2-.Ltmp0, $4  }
0x20: {  	_ = 	snop  }
0x21: {  	s15 =	sadd.s32 $0x200, s15  }
0x22: {  	_ =	swait.ge [sflag:s10], $0x4000  }
0x23: {  	[sflag:s10] =	ssyncset.done $0x0  }
0x24: {  	s14 =	sadd.s32 $0x1, s14  }
0x25: {  	[sflag:s10] =	ssyncadd.s32 $0xFFFFC000;
	p0 =	sne.s32 s14, s8  }
.Ltmp1:
0x26: {  	[bflag:$0x0] =	sbarrier.arrive $0xFFFF;
	(pc) =	sbr.rel @p0 .LBB2_1-.Ltmp1, $4  }
0x27: {  	[hbm:s13], [sflag:s6] =	dma.local [spmem:s9], $0x2800  }
0x28: {  	_ =	swait.ge [sflag:s10], $0x2800  }
0x29: {  	[sflag:s10] =	ssyncset.done $0x0  }
0x2a: {  	[sflag:s10] =	ssyncadd.s32 $0xFFFFD800  }
0x2b: {  	_ =	sfence.sel $0x180000  }
0x2c: {  	[bflag:$0x0] =	sbarrier.arrive $0xFFFF  }
0x2d: {  	p0 =	sne.s32 s0, $0x0;
	_ =	strace $0x90000047  }
0x2e: {  	s0 =	sadd.s32 @!p0 $0x100000, s1;
	[bflag:$0x2] =	sbarrier.arrive $0xFFFF  }
0x2f: {  	[sflag:s0] =	ssyncadd.tile.s32 @!p0 $0x1;
	_ =	shalt  }
.Lfunc_end2:
_tile_overlayer_lowered:
.L_overlay_start_2:
0x30: {  	(tag) =	ssettag $0x2  }
0x31: {  	s0 =	rddreg [dreg:$0x0];
	s2 =	stileid.u32  }
0x32: {  	s1 =	rddreg [dreg:$0x1];
	p0 =	sne.s32 s2, $0x0  }
0x33: {  	s3 =	rddreg [dreg:$0x2];
	[bflag:$0x3] =	sbarrier.arrive $0xFFFF;
	s2 =	simm.s32 @!p0 $0x1C01  }
0x34: {  	[timem:s3], [sflag:s2] =	dma.local @!p0 [hbm:s0], s1  }
0x35: {  	s0 =	simm.s32 @!p0 $0x1  }
0x36: {  	_ =	swait.ge @!p0 [sflag:s0], s1  }
0x37: {  	s1 =	ssub.s32 @!p0 $0x0, s1;
	[sflag:s0] =	ssyncset.done @!p0 $0x0  }
0x38: {  	[sflag:s0] =	ssyncadd.s32 @!p0 s1  }
0x39: {  	[bflag:$0x3] =	sbarrier.arrive $0xFFFF  }
0x3a: {  	_ =	shalt  }

// kernel: kernel.13.cloned.1.call-start
scs
__scs_entry_jumppad:
0x0: {  	(pc) =	sbr.rel $0x88, $3  }
0x1: {  	(tag) =	ssettag $0x0;
	lr =	simm.s32 $0x1  }
0x2: {  	[smem:$0x3F8F] =	sst lr;
	_ =	strace $0xD0000000  }
0x3: {  	_ = 	snop  }
0x4: {  	_ = 	snop  }
0x5: {  	_ = 	snop  }
0x6: {  	_ = 	snop  }
0x7: {  	_ = 	snop  }
__scs_overlays_trampoline_lowered:
0x8: {  	[smem:$0x3F9E] =	sst s0  }
0x9: {  	[smem:$0x3F9F] =	sst s1  }
0xa: {  	[smem:$0x3FA0] =	sst s2  }
0xb: {  	[smem:$0x3FA1] =	sst s3  }
0xc: {  	[smem:$0x3FA2] =	sst s4  }
0xd: {  	[smem:$0x3FA3] =	sst s5  }
0xe: {  	[smem:$0x3FA4] =	sst s6  }
0xf: {  	[smem:$0x3FA5] =	sst s7  }
0x10: {  	[smem:$0x3FA6] =	sst s8  }
0x11: {  	[smem:$0x3FA7] =	sst s9;
	s0 =	simm.s32 @!p0 $0x0  }
0x12: {  	s1 =	sld [smem:$0x3F8D];
	s0 =	simm.s32 @p0 $0x1  }
0x13: {  	[smem:$0x3FA8] =	sst s0;
	s0 =	simm.s32 @!p1 $0x0  }
0x14: {  	s2 =	sld [smem:$0x3F8C];
	s0 =	simm.s32 @p1 $0x1  }
0x15: {  	[smem:$0x3FA9] =	sst s0;
	s0 =	simm.s32 @!p2 $0x0  }
0x16: {  	s3 =	sld [smem:$0x3FDB];
	s0 =	simm.s32 @p2 $0x1  }
0x17: {  	s4 =	simm.s32 $0x1BF5;
	[smem:$0x3FAB] =	sst s0  }
0x18: {  	s0 =	sld [smem:$0x3F8E];
	_ =	swait.ge [sflag:s4], $0x0  }
0x19: {  	s7 =	sld [smem:$0x3F8F]  }
0x1a: {  	s8 =	sadd.s32 $0xFFFFE003, lr  }
0x1b: {  	s9 =	sadd.s32 $0xFFFFFEF7, lr;
	s5 =	simm.s32 $0xFFFFFFFF;
	p2 =	slt.u32 s8, $0xFFFFF086  }
0x1c: {  	p1 =	slt.u32 s9, $0xF7A;
	s5 =	simm.s32 @!p2 $0x0  }
0x1d: {  	s5 =	simm.s32 @p1 $0x1;
	p0 =	seq.s32 s7, s2  }
0x1e: {  	s7 =	smul.u32 @!p0 $0xF7A, s2;
	p2 =	seq.s32 @!p0 s5, $0x0  }
0x1f: {  	s9 =	smul.u32 $0xF7A, s1;
	s8 =	simm.s32 @!p0 $0x1BF5;
	p2 =	por !p2, p0  }
0x20: {  	[sflag:s8] =	ssyncset.s32 @!p0 $0xFFFFF086;
	s6 =	sadd.s32 @!p0 s3, s7;
	s7 =	simm.s32 @!p0 $0x108  }
0x21: {  	s3 =	sadd.s32 s3, s9;
	s6 =	sadd.s32 @!p0 $0x88, s6;
	s7 =	simm.s32 @p2 $0x1082  }
0x22: {  	[simem:s7], [sflag:s8] =	dma.local @!p0 [hbm:s6], $0xF7A  }
0x23: {  	s9 =	sor.u32 $0xD0000000, s2;
	s6 =	simm.s32 $0x108;
	_ =	swait.ge @!p0 [sflag:s8], $0x0  }
0x24: {  	s3 =	sadd.s32 $0x88, s3;
	s6 =	simm.s32 @!p1 $0x1082;
	[sflag:s4] =	ssyncset.s32 $0xFFFFF086  }
0x25: {  	[simem:s6], [sflag:s4] =	dma.local [hbm:s3], $0xF7A  }
0x26: {  	[smem:$0x3F8F] =	sst s1;
	(tag) =	ssettag s2;
	_ =	strace s9  }
0x27: {  	s1 =	sld [smem:$0x3F9F]  }
0x28: {  	s2 =	sld [smem:$0x3FA0]  }
0x29: {  	s4 =	sld [smem:$0x3FA2]  }
0x2a: {  	p0 =	seq.s32 s5, $0x0;
	s5 =	sld [smem:$0x3FA3]  }
0x2b: {  	s6 =	sld [smem:$0x3FA4]  }
0x2c: {  	s7 =	sld [smem:$0x3FA5]  }
0x2d: {  	s3 =	simm.s32 $0x108;
	s8 =	sld [smem:$0x3FA6]  }
0x2e: {  	s3 =	simm.s32 @!p0 $0x1082;
	s9 =	sld [smem:$0x3FA7]  }
0x2f: {  	lr =	sadd.s32 s0, s3;
	s0 =	sld [smem:$0x3F9E]  }
0x30: {  	s3 =	sld [smem:$0x3FA1]  }
0x31: {  	[smem:$0x3FAA] =	sst s10  }
0x32: {  	s10 =	sld [smem:$0x3FA8];
	_ =	sdelay $0x3  }
0x33: {  	p0 =	seq.s32 s10, $0x1;
	s10 =	sld [smem:$0x3FAA];
	_ =	sdelay $0x3  }
0x34: {  	[smem:$0x3FAA] =	sst s10  }
0x35: {  	s10 =	sld [smem:$0x3FA9];
	_ =	sdelay $0x3  }
0x36: {  	p1 =	seq.s32 s10, $0x1;
	s10 =	sld [smem:$0x3FAA];
	_ =	sdelay $0x3  }
0x37: {  	[smem:$0x3FAA] =	sst s10  }
0x38: {  	s10 =	sld [smem:$0x3FAB]  }
0x39: {  	_ = 	snop;
	(pc) =	sbr.ind lr, $3  }
0x3a: {  	_ = 	snop  }
0x3b: {  	_ = 	snop  }
0x3c: {  	p2 =	seq.s32 s10, $0x1;
	s10 =	sld [smem:$0x3FAA]  }
0x3d: {  	_ =	shalt  }
0x3e: {  	_ =	shalt  }
0x3f: {  	_ =	shalt  }
0x40: {  	_ =	shalt  }
0x41: {  	_ =	shalt  }
0x42: {  	_ =	shalt  }
0x43: {  	_ =	shalt  }
0x44: {  	_ =	shalt  }
0x45: {  	_ =	shalt  }
0x46: {  	_ =	shalt  }
0x47: {  	_ =	shalt  }
0x48: {  	_ =	shalt  }
0x49: {  	_ =	shalt  }
0x4a: {  	_ =	shalt  }
0x4b: {  	_ =	shalt  }
0x4c: {  	_ =	shalt  }
0x4d: {  	_ =	shalt  }
0x4e: {  	_ =	shalt  }
0x4f: {  	_ =	shalt  }
0x50: {  	_ =	shalt  }
0x51: {  	_ =	shalt  }
0x52: {  	_ =	shalt  }
0x53: {  	_ =	shalt  }
0x54: {  	_ =	shalt  }
0x55: {  	_ =	shalt  }
0x56: {  	_ =	shalt  }
0x57: {  	_ =	shalt  }
0x58: {  	_ =	shalt  }
0x59: {  	_ =	shalt  }
0x5a: {  	_ =	shalt  }
0x5b: {  	_ =	shalt  }
0x5c: {  	_ =	shalt  }
0x5d: {  	_ =	shalt  }
0x5e: {  	_ =	shalt  }
0x5f: {  	_ =	shalt  }
0x60: {  	_ =	shalt  }
0x61: {  	_ =	shalt  }
0x62: {  	_ =	shalt  }
0x63: {  	_ =	shalt  }
0x64: {  	_ =	shalt  }
0x65: {  	_ =	shalt  }
0x66: {  	_ =	shalt  }
0x67: {  	_ =	shalt  }
0x68: {  	_ =	shalt  }
0x69: {  	_ =	shalt  }
0x6a: {  	_ =	shalt  }
0x6b: {  	_ =	shalt  }
0x6c: {  	_ =	shalt  }
0x6d: {  	_ =	shalt  }
0x6e: {  	_ =	shalt  }
0x6f: {  	_ =	shalt  }
0x70: {  	_ =	shalt  }
0x71: {  	_ =	shalt  }
0x72: {  	_ =	shalt  }
0x73: {  	_ =	shalt  }
0x74: {  	_ =	shalt  }
0x75: {  	_ =	shalt  }
0x76: {  	_ =	shalt  }
0x77: {  	_ =	shalt  }
0x78: {  	_ =	shalt  }
0x79: {  	_ =	shalt  }
0x7a: {  	_ =	shalt  }
0x7b: {  	_ =	shalt  }
0x7c: {  	_ =	shalt  }
0x7d: {  	_ =	shalt  }
0x7e: {  	_ =	shalt  }
0x7f: {  	_ =	shalt  }
0x80: {  	_ =	shalt  }
0x81: {  	_ =	shalt  }
0x82: {  	_ =	shalt  }
0x83: {  	_ =	shalt  }
0x84: {  	_ =	shalt  }
0x85: {  	_ =	shalt  }
0x86: {  	_ =	shalt  }
0x87: {  	_ =	shalt  }
.Lfunc_end0:
.L_simem_size_0:
called_computation.1_lowered:
.L_overlay_start_0:
0x88: {  	s2 =	sld [smem:$0x3FD9]  }
0x89: {  	s3 =	sld [smem:$0x3FFE];
	_ =	sdelay $0x1  }
0x8a: {  	s1 =	srdreg.scid  }
0x8b: {  	s0 =	sand.u32 $0x1, s1  }
0x8c: {  	s16 =	sshll.u32 s0, $0xA;
	s2 =	sadd.s32 s3, s2  }
0x8d: {  	s2 =	sadd.s32 s2, s16  }
0x8e: {  	[smem:$0x3FB6] =	sst s2  }
0x8f: {  	_ = 	snop  }
0x90: {  	(tm) =	ssettm $0x1  }
0x91: {  	s17 =	sld [smem:$0x3FFB];
	_ =	sdelay $0x3  }
0x92: {  	_ =	strace s17  }
0x93: {  	s2 =	sld [smem:$0x3FFC];
	_ =	sdelay $0x3  }
0x94: {  	_ =	strace s2  }
0x95: {  	s2 =	sld [smem:$0x3FFD];
	_ =	sdelay $0x3  }
0x96: {  	_ =	strace s2  }
0x97: {  	_ =	strace $0x8FFFFFFF  }
0x98: {  	s18 =	sld [smem:$0x3FDB];
	_ =	sdelay $0x1  }
0x99: {  	s19 =	simm.s32 $_scs_section_size  }
0x9a: {  	s4 =	simm.s32 $_size__tile_overlayer_lowered;
	s5 =	simm.s32 $_tile_overlayer_lowered  }
0x9b: {  	s22 =	simm.s32 $0x1BFF;
	s21 =	sshll.u32 s5, $0x1;
	s2 =	sadd.s32 s19, s18  }
0x9c: {  	s6 =	simm.s32 $0x0;
	s20 =	sshll.u32 s4, $0x1;
	s4 =	sadd.s32 s21, s2  }
0x9d: {  	[timem:s6], [sflag:s22] =	dma.local [hbm:s4], s20  }
0x9e: {  	_ =	swait.ge [sflag:s22], s20  }
0x9f: {  	s3 =	ssub.s32 $0x0, s20;
	[sflag:s22] =	ssyncset.done $0x0  }
0xa0: {  	[sflag:s22] =	ssyncadd.s32 s3;
	_ =	sdelay $0x1  }
0xa1: {  	s23 =	simm.s32 $0x1B8B  }
0xa2: {  	_ =	swait.ge [sflag:s23], $0x1  }
0xa3: {  	[sflag:s23] =	ssyncset.done $0x0  }
0xa4: {  	s25 =	simm.s32 $0x1B8E;
	s24 =	sld [smem:$0x3FFE];
	[sflag:s23] =	ssyncadd.s32 $0xFFFFFFFF  }
0xa5: {  	s26 =	simm.s32 $execute0_lowered;
	[smem:$0x3FD2] =	sst s25  }
0xa6: {  	s4 =	sshll.u32 s26, $0x1;
	_ =	strace $0x80000049;
	[dreg:$0x1] =	wrdreg $0xFFFFFFFF  }
0xa7: {  	s28 =	simm.s32 $_size_execute0_lowered;
	s2 =	sadd.s32 s2, s4;
	[dreg:$0x0] =	wrdreg $0x0  }
0xa8: {  	s4 =	sshll.u32 s28, $0x1;
	[dreg:$0x2] =	wrdreg s2  }
0xa9: {  	[dreg:$0x3] =	wrdreg s4  }
0xaa: {  	[dreg:$0x4] =	wrdreg $0xC0  }
0xab: {  	_ =	task [dreg:s6], $0x5FFFF  }
0xac: {  	[dreg:$0x1] =	wrdreg $0xFFFFFFFF  }
0xad: {  	[dreg:$0x0] =	wrdreg $0x60  }
0xae: {  	[dreg:$0x2] =	wrdreg s24  }
0xaf: {  	[dreg:$0x3] =	wrdreg $0x90000  }
0xb0: {  	[dreg:$0x4] =	wrdreg $0x9  }
0xb1: {  	_ =	task.clear_ibuf [dreg:s6], $0x5FFFF;
	_ =	strace $0x90000049  }
0xb2: {  	s29 =	simm.s32 $0x9;
	_ =	strace $0x8000004B  }
0xb3: {  	_ =	swait.ge [sflag:s29], $0x1  }
0xb4: {  	[sflag:s29] =	ssyncadd.s32 $0xFFFFFFFF  }
0xb5: {  	_ =	strace $0x9000004B  }
0xb6: {  	_ =	sfence  }
0xb7: {  	s30 =	sld [smem:$0x0];
	_ =	sdelay $0x2  }
0xb8: {  	s31 =	sshll.u32 s1, $0xD;
	s1 =	sshrl.u32 s1, $0x2  }
0xb9: {  	s3 =	sand.u32 $0x4000, s31;
	s1 =	sadd.s32 s1, s30  }
0xba: {  	s0 =	sor.u32 s3, s0;
	s1 =	sshll.u32 s1, $0x11  }
0xbb: {  	s0 =	sor.u32 s1, s0  }
0xbc: {  	s0 =	sadd.s32 $0x8F2B, s0  }
0xbd: {  	[sflag:s0] =	ssyncadd.remote.s32 $0x1  }
0xbe: {  	_ =	sfence.sel $0xFFFF  }
0xbf: {  	[dreg:$0x0] =	wrdreg $0xFFFFFFFF;
	(pc) =	sbr.abs _section_cstart, $3  }
0xc0: {  	[dreg:$0x1] =	wrdreg $0xFFFFFFFF  }
0xc1: {  	_ =	task.clear_ibuf [dreg:s6], $0x2FFFF;
	_ =	strace $0x9FFFFFFF  }
0xc2: {  	(tm) =	ssettm $0x7FFFFFFF  }
0xc3: {  	_ =	shalt  }
tec
execute0_lowered:
.L_overlay_start_1:
0x0: {  	(tag) =	ssettag $0x1  }
0x1: {  	s0 =	rddreg [dreg:$0x0]  }
0x2: {  	s2 =	rddreg [dreg:$0x1];
	s3 =	simm.s32 $0x0  }
0x3: {  	s1 =	srdreg.scid;
	s9 =	stileid.u32;
	s11 =	simm.s32 $0x2  }
0x4: {  	s12 =	simm.s32 $0x800;
	s13 =	simm.s32 $0x80;
	s14 =	simm.s32 $0x1000  }
0x5: {  	s15 =	simm.s32 $0x1;
	s16 =	simm.s32 $0x5000;
	s10 =	simm.s32 $0xB00  }
0x6: {  	s17 =	simm.s32 $0x400;
	s18 =	simm.s32 $0xB80;
	s19 =	simm.s32 $0x480  }
0x7: {  	s20 =	simm.s32 $0xC00;
	s29 =	simm.s32 $0xD00;
	s30 =	simm.s32 $0x600  }
0x8: {  	s31 =	simm.s32 $0xD80;
	s1 =	sand.u32 $0x1, s1;
	s4 =	smul.u32 $0x90, s9  }
0x9: {  	s5 =	sshll.u32 s9, $0x4;
	[smem:$0x7FF] =	sst s3;
	s7 =	smul.u32 $0x50000, s9  }
0xa: {  	s8 =	sadd.s32 $0x18400, s0;
	s23 =	sshll.u32 s9, $0x6;
	s24 =	smul.u32 $0x2800, s9  }
0xb: {  	s9 =	simm.s32 $0xF00;
	p0 =	seq.s32 s1, $0x0;
	s5 =	sor.u32 $0x900, s5  }
0xc: {  	_ =	strace $0x8000004A;
	s6 =	smul.u32 $0x28000, s1;
	[dreg:$0x3] =	wrdreg s8  }
0xd: {  	s21 =	ssub.s32 $0x2, s1;
	s26 =	sor.u32 $0x1C02, s23;
	s23 =	simm.s32 $0xC80  }
0xe: {  	s8 =	simm.s32 $0x780;
	s5 =	smov.u32 @p0 s4;
	s4 =	sadd.s32 $0x1AC00, s0  }
0xf: {  	s22 =	sshrl.u32 s21, $0x1;
	s7 =	sshrl.u32 s7, $0x2;
	p0 =	sne.s32 s1, $0x0  }
0x10: {  	[dreg:$0x4] =	wrdreg s26;
	s1 =	simm.s32 $0xE00;
	s5 =	sshll.u32 s5, $0x4  }
0x11: {  	s7 =	sadd.s32 s7, s2;
	s5 =	sadd.s32 s5, s0;
	s0 =	sadd.s32 s6, s0  }
0x12: {  	s6 =	ssub.s32 s21, s22;
	s28 =	sshrl.u32 s7, $0x3;
	s21 =	simm.s32 $0x500  }
0x13: {  	s22 =	simm.s32 $0x580;
	s6 =	smax.u32 s6, $0x1;
	[dreg:$0x8] =	wrdreg s28  }
0x14: {  	s7 =	simm.s32 $0xE80;
	s25 =	sadd.s32 $0xE400, s5;
	[dreg:$0x5] =	wrdreg s6  }
0x15: {  	s0 =	sadd.s32 $0x42C00, s0;
	s5 =	sadd.s32 $0x4400, s5;
	[dreg:$0x6] =	wrdreg s25  }
0x16: {  	[dreg:$0x7] =	wrdreg s5;
	s0 =	sadd.s32 s24, s0;
	s5 =	simm.s32 $0x700  }
0x17: {  	s24 =	simm.s32 $0xF80;
	[dreg:$0x9] =	wrdreg s0;
	s0 =	simm.s32 $0x0  }
.LBB2_1:
0x18: {  	[dreg:$0xa] =	wrdreg s0  }
0x19: {  	s25 =	rddreg [dreg:$0x3]  }
0x1a: {  	[spmem:s28], [sflag:s26] =	dma.local [hbm:s25], $0x2800  }
0x1b: {  	_ =	swait.ge [sflag:s11], $0x2800  }
0x1c: {  	[sflag:s11] =	ssyncset.done $0x0  }
0x1d: {  	[sflag:s11] =	ssyncadd.s32 $0xFFFFD800  }
0x1e: {  	[bflag:$0x0] =	sbarrier.arrive $0xFFFF  }
0x1f: {  	s25 =	rddreg [dreg:$0x7]  }
0x20: {  	s0 =	simm.s32 $0x680;
	s28 =	simm.s32 $0x0;
	s26 =	rddreg [dreg:$0x6]  }
.LBB2_2:
0x21: {  	[tilespmem:s3], [sflag:$0x2] =	stream.linear.gather [hbm4b:s25+s3], $0x800, $0x38;
	[tilespmem:$0x1D000] =	vst v63  }
0x22: {  	_ =	swait.ge [sflag:s11], $0x800  }
0x23: {  	[sflag:s11] =	ssyncset.done $0x0  }
0x24: {  	[sflag:s11] =	ssyncadd.s32 $0xFFFFF800  }
0x25: {  	[tilespmem:s12], [sflag:$0x2] =	stream.linear.gather [hbm4b:s26+s3], $0x800, $0x38;
	[tilespmem:$0x1D000] =	vst v63  }
0x26: {  	_ =	swait.ge [sflag:s11], $0x800  }
0x27: {  	[sflag:s11] =	ssyncset.done $0x0  }
0x28: {  	[sflag:s11] =	ssyncadd.s32 $0xFFFFF800  }
0x29: {  	[tilespmem:s14], [sflag:$0x1] =	stream.indirect.gather [hbm4b:s4+s13], $0x80, s3, s13, $0xb8;
	[tilespmem:$0x1D000] =	vst v63  }
0x2a: {  	_ =	swait.ge [sflag:s15], $0x4000  }
0x2b: {  	[sflag:s15] =	ssyncset.done $0x0  }
0x2c: {  	[sflag:s15] =	ssyncadd.s32 $0xFFFFC000  }
0x2d: {  	[tilespmem:s16], [sflag:$0x1] =	stream.indirect.gather [hbm4b:s4+s13], $0x80, s13, s13, $0xb8;
	[tilespmem:$0x1D000] =	vst v63  }
0x2e: {  	_ = 	snop  }
0x2f: {  	[spmem:s2] =	stream.indirect.scatter.add.f32 [tilespmem:s14], [sflag:$0x2], $0x80, s12, s13, $0xb8;
	[tilespmem:$0x1D000] =	vst v63  }
0x30: {  	_ =	swait.ge [sflag:s11], $0x4000  }
0x31: {  	[sflag:s11] =	ssyncset.done $0x0  }
0x32: {  	[sflag:s11] =	ssyncadd.s32 $0xFFFFC000  }
0x33: {  	_ =	swait.ge [sflag:s15], $0x4000  }
0x34: {  	[sflag:s15] =	ssyncset.done $0x0  }
0x35: {  	s6 =	simm.s32 $0x100;
	[sflag:s15] =	ssyncadd.s32 $0xFFFFC000  }
0x36: {  	[tilespmem:s14], [sflag:$0x1] =	stream.indirect.gather [hbm4b:s4+s13], $0x80, s6, s13, $0xb8;
	[tilespmem:$0x1D000] =	vst v63  }
0x37: {  	s6 =	simm.s32 $0x880  }
0x38: {  	[spmem:s2] =	stream.indirect.scatter.add.f32 [tilespmem:s16], [sflag:$0x2], $0x80, s6, s13, $0xb8;
	[tilespmem:$0x1D000] =	vst v63  }
0x39: {  	_ =	swait.ge [sflag:s11], $0x4000  }
0x3a: {  	[sflag:s11] =	ssyncset.done $0x0  }
0x3b: {  	[sflag:s11] =	ssyncadd.s32 $0xFFFFC000  }
0x3c: {  	_ =	swait.ge [sflag:s15], $0x4000  }
0x3d: {  	[sflag:s15] =	ssyncset.done $0x0  }
0x3e: {  	s6 =	simm.s32 $0x180;
	[sflag:s15] =	ssyncadd.s32 $0xFFFFC000  }
0x3f: {  	[tilespmem:s16], [sflag:$0x1] =	stream.indirect.gather [hbm4b:s4+s13], $0x80, s6, s13, $0xb8;
	[tilespmem:$0x1D000] =	vst v63  }
0x40: {  	s6 =	simm.s32 $0x900  }
0x41: {  	[spmem:s2] =	stream.indirect.scatter.add.f32 [tilespmem:s14], [sflag:$0x2], $0x80, s6, s13, $0xb8;
	[tilespmem:$0x1D000] =	vst v63  }
0x42: {  	_ =	swait.ge [sflag:s11], $0x4000  }
0x43: {  	[sflag:s11] =	ssyncset.done $0x0  }
0x44: {  	[sflag:s11] =	ssyncadd.s32 $0xFFFFC000  }
0x45: {  	_ =	swait.ge [sflag:s15], $0x4000  }
0x46: {  	[sflag:s15] =	ssyncset.done $0x0  }
0x47: {  	s6 =	simm.s32 $0x200;
	[sflag:s15] =	ssyncadd.s32 $0xFFFFC000  }
0x48: {  	[tilespmem:s14], [sflag:$0x1] =	stream.indirect.gather [hbm4b:s4+s13], $0x80, s6, s13, $0xb8;
	[tilespmem:$0x1D000] =	vst v63  }
0x49: {  	s6 =	simm.s32 $0x980  }
0x4a: {  	[spmem:s2] =	stream.indirect.scatter.add.f32 [tilespmem:s16], [sflag:$0x2], $0x80, s6, s13, $0xb8;
	[tilespmem:$0x1D000] =	vst v63  }
0x4b: {  	_ =	swait.ge [sflag:s11], $0x4000  }
0x4c: {  	[sflag:s11] =	ssyncset.done $0x0  }
0x4d: {  	[sflag:s11] =	ssyncadd.s32 $0xFFFFC000  }
0x4e: {  	_ =	swait.ge [sflag:s15], $0x4000  }
0x4f: {  	[sflag:s15] =	ssyncset.done $0x0  }
0x50: {  	s6 =	simm.s32 $0x280;
	[sflag:s15] =	ssyncadd.s32 $0xFFFFC000  }
0x51: {  	[tilespmem:s16], [sflag:$0x1] =	stream.indirect.gather [hbm4b:s4+s13], $0x80, s6, s13, $0xb8;
	[tilespmem:$0x1D000] =	vst v63  }
0x52: {  	s6 =	simm.s32 $0xA00  }
0x53: {  	[spmem:s2] =	stream.indirect.scatter.add.f32 [tilespmem:s14], [sflag:$0x2], $0x80, s6, s13, $0xb8;
	[tilespmem:$0x1D000] =	vst v63  }
0x54: {  	_ =	swait.ge [sflag:s11], $0x4000  }
0x55: {  	[sflag:s11] =	ssyncset.done $0x0  }
0x56: {  	[sflag:s11] =	ssyncadd.s32 $0xFFFFC000  }
0x57: {  	_ =	swait.ge [sflag:s15], $0x4000  }
0x58: {  	[sflag:s15] =	ssyncset.done $0x0  }
0x59: {  	s6 =	simm.s32 $0x300;
	[sflag:s15] =	ssyncadd.s32 $0xFFFFC000  }
0x5a: {  	[tilespmem:s14], [sflag:$0x1] =	stream.indirect.gather [hbm4b:s4+s13], $0x80, s6, s13, $0xb8;
	[tilespmem:$0x1D000] =	vst v63  }
0x5b: {  	s6 =	simm.s32 $0xA80  }
0x5c: {  	[spmem:s2] =	stream.indirect.scatter.add.f32 [tilespmem:s16], [sflag:$0x2], $0x80, s6, s13, $0xb8;
	[tilespmem:$0x1D000] =	vst v63  }
0x5d: {  	_ =	swait.ge [sflag:s11], $0x4000  }
0x5e: {  	[sflag:s11] =	ssyncset.done $0x0  }
0x5f: {  	[sflag:s11] =	ssyncadd.s32 $0xFFFFC000  }
0x60: {  	_ =	swait.ge [sflag:s15], $0x4000  }
0x61: {  	[sflag:s15] =	ssyncset.done $0x0  }
0x62: {  	s6 =	simm.s32 $0x380;
	[sflag:s15] =	ssyncadd.s32 $0xFFFFC000  }
0x63: {  	[tilespmem:s16], [sflag:$0x1] =	stream.indirect.gather [hbm4b:s4+s13], $0x80, s6, s13, $0xb8;
	[tilespmem:$0x1D000] =	vst v63  }
0x64: {  	_ = 	snop  }
0x65: {  	[spmem:s2] =	stream.indirect.scatter.add.f32 [tilespmem:s14], [sflag:$0x2], $0x80, s10, s13, $0xb8;
	[tilespmem:$0x1D000] =	vst v63  }
0x66: {  	_ =	swait.ge [sflag:s11], $0x4000  }
0x67: {  	[sflag:s11] =	ssyncset.done $0x0  }
0x68: {  	[sflag:s11] =	ssyncadd.s32 $0xFFFFC000  }
0x69: {  	_ =	swait.ge [sflag:s15], $0x4000  }
0x6a: {  	[sflag:s15] =	ssyncset.done $0x0  }
0x6b: {  	[sflag:s15] =	ssyncadd.s32 $0xFFFFC000  }
0x6c: {  	[tilespmem:s14], [sflag:$0x1] =	stream.indirect.gather [hbm4b:s4+s13], $0x80, s17, s13, $0xb8;
	[tilespmem:$0x1D000] =	vst v63  }
0x6d: {  	_ = 	snop  }
0x6e: {  	[spmem:s2] =	stream.indirect.scatter.add.f32 [tilespmem:s16], [sflag:$0x2], $0x80, s18, s13, $0xb8;
	[tilespmem:$0x1D000] =	vst v63  }
0x6f: {  	_ =	swait.ge [sflag:s11], $0x4000  }
0x70: {  	[sflag:s11] =	ssyncset.done $0x0  }
0x71: {  	[sflag:s11] =	ssyncadd.s32 $0xFFFFC000  }
0x72: {  	_ =	swait.ge [sflag:s15], $0x4000  }
0x73: {  	[sflag:s15] =	ssyncset.done $0x0  }
0x74: {  	[sflag:s15] =	ssyncadd.s32 $0xFFFFC000  }
0x75: {  	[tilespmem:s16], [sflag:$0x1] =	stream.indirect.gather [hbm4b:s4+s13], $0x80, s19, s13, $0xb8;
	[tilespmem:$0x1D000] =	vst v63  }
0x76: {  	_ = 	snop  }
0x77: {  	[spmem:s2] =	stream.indirect.scatter.add.f32 [tilespmem:s14], [sflag:$0x2], $0x80, s20, s13, $0xb8;
	[tilespmem:$0x1D000] =	vst v63  }
0x78: {  	_ =	swait.ge [sflag:s11], $0x4000  }
0x79: {  	[sflag:s11] =	ssyncset.done $0x0  }
0x7a: {  	[sflag:s11] =	ssyncadd.s32 $0xFFFFC000  }
0x7b: {  	_ =	swait.ge [sflag:s15], $0x4000  }
0x7c: {  	[sflag:s15] =	ssyncset.done $0x0  }
0x7d: {  	[sflag:s15] =	ssyncadd.s32 $0xFFFFC000  }
0x7e: {  	[tilespmem:s14], [sflag:$0x1] =	stream.indirect.gather [hbm4b:s4+s13], $0x80, s21, s13, $0xb8;
	[tilespmem:$0x1D000] =	vst v63  }
0x7f: {  	_ = 	snop  }
0x80: {  	[spmem:s2] =	stream.indirect.scatter.add.f32 [tilespmem:s16], [sflag:$0x2], $0x80, s23, s13, $0xb8;
	[tilespmem:$0x1D000] =	vst v63  }
0x81: {  	_ =	swait.ge [sflag:s11], $0x4000  }
0x82: {  	[sflag:s11] =	ssyncset.done $0x0  }
0x83: {  	[sflag:s11] =	ssyncadd.s32 $0xFFFFC000  }
0x84: {  	_ =	swait.ge [sflag:s15], $0x4000  }
0x85: {  	[sflag:s15] =	ssyncset.done $0x0  }
0x86: {  	[sflag:s15] =	ssyncadd.s32 $0xFFFFC000  }
0x87: {  	[tilespmem:s16], [sflag:$0x1] =	stream.indirect.gather [hbm4b:s4+s13], $0x80, s22, s13, $0xb8;
	[tilespmem:$0x1D000] =	vst v63  }
0x88: {  	_ = 	snop  }
0x89: {  	[spmem:s2] =	stream.indirect.scatter.add.f32 [tilespmem:s14], [sflag:$0x2], $0x80, s29, s13, $0xb8;
	[tilespmem:$0x1D000] =	vst v63  }
0x8a: {  	_ =	swait.ge [sflag:s11], $0x4000  }
0x8b: {  	[sflag:s11] =	ssyncset.done $0x0  }
0x8c: {  	[sflag:s11] =	ssyncadd.s32 $0xFFFFC000  }
0x8d: {  	_ =	swait.ge [sflag:s15], $0x4000  }
0x8e: {  	[sflag:s15] =	ssyncset.done $0x0  }
0x8f: {  	[sflag:s15] =	ssyncadd.s32 $0xFFFFC000  }
0x90: {  	[tilespmem:s14], [sflag:$0x1] =	stream.indirect.gather [hbm4b:s4+s13], $0x80, s30, s13, $0xb8;
	[tilespmem:$0x1D000] =	vst v63  }
0x91: {  	_ = 	snop  }
0x92: {  	[spmem:s2] =	stream.indirect.scatter.add.f32 [tilespmem:s16], [sflag:$0x2], $0x80, s31, s13, $0xb8;
	[tilespmem:$0x1D000] =	vst v63  }
0x93: {  	_ =	swait.ge [sflag:s11], $0x4000  }
0x94: {  	[sflag:s11] =	ssyncset.done $0x0  }
0x95: {  	[sflag:s11] =	ssyncadd.s32 $0xFFFFC000  }
0x96: {  	_ =	swait.ge [sflag:s15], $0x4000  }
0x97: {  	[sflag:s15] =	ssyncset.done $0x0  }
0x98: {  	[sflag:s15] =	ssyncadd.s32 $0xFFFFC000  }
0x99: {  	[tilespmem:s16], [sflag:$0x1] =	stream.indirect.gather [hbm4b:s4+s13], $0x80, s0, s13, $0xb8;
	[tilespmem:$0x1D000] =	vst v63  }
0x9a: {  	_ = 	snop  }
0x9b: {  	[spmem:s2] =	stream.indirect.scatter.add.f32 [tilespmem:s14], [sflag:$0x2], $0x80, s1, s13, $0xb8;
	[tilespmem:$0x1D000] =	vst v63  }
0x9c: {  	_ =	swait.ge [sflag:s11], $0x4000  }
0x9d: {  	[sflag:s11] =	ssyncset.done $0x0  }
0x9e: {  	[sflag:s11] =	ssyncadd.s32 $0xFFFFC000  }
0x9f: {  	_ =	swait.ge [sflag:s15], $0x4000  }
0xa0: {  	[sflag:s15] =	ssyncset.done $0x0  }
0xa1: {  	[sflag:s15] =	ssyncadd.s32 $0xFFFFC000  }
0xa2: {  	[tilespmem:s14], [sflag:$0x1] =	stream.indirect.gather [hbm4b:s4+s13], $0x80, s5, s13, $0xb8;
	[tilespmem:$0x1D000] =	vst v63  }
0xa3: {  	_ = 	snop  }
0xa4: {  	[spmem:s2] =	stream.indirect.scatter.add.f32 [tilespmem:s16], [sflag:$0x2], $0x80, s7, s13, $0xb8;
	[tilespmem:$0x1D000] =	vst v63  }
0xa5: {  	_ =	swait.ge [sflag:s11], $0x4000  }
0xa6: {  	[sflag:s11] =	ssyncset.done $0x0  }
0xa7: {  	[sflag:s11] =	ssyncadd.s32 $0xFFFFC000  }
0xa8: {  	_ =	swait.ge [sflag:s15], $0x4000  }
0xa9: {  	[sflag:s15] =	ssyncset.done $0x0  }
0xaa: {  	[sflag:s15] =	ssyncadd.s32 $0xFFFFC000  }
0xab: {  	[tilespmem:s16], [sflag:$0x1] =	stream.indirect.gather [hbm4b:s4+s13], $0x80, s8, s13, $0xb8;
	[tilespmem:$0x1D000] =	vst v63  }
0xac: {  	_ = 	snop  }
0xad: {  	[spmem:s2] =	stream.indirect.scatter.add.f32 [tilespmem:s14], [sflag:$0x2], $0x80, s9, s13, $0xb8;
	[tilespmem:$0x1D000] =	vst v63  }
0xae: {  	_ =	swait.ge [sflag:s11], $0x4000  }
0xaf: {  	[sflag:s11] =	ssyncset.done $0x0  }
0xb0: {  	[sflag:s11] =	ssyncadd.s32 $0xFFFFC000  }
0xb1: {  	p1 =	slt.u32 @!p0 s28, $0x8;
	_ =	swait.ge [sflag:s15], $0x4000  }
0xb2: {  	p1 =	por p0, !p1;
	[sflag:s15] =	ssyncset.done $0x0  }
.Ltmp0:
0xb3: {  	[sflag:s15] =	ssyncadd.s32 $0xFFFFC000;
	(pc) =	sbr.rel @!p1 .LBB2_2-.Ltmp0, $4  }
0xb4: {  	[spmem:s2] =	stream.indirect.scatter.add.f32 [tilespmem:s16], [sflag:$0x2], $0x80, s24, s13, $0xb8;
	[tilespmem:$0x1D000] =	vst v63  }
0xb5: {  	_ =	swait.ge [sflag:s11], $0x4000  }
0xb6: {  	s28 =	sadd.s32 $0x1, s28;
	[sflag:s11] =	ssyncset.done $0x0  }
0xb7: {  	s25 =	sadd.s32 $0x100, s25;
	s26 =	sadd.s32 $0x100, s26;
	[sflag:s11] =	ssyncadd.s32 $0xFFFFC000  }
0xb8: {  	[bflag:$0x0] =	sbarrier.arrive $0xFFFF  }
0xb9: {  	s26 =	rddreg [dreg:$0x4]  }
0xba: {  	s28 =	rddreg [dreg:$0x8]  }
0xbb: {  	s0 =	rddreg [dreg:$0x9]  }
0xbc: {  	[hbm:s0], [sflag:s26] =	dma.local [spmem:s28], $0x2800  }
0xbd: {  	_ =	swait.ge [sflag:s11], $0x2800  }
0xbe: {  	s25 =	rddreg [dreg:$0xa]  }
0xbf: {  	s0 =	sadd.s32 $0x1, s25;
	s25 =	rddreg [dreg:$0x5]  }
0xc0: {  	p1 =	sne.s32 s0, s25  }
.Ltmp1:
0xc1: {  	_ = 	snop;
	(pc) =	sbr.rel @p1 .LBB2_1-.Ltmp1, $3  }
0xc2: {  	_ =	sdelay $0x1  }
0xc3: {  	[sflag:s11] =	ssyncset.done $0x0  }
0xc4: {  	[sflag:s11] =	ssyncadd.s32 $0xFFFFD800  }
0xc5: {  	_ =	sfence.sel $0x180000  }
0xc6: {  	[bflag:$0x0] =	sbarrier.arrive $0xFFFF  }
0xc7: {  	_ =	strace $0x9000004A  }
0xc8: {  	s0 =	stileid.u32;
	[bflag:$0x2] =	sbarrier.arrive $0xFFFF  }
0xc9: {  	p0 =	sne.s32 s0, $0x0;
	s0 =	rddreg [dreg:$0x2]  }
0xca: {  	s0 =	sadd.s32 @!p0 $0x100000, s0  }
0xcb: {  	[sflag:s0] =	ssyncadd.tile.s32 @!p0 $0x1;
	_ =	shalt  }
.Lfunc_end2:
_tile_overlayer_lowered:
.L_overlay_start_2:
0xcc: {  	(tag) =	ssettag $0x2  }
0xcd: {  	s0 =	rddreg [dreg:$0x0];
	s2 =	stileid.u32  }
0xce: {  	s1 =	rddreg [dreg:$0x1];
	p0 =	sne.s32 s2, $0x0  }
0xcf: {  	s3 =	rddreg [dreg:$0x2];
	[bflag:$0x3] =	sbarrier.arrive $0xFFFF;
	s2 =	simm.s32 @!p0 $0x1C02  }
0xd0: {  	[timem:s3], [sflag:s2] =	dma.local @!p0 [hbm:s0], s1  }
0xd1: {  	s0 =	simm.s32 @!p0 $0x2  }
0xd2: {  	_ =	swait.ge @!p0 [sflag:s0], s1  }
0xd3: {  	s1 =	ssub.s32 @!p0 $0x0, s1;
	[sflag:s0] =	ssyncset.done @!p0 $0x0  }
0xd4: {  	[sflag:s0] =	ssyncadd.s32 @!p0 s1  }
0xd5: {  	[bflag:$0x3] =	sbarrier.arrive $0xFFFF  }
0xd6: {  	_ =	shalt  }

// kernel: kernel.16.cloned.1.call-start
scs
__scs_entry_jumppad:
0x0: {  	(pc) =	sbr.rel $0x88, $3  }
0x1: {  	(tag) =	ssettag $0x0;
	lr =	simm.s32 $0x1  }
0x2: {  	[smem:$0x3F8F] =	sst lr;
	_ =	strace $0xD0000000  }
0x3: {  	_ = 	snop  }
0x4: {  	_ = 	snop  }
0x5: {  	_ = 	snop  }
0x6: {  	_ = 	snop  }
0x7: {  	_ = 	snop  }
__scs_overlays_trampoline_lowered:
0x8: {  	[smem:$0x3F9E] =	sst s0  }
0x9: {  	[smem:$0x3F9F] =	sst s1  }
0xa: {  	[smem:$0x3FA0] =	sst s2  }
0xb: {  	[smem:$0x3FA1] =	sst s3  }
0xc: {  	[smem:$0x3FA2] =	sst s4  }
0xd: {  	[smem:$0x3FA3] =	sst s5  }
0xe: {  	[smem:$0x3FA4] =	sst s6  }
0xf: {  	[smem:$0x3FA5] =	sst s7  }
0x10: {  	[smem:$0x3FA6] =	sst s8  }
0x11: {  	[smem:$0x3FA7] =	sst s9;
	s0 =	simm.s32 @!p0 $0x0  }
0x12: {  	s1 =	sld [smem:$0x3F8D];
	s0 =	simm.s32 @p0 $0x1  }
0x13: {  	[smem:$0x3FA8] =	sst s0;
	s0 =	simm.s32 @!p1 $0x0  }
0x14: {  	s2 =	sld [smem:$0x3F8C];
	s0 =	simm.s32 @p1 $0x1  }
0x15: {  	[smem:$0x3FA9] =	sst s0;
	s0 =	simm.s32 @!p2 $0x0  }
0x16: {  	s3 =	sld [smem:$0x3FDB];
	s0 =	simm.s32 @p2 $0x1  }
0x17: {  	s4 =	simm.s32 $0x1BF5;
	[smem:$0x3FAB] =	sst s0  }
0x18: {  	s0 =	sld [smem:$0x3F8E];
	_ =	swait.ge [sflag:s4], $0x0  }
0x19: {  	s7 =	sld [smem:$0x3F8F]  }
0x1a: {  	s8 =	sadd.s32 $0xFFFFE003, lr  }
0x1b: {  	s9 =	sadd.s32 $0xFFFFFEF7, lr;
	s5 =	simm.s32 $0xFFFFFFFF;
	p2 =	slt.u32 s8, $0xFFFFF086  }
0x1c: {  	p1 =	slt.u32 s9, $0xF7A;
	s5 =	simm.s32 @!p2 $0x0  }
0x1d: {  	s5 =	simm.s32 @p1 $0x1;
	p0 =	seq.s32 s7, s2  }
0x1e: {  	s7 =	smul.u32 @!p0 $0xF7A, s2;
	p2 =	seq.s32 @!p0 s5, $0x0  }
0x1f: {  	s9 =	smul.u32 $0xF7A, s1;
	s8 =	simm.s32 @!p0 $0x1BF5;
	p2 =	por !p2, p0  }
0x20: {  	[sflag:s8] =	ssyncset.s32 @!p0 $0xFFFFF086;
	s6 =	sadd.s32 @!p0 s3, s7;
	s7 =	simm.s32 @!p0 $0x108  }
0x21: {  	s3 =	sadd.s32 s3, s9;
	s6 =	sadd.s32 @!p0 $0x88, s6;
	s7 =	simm.s32 @p2 $0x1082  }
0x22: {  	[simem:s7], [sflag:s8] =	dma.local @!p0 [hbm:s6], $0xF7A  }
0x23: {  	s9 =	sor.u32 $0xD0000000, s2;
	s6 =	simm.s32 $0x108;
	_ =	swait.ge @!p0 [sflag:s8], $0x0  }
0x24: {  	s3 =	sadd.s32 $0x88, s3;
	s6 =	simm.s32 @!p1 $0x1082;
	[sflag:s4] =	ssyncset.s32 $0xFFFFF086  }
0x25: {  	[simem:s6], [sflag:s4] =	dma.local [hbm:s3], $0xF7A  }
0x26: {  	[smem:$0x3F8F] =	sst s1;
	(tag) =	ssettag s2;
	_ =	strace s9  }
0x27: {  	s1 =	sld [smem:$0x3F9F]  }
0x28: {  	s2 =	sld [smem:$0x3FA0]  }
0x29: {  	s4 =	sld [smem:$0x3FA2]  }
0x2a: {  	p0 =	seq.s32 s5, $0x0;
	s5 =	sld [smem:$0x3FA3]  }
0x2b: {  	s6 =	sld [smem:$0x3FA4]  }
0x2c: {  	s7 =	sld [smem:$0x3FA5]  }
0x2d: {  	s3 =	simm.s32 $0x108;
	s8 =	sld [smem:$0x3FA6]  }
0x2e: {  	s3 =	simm.s32 @!p0 $0x1082;
	s9 =	sld [smem:$0x3FA7]  }
0x2f: {  	lr =	sadd.s32 s0, s3;
	s0 =	sld [smem:$0x3F9E]  }
0x30: {  	s3 =	sld [smem:$0x3FA1]  }
0x31: {  	[smem:$0x3FAA] =	sst s10  }
0x32: {  	s10 =	sld [smem:$0x3FA8];
	_ =	sdelay $0x3  }
0x33: {  	p0 =	seq.s32 s10, $0x1;
	s10 =	sld [smem:$0x3FAA];
	_ =	sdelay $0x3  }
0x34: {  	[smem:$0x3FAA] =	sst s10  }
0x35: {  	s10 =	sld [smem:$0x3FA9];
	_ =	sdelay $0x3  }
0x36: {  	p1 =	seq.s32 s10, $0x1;
	s10 =	sld [smem:$0x3FAA];
	_ =	sdelay $0x3  }
0x37: {  	[smem:$0x3FAA] =	sst s10  }
0x38: {  	s10 =	sld [smem:$0x3FAB]  }
0x39: {  	_ = 	snop;
	(pc) =	sbr.ind lr, $3  }
0x3a: {  	_ = 	snop  }
0x3b: {  	_ = 	snop  }
0x3c: {  	p2 =	seq.s32 s10, $0x1;
	s10 =	sld [smem:$0x3FAA]  }
0x3d: {  	_ =	shalt  }
0x3e: {  	_ =	shalt  }
0x3f: {  	_ =	shalt  }
0x40: {  	_ =	shalt  }
0x41: {  	_ =	shalt  }
0x42: {  	_ =	shalt  }
0x43: {  	_ =	shalt  }
0x44: {  	_ =	shalt  }
0x45: {  	_ =	shalt  }
0x46: {  	_ =	shalt  }
0x47: {  	_ =	shalt  }
0x48: {  	_ =	shalt  }
0x49: {  	_ =	shalt  }
0x4a: {  	_ =	shalt  }
0x4b: {  	_ =	shalt  }
0x4c: {  	_ =	shalt  }
0x4d: {  	_ =	shalt  }
0x4e: {  	_ =	shalt  }
0x4f: {  	_ =	shalt  }
0x50: {  	_ =	shalt  }
0x51: {  	_ =	shalt  }
0x52: {  	_ =	shalt  }
0x53: {  	_ =	shalt  }
0x54: {  	_ =	shalt  }
0x55: {  	_ =	shalt  }
0x56: {  	_ =	shalt  }
0x57: {  	_ =	shalt  }
0x58: {  	_ =	shalt  }
0x59: {  	_ =	shalt  }
0x5a: {  	_ =	shalt  }
0x5b: {  	_ =	shalt  }
0x5c: {  	_ =	shalt  }
0x5d: {  	_ =	shalt  }
0x5e: {  	_ =	shalt  }
0x5f: {  	_ =	shalt  }
0x60: {  	_ =	shalt  }
0x61: {  	_ =	shalt  }
0x62: {  	_ =	shalt  }
0x63: {  	_ =	shalt  }
0x64: {  	_ =	shalt  }
0x65: {  	_ =	shalt  }
0x66: {  	_ =	shalt  }
0x67: {  	_ =	shalt  }
0x68: {  	_ =	shalt  }
0x69: {  	_ =	shalt  }
0x6a: {  	_ =	shalt  }
0x6b: {  	_ =	shalt  }
0x6c: {  	_ =	shalt  }
0x6d: {  	_ =	shalt  }
0x6e: {  	_ =	shalt  }
0x6f: {  	_ =	shalt  }
0x70: {  	_ =	shalt  }
0x71: {  	_ =	shalt  }
0x72: {  	_ =	shalt  }
0x73: {  	_ =	shalt  }
0x74: {  	_ =	shalt  }
0x75: {  	_ =	shalt  }
0x76: {  	_ =	shalt  }
0x77: {  	_ =	shalt  }
0x78: {  	_ =	shalt  }
0x79: {  	_ =	shalt  }
0x7a: {  	_ =	shalt  }
0x7b: {  	_ =	shalt  }
0x7c: {  	_ =	shalt  }
0x7d: {  	_ =	shalt  }
0x7e: {  	_ =	shalt  }
0x7f: {  	_ =	shalt  }
0x80: {  	_ =	shalt  }
0x81: {  	_ =	shalt  }
0x82: {  	_ =	shalt  }
0x83: {  	_ =	shalt  }
0x84: {  	_ =	shalt  }
0x85: {  	_ =	shalt  }
0x86: {  	_ =	shalt  }
0x87: {  	_ =	shalt  }
.Lfunc_end0:
.L_simem_size_0:
called_computation.2_lowered:
.L_overlay_start_0:
0x88: {  	s2 =	sld [smem:$0x3FD9]  }
0x89: {  	s3 =	sld [smem:$0x3FFE];
	_ =	sdelay $0x1  }
0x8a: {  	s1 =	srdreg.scid  }
0x8b: {  	s0 =	sand.u32 $0x1, s1  }
0x8c: {  	s16 =	sshll.u32 s0, $0xA;
	s2 =	sadd.s32 s3, s2  }
0x8d: {  	s2 =	sadd.s32 s2, s16  }
0x8e: {  	[smem:$0x3FB6] =	sst s2  }
0x8f: {  	_ = 	snop  }
0x90: {  	(tm) =	ssettm $0x1  }
0x91: {  	s17 =	sld [smem:$0x3FFB];
	_ =	sdelay $0x3  }
0x92: {  	_ =	strace s17  }
0x93: {  	s2 =	sld [smem:$0x3FFC];
	_ =	sdelay $0x3  }
0x94: {  	_ =	strace s2  }
0x95: {  	s2 =	sld [smem:$0x3FFD];
	_ =	sdelay $0x3  }
0x96: {  	_ =	strace s2  }
0x97: {  	_ =	strace $0x8FFFFFFF  }
0x98: {  	s18 =	sld [smem:$0x3FDB];
	_ =	sdelay $0x1  }
0x99: {  	s19 =	simm.s32 $_scs_section_size  }
0x9a: {  	s4 =	simm.s32 $_size__tile_overlayer_lowered;
	s5 =	simm.s32 $_tile_overlayer_lowered  }
0x9b: {  	s22 =	simm.s32 $0x1BFF;
	s21 =	sshll.u32 s5, $0x1;
	s2 =	sadd.s32 s19, s18  }
0x9c: {  	s6 =	simm.s32 $0x0;
	s20 =	sshll.u32 s4, $0x1;
	s4 =	sadd.s32 s21, s2  }
0x9d: {  	[timem:s6], [sflag:s22] =	dma.local [hbm:s4], s20  }
0x9e: {  	_ =	swait.ge [sflag:s22], s20  }
0x9f: {  	s3 =	ssub.s32 $0x0, s20;
	[sflag:s22] =	ssyncset.done $0x0  }
0xa0: {  	[sflag:s22] =	ssyncadd.s32 s3;
	_ =	sdelay $0x1  }
0xa1: {  	s23 =	simm.s32 $0x1B8B  }
0xa2: {  	_ =	swait.ge [sflag:s23], $0x1  }
0xa3: {  	[sflag:s23] =	ssyncset.done $0x0  }
0xa4: {  	s25 =	simm.s32 $0x1B8E;
	s24 =	sld [smem:$0x3FFE];
	[sflag:s23] =	ssyncadd.s32 $0xFFFFFFFF  }
0xa5: {  	s26 =	simm.s32 $execute0_lowered;
	[smem:$0x3FD2] =	sst s25  }
0xa6: {  	s4 =	sshll.u32 s26, $0x1;
	_ =	strace $0x8000004C;
	[dreg:$0x1] =	wrdreg $0xFFFFFFFF  }
0xa7: {  	s28 =	simm.s32 $_size_execute0_lowered;
	s2 =	sadd.s32 s2, s4;
	[dreg:$0x0] =	wrdreg $0x0  }
0xa8: {  	s4 =	sshll.u32 s28, $0x1;
	[dreg:$0x2] =	wrdreg s2  }
0xa9: {  	[dreg:$0x3] =	wrdreg s4  }
0xaa: {  	[dreg:$0x4] =	wrdreg $0xC0  }
0xab: {  	_ =	task [dreg:s6], $0x5FFFF  }
0xac: {  	[dreg:$0x1] =	wrdreg $0xFFFFFFFF  }
0xad: {  	[dreg:$0x0] =	wrdreg $0x60  }
0xae: {  	[dreg:$0x2] =	wrdreg s24  }
0xaf: {  	[dreg:$0x3] =	wrdreg $0x90000  }
0xb0: {  	[dreg:$0x4] =	wrdreg $0x9  }
0xb1: {  	_ =	task.clear_ibuf [dreg:s6], $0x5FFFF;
	_ =	strace $0x9000004C  }
0xb2: {  	s29 =	simm.s32 $0x9;
	_ =	strace $0x8000004E  }
0xb3: {  	_ =	swait.ge [sflag:s29], $0x1  }
0xb4: {  	[sflag:s29] =	ssyncadd.s32 $0xFFFFFFFF  }
0xb5: {  	_ =	strace $0x9000004E  }
0xb6: {  	_ =	sfence  }
0xb7: {  	s30 =	sld [smem:$0x0];
	_ =	sdelay $0x2  }
0xb8: {  	s31 =	sshll.u32 s1, $0xD;
	s1 =	sshrl.u32 s1, $0x2  }
0xb9: {  	s3 =	sand.u32 $0x4000, s31;
	s1 =	sadd.s32 s1, s30  }
0xba: {  	s0 =	sor.u32 s3, s0;
	s1 =	sshll.u32 s1, $0x11  }
0xbb: {  	s0 =	sor.u32 s1, s0  }
0xbc: {  	s0 =	sadd.s32 $0x8F2B, s0  }
0xbd: {  	[sflag:s0] =	ssyncadd.remote.s32 $0x1  }
0xbe: {  	_ =	sfence.sel $0xFFFF  }
0xbf: {  	[dreg:$0x0] =	wrdreg $0xFFFFFFFF;
	(pc) =	sbr.abs _section_cstart, $3  }
0xc0: {  	[dreg:$0x1] =	wrdreg $0xFFFFFFFF  }
0xc1: {  	_ =	task.clear_ibuf [dreg:s6], $0x2FFFF;
	_ =	strace $0x9FFFFFFF  }
0xc2: {  	(tm) =	ssettm $0x7FFFFFFF  }
0xc3: {  	_ =	shalt  }
tec
execute0_lowered:
.L_overlay_start_1:
0x0: {  	(tag) =	ssettag $0x1  }
0x1: {  	s0 =	rddreg [dreg:$0x0]  }
0x2: {  	s2 =	rddreg [dreg:$0x1];
	s3 =	simm.s32 $0x0  }
0x3: {  	s1 =	srdreg.scid;
	s9 =	stileid.u32;
	s11 =	simm.s32 $0x2  }
0x4: {  	s12 =	simm.s32 $0x800;
	s13 =	simm.s32 $0x80;
	s14 =	simm.s32 $0x1000  }
0x5: {  	s15 =	simm.s32 $0x1;
	s16 =	simm.s32 $0x5000;
	s10 =	simm.s32 $0xB00  }
0x6: {  	s17 =	simm.s32 $0x400;
	s18 =	simm.s32 $0xB80;
	s19 =	simm.s32 $0x480  }
0x7: {  	s20 =	simm.s32 $0xC00;
	s29 =	simm.s32 $0xD00;
	s30 =	simm.s32 $0x600  }
0x8: {  	s31 =	simm.s32 $0xD80;
	s1 =	sand.u32 $0x1, s1;
	s4 =	smul.u32 $0x90, s9  }
0x9: {  	s5 =	sshll.u32 s9, $0x4;
	[smem:$0x7FF] =	sst s3;
	s7 =	smul.u32 $0x50000, s9  }
0xa: {  	s8 =	sadd.s32 $0x18400, s0;
	s23 =	sshll.u32 s9, $0x6;
	s24 =	smul.u32 $0x2800, s9  }
0xb: {  	s9 =	simm.s32 $0xF00;
	p0 =	seq.s32 s1, $0x0;
	s5 =	sor.u32 $0x900, s5  }
0xc: {  	_ =	strace $0x8000004D;
	s6 =	smul.u32 $0x28000, s1;
	[dreg:$0x3] =	wrdreg s8  }
0xd: {  	s21 =	ssub.s32 $0x2, s1;
	s26 =	sor.u32 $0x1C02, s23;
	s23 =	simm.s32 $0xC80  }
0xe: {  	s8 =	simm.s32 $0x780;
	s5 =	smov.u32 @p0 s4;
	s4 =	sadd.s32 $0x1AC00, s0  }
0xf: {  	s22 =	sshrl.u32 s21, $0x1;
	s7 =	sshrl.u32 s7, $0x2;
	p0 =	sne.s32 s1, $0x0  }
0x10: {  	[dreg:$0x4] =	wrdreg s26;
	s1 =	simm.s32 $0xE00;
	s5 =	sshll.u32 s5, $0x4  }
0x11: {  	s7 =	sadd.s32 s7, s2;
	s5 =	sadd.s32 s5, s0;
	s0 =	sadd.s32 s6, s0  }
0x12: {  	s6 =	ssub.s32 s21, s22;
	s28 =	sshrl.u32 s7, $0x3;
	s21 =	simm.s32 $0x500  }
0x13: {  	s22 =	simm.s32 $0x580;
	s6 =	smax.u32 s6, $0x1;
	[dreg:$0x8] =	wrdreg s28  }
0x14: {  	s7 =	simm.s32 $0xE80;
	s25 =	sadd.s32 $0xE400, s5;
	[dreg:$0x5] =	wrdreg s6  }
0x15: {  	s0 =	sadd.s32 $0x42C00, s0;
	s5 =	sadd.s32 $0x4400, s5;
	[dreg:$0x6] =	wrdreg s25  }
0x16: {  	[dreg:$0x7] =	wrdreg s5;
	s0 =	sadd.s32 s24, s0;
	s5 =	simm.s32 $0x700  }
0x17: {  	s24 =	simm.s32 $0xF80;
	[dreg:$0x9] =	wrdreg s0;
	s0 =	simm.s32 $0x0  }
.LBB2_1:
0x18: {  	[dreg:$0xa] =	wrdreg s0  }
0x19: {  	s25 =	rddreg [dreg:$0x3]  }
0x1a: {  	[spmem:s28], [sflag:s26] =	dma.local [hbm:s25], $0x2800  }
0x1b: {  	_ =	swait.ge [sflag:s11], $0x2800  }
0x1c: {  	[sflag:s11] =	ssyncset.done $0x0  }
0x1d: {  	[sflag:s11] =	ssyncadd.s32 $0xFFFFD800  }
0x1e: {  	[bflag:$0x0] =	sbarrier.arrive $0xFFFF  }
0x1f: {  	s25 =	rddreg [dreg:$0x7]  }
0x20: {  	s0 =	simm.s32 $0x680;
	s28 =	simm.s32 $0x0;
	s26 =	rddreg [dreg:$0x6]  }
.LBB2_2:
0x21: {  	[tilespmem:s3], [sflag:$0x2] =	stream.linear.gather [hbm4b:s25+s3], $0x800, $0x38;
	[tilespmem:$0x1D000] =	vst v63  }
0x22: {  	_ =	swait.ge [sflag:s11], $0x800  }
0x23: {  	[sflag:s11] =	ssyncset.done $0x0  }
0x24: {  	[sflag:s11] =	ssyncadd.s32 $0xFFFFF800  }
0x25: {  	[tilespmem:s12], [sflag:$0x2] =	stream.linear.gather [hbm4b:s26+s3], $0x800, $0x38;
	[tilespmem:$0x1D000] =	vst v63  }
0x26: {  	_ =	swait.ge [sflag:s11], $0x800  }
0x27: {  	[sflag:s11] =	ssyncset.done $0x0  }
0x28: {  	[sflag:s11] =	ssyncadd.s32 $0xFFFFF800  }
0x29: {  	[tilespmem:s14], [sflag:$0x1] =	stream.indirect.gather [hbm4b:s4+s13], $0x80, s3, s13, $0xb8;
	[tilespmem:$0x1D000] =	vst v63  }
0x2a: {  	_ =	swait.ge [sflag:s15], $0x4000  }
0x2b: {  	[sflag:s15] =	ssyncset.done $0x0  }
0x2c: {  	[sflag:s15] =	ssyncadd.s32 $0xFFFFC000  }
0x2d: {  	[tilespmem:s16], [sflag:$0x1] =	stream.indirect.gather [hbm4b:s4+s13], $0x80, s13, s13, $0xb8;
	[tilespmem:$0x1D000] =	vst v63  }
0x2e: {  	_ = 	snop  }
0x2f: {  	[spmem:s2] =	stream.indirect.scatter.add.f32 [tilespmem:s14], [sflag:$0x2], $0x80, s12, s13, $0xb8;
	[tilespmem:$0x1D000] =	vst v63  }
0x30: {  	_ =	swait.ge [sflag:s11], $0x4000  }
0x31: {  	[sflag:s11] =	ssyncset.done $0x0  }
0x32: {  	[sflag:s11] =	ssyncadd.s32 $0xFFFFC000  }
0x33: {  	_ =	swait.ge [sflag:s15], $0x4000  }
0x34: {  	[sflag:s15] =	ssyncset.done $0x0  }
0x35: {  	s6 =	simm.s32 $0x100;
	[sflag:s15] =	ssyncadd.s32 $0xFFFFC000  }
0x36: {  	[tilespmem:s14], [sflag:$0x1] =	stream.indirect.gather [hbm4b:s4+s13], $0x80, s6, s13, $0xb8;
	[tilespmem:$0x1D000] =	vst v63  }
0x37: {  	s6 =	simm.s32 $0x880  }
0x38: {  	[spmem:s2] =	stream.indirect.scatter.add.f32 [tilespmem:s16], [sflag:$0x2], $0x80, s6, s13, $0xb8;
	[tilespmem:$0x1D000] =	vst v63  }
0x39: {  	_ =	swait.ge [sflag:s11], $0x4000  }
0x3a: {  	[sflag:s11] =	ssyncset.done $0x0  }
0x3b: {  	[sflag:s11] =	ssyncadd.s32 $0xFFFFC000  }
0x3c: {  	_ =	swait.ge [sflag:s15], $0x4000  }
0x3d: {  	[sflag:s15] =	ssyncset.done $0x0  }
0x3e: {  	s6 =	simm.s32 $0x180;
	[sflag:s15] =	ssyncadd.s32 $0xFFFFC000  }
0x3f: {  	[tilespmem:s16], [sflag:$0x1] =	stream.indirect.gather [hbm4b:s4+s13], $0x80, s6, s13, $0xb8;
	[tilespmem:$0x1D000] =	vst v63  }
0x40: {  	s6 =	simm.s32 $0x900  }
0x41: {  	[spmem:s2] =	stream.indirect.scatter.add.f32 [tilespmem:s14], [sflag:$0x2], $0x80, s6, s13, $0xb8;
	[tilespmem:$0x1D000] =	vst v63  }
0x42: {  	_ =	swait.ge [sflag:s11], $0x4000  }
0x43: {  	[sflag:s11] =	ssyncset.done $0x0  }
0x44: {  	[sflag:s11] =	ssyncadd.s32 $0xFFFFC000  }
0x45: {  	_ =	swait.ge [sflag:s15], $0x4000  }
0x46: {  	[sflag:s15] =	ssyncset.done $0x0  }
0x47: {  	s6 =	simm.s32 $0x200;
	[sflag:s15] =	ssyncadd.s32 $0xFFFFC000  }
0x48: {  	[tilespmem:s14], [sflag:$0x1] =	stream.indirect.gather [hbm4b:s4+s13], $0x80, s6, s13, $0xb8;
	[tilespmem:$0x1D000] =	vst v63  }
0x49: {  	s6 =	simm.s32 $0x980  }
0x4a: {  	[spmem:s2] =	stream.indirect.scatter.add.f32 [tilespmem:s16], [sflag:$0x2], $0x80, s6, s13, $0xb8;
	[tilespmem:$0x1D000] =	vst v63  }
0x4b: {  	_ =	swait.ge [sflag:s11], $0x4000  }
0x4c: {  	[sflag:s11] =	ssyncset.done $0x0  }
0x4d: {  	[sflag:s11] =	ssyncadd.s32 $0xFFFFC000  }
0x4e: {  	_ =	swait.ge [sflag:s15], $0x4000  }
0x4f: {  	[sflag:s15] =	ssyncset.done $0x0  }
0x50: {  	s6 =	simm.s32 $0x280;
	[sflag:s15] =	ssyncadd.s32 $0xFFFFC000  }
0x51: {  	[tilespmem:s16], [sflag:$0x1] =	stream.indirect.gather [hbm4b:s4+s13], $0x80, s6, s13, $0xb8;
	[tilespmem:$0x1D000] =	vst v63  }
0x52: {  	s6 =	simm.s32 $0xA00  }
0x53: {  	[spmem:s2] =	stream.indirect.scatter.add.f32 [tilespmem:s14], [sflag:$0x2], $0x80, s6, s13, $0xb8;
	[tilespmem:$0x1D000] =	vst v63  }
0x54: {  	_ =	swait.ge [sflag:s11], $0x4000  }
0x55: {  	[sflag:s11] =	ssyncset.done $0x0  }
0x56: {  	[sflag:s11] =	ssyncadd.s32 $0xFFFFC000  }
0x57: {  	_ =	swait.ge [sflag:s15], $0x4000  }
0x58: {  	[sflag:s15] =	ssyncset.done $0x0  }
0x59: {  	s6 =	simm.s32 $0x300;
	[sflag:s15] =	ssyncadd.s32 $0xFFFFC000  }
0x5a: {  	[tilespmem:s14], [sflag:$0x1] =	stream.indirect.gather [hbm4b:s4+s13], $0x80, s6, s13, $0xb8;
	[tilespmem:$0x1D000] =	vst v63  }
0x5b: {  	s6 =	simm.s32 $0xA80  }
0x5c: {  	[spmem:s2] =	stream.indirect.scatter.add.f32 [tilespmem:s16], [sflag:$0x2], $0x80, s6, s13, $0xb8;
	[tilespmem:$0x1D000] =	vst v63  }
0x5d: {  	_ =	swait.ge [sflag:s11], $0x4000  }
0x5e: {  	[sflag:s11] =	ssyncset.done $0x0  }
0x5f: {  	[sflag:s11] =	ssyncadd.s32 $0xFFFFC000  }
0x60: {  	_ =	swait.ge [sflag:s15], $0x4000  }
0x61: {  	[sflag:s15] =	ssyncset.done $0x0  }
0x62: {  	s6 =	simm.s32 $0x380;
	[sflag:s15] =	ssyncadd.s32 $0xFFFFC000  }
0x63: {  	[tilespmem:s16], [sflag:$0x1] =	stream.indirect.gather [hbm4b:s4+s13], $0x80, s6, s13, $0xb8;
	[tilespmem:$0x1D000] =	vst v63  }
0x64: {  	_ = 	snop  }
0x65: {  	[spmem:s2] =	stream.indirect.scatter.add.f32 [tilespmem:s14], [sflag:$0x2], $0x80, s10, s13, $0xb8;
	[tilespmem:$0x1D000] =	vst v63  }
0x66: {  	_ =	swait.ge [sflag:s11], $0x4000  }
0x67: {  	[sflag:s11] =	ssyncset.done $0x0  }
0x68: {  	[sflag:s11] =	ssyncadd.s32 $0xFFFFC000  }
0x69: {  	_ =	swait.ge [sflag:s15], $0x4000  }
0x6a: {  	[sflag:s15] =	ssyncset.done $0x0  }
0x6b: {  	[sflag:s15] =	ssyncadd.s32 $0xFFFFC000  }
0x6c: {  	[tilespmem:s14], [sflag:$0x1] =	stream.indirect.gather [hbm4b:s4+s13], $0x80, s17, s13, $0xb8;
	[tilespmem:$0x1D000] =	vst v63  }
0x6d: {  	_ = 	snop  }
0x6e: {  	[spmem:s2] =	stream.indirect.scatter.add.f32 [tilespmem:s16], [sflag:$0x2], $0x80, s18, s13, $0xb8;
	[tilespmem:$0x1D000] =	vst v63  }
0x6f: {  	_ =	swait.ge [sflag:s11], $0x4000  }
0x70: {  	[sflag:s11] =	ssyncset.done $0x0  }
0x71: {  	[sflag:s11] =	ssyncadd.s32 $0xFFFFC000  }
0x72: {  	_ =	swait.ge [sflag:s15], $0x4000  }
0x73: {  	[sflag:s15] =	ssyncset.done $0x0  }
0x74: {  	[sflag:s15] =	ssyncadd.s32 $0xFFFFC000  }
0x75: {  	[tilespmem:s16], [sflag:$0x1] =	stream.indirect.gather [hbm4b:s4+s13], $0x80, s19, s13, $0xb8;
	[tilespmem:$0x1D000] =	vst v63  }
0x76: {  	_ = 	snop  }
0x77: {  	[spmem:s2] =	stream.indirect.scatter.add.f32 [tilespmem:s14], [sflag:$0x2], $0x80, s20, s13, $0xb8;
	[tilespmem:$0x1D000] =	vst v63  }
0x78: {  	_ =	swait.ge [sflag:s11], $0x4000  }
0x79: {  	[sflag:s11] =	ssyncset.done $0x0  }
0x7a: {  	[sflag:s11] =	ssyncadd.s32 $0xFFFFC000  }
0x7b: {  	_ =	swait.ge [sflag:s15], $0x4000  }
0x7c: {  	[sflag:s15] =	ssyncset.done $0x0  }
0x7d: {  	[sflag:s15] =	ssyncadd.s32 $0xFFFFC000  }
0x7e: {  	[tilespmem:s14], [sflag:$0x1] =	stream.indirect.gather [hbm4b:s4+s13], $0x80, s21, s13, $0xb8;
	[tilespmem:$0x1D000] =	vst v63  }
0x7f: {  	_ = 	snop  }
0x80: {  	[spmem:s2] =	stream.indirect.scatter.add.f32 [tilespmem:s16], [sflag:$0x2], $0x80, s23, s13, $0xb8;
	[tilespmem:$0x1D000] =	vst v63  }
0x81: {  	_ =	swait.ge [sflag:s11], $0x4000  }
0x82: {  	[sflag:s11] =	ssyncset.done $0x0  }
0x83: {  	[sflag:s11] =	ssyncadd.s32 $0xFFFFC000  }
0x84: {  	_ =	swait.ge [sflag:s15], $0x4000  }
0x85: {  	[sflag:s15] =	ssyncset.done $0x0  }
0x86: {  	[sflag:s15] =	ssyncadd.s32 $0xFFFFC000  }
0x87: {  	[tilespmem:s16], [sflag:$0x1] =	stream.indirect.gather [hbm4b:s4+s13], $0x80, s22, s13, $0xb8;
	[tilespmem:$0x1D000] =	vst v63  }
0x88: {  	_ = 	snop  }
0x89: {  	[spmem:s2] =	stream.indirect.scatter.add.f32 [tilespmem:s14], [sflag:$0x2], $0x80, s29, s13, $0xb8;
	[tilespmem:$0x1D000] =	vst v63  }
0x8a: {  	_ =	swait.ge [sflag:s11], $0x4000  }
0x8b: {  	[sflag:s11] =	ssyncset.done $0x0  }
0x8c: {  	[sflag:s11] =	ssyncadd.s32 $0xFFFFC000  }
0x8d: {  	_ =	swait.ge [sflag:s15], $0x4000  }
0x8e: {  	[sflag:s15] =	ssyncset.done $0x0  }
0x8f: {  	[sflag:s15] =	ssyncadd.s32 $0xFFFFC000  }
0x90: {  	[tilespmem:s14], [sflag:$0x1] =	stream.indirect.gather [hbm4b:s4+s13], $0x80, s30, s13, $0xb8;
	[tilespmem:$0x1D000] =	vst v63  }
0x91: {  	_ = 	snop  }
0x92: {  	[spmem:s2] =	stream.indirect.scatter.add.f32 [tilespmem:s16], [sflag:$0x2], $0x80, s31, s13, $0xb8;
	[tilespmem:$0x1D000] =	vst v63  }
0x93: {  	_ =	swait.ge [sflag:s11], $0x4000  }
0x94: {  	[sflag:s11] =	ssyncset.done $0x0  }
0x95: {  	[sflag:s11] =	ssyncadd.s32 $0xFFFFC000  }
0x96: {  	_ =	swait.ge [sflag:s15], $0x4000  }
0x97: {  	[sflag:s15] =	ssyncset.done $0x0  }
0x98: {  	[sflag:s15] =	ssyncadd.s32 $0xFFFFC000  }
0x99: {  	[tilespmem:s16], [sflag:$0x1] =	stream.indirect.gather [hbm4b:s4+s13], $0x80, s0, s13, $0xb8;
	[tilespmem:$0x1D000] =	vst v63  }
0x9a: {  	_ = 	snop  }
0x9b: {  	[spmem:s2] =	stream.indirect.scatter.add.f32 [tilespmem:s14], [sflag:$0x2], $0x80, s1, s13, $0xb8;
	[tilespmem:$0x1D000] =	vst v63  }
0x9c: {  	_ =	swait.ge [sflag:s11], $0x4000  }
0x9d: {  	[sflag:s11] =	ssyncset.done $0x0  }
0x9e: {  	[sflag:s11] =	ssyncadd.s32 $0xFFFFC000  }
0x9f: {  	_ =	swait.ge [sflag:s15], $0x4000  }
0xa0: {  	[sflag:s15] =	ssyncset.done $0x0  }
0xa1: {  	[sflag:s15] =	ssyncadd.s32 $0xFFFFC000  }
0xa2: {  	[tilespmem:s14], [sflag:$0x1] =	stream.indirect.gather [hbm4b:s4+s13], $0x80, s5, s13, $0xb8;
	[tilespmem:$0x1D000] =	vst v63  }
0xa3: {  	_ = 	snop  }
0xa4: {  	[spmem:s2] =	stream.indirect.scatter.add.f32 [tilespmem:s16], [sflag:$0x2], $0x80, s7, s13, $0xb8;
	[tilespmem:$0x1D000] =	vst v63  }
0xa5: {  	_ =	swait.ge [sflag:s11], $0x4000  }
0xa6: {  	[sflag:s11] =	ssyncset.done $0x0  }
0xa7: {  	[sflag:s11] =	ssyncadd.s32 $0xFFFFC000  }
0xa8: {  	_ =	swait.ge [sflag:s15], $0x4000  }
0xa9: {  	[sflag:s15] =	ssyncset.done $0x0  }
0xaa: {  	[sflag:s15] =	ssyncadd.s32 $0xFFFFC000  }
0xab: {  	[tilespmem:s16], [sflag:$0x1] =	stream.indirect.gather [hbm4b:s4+s13], $0x80, s8, s13, $0xb8;
	[tilespmem:$0x1D000] =	vst v63  }
0xac: {  	_ = 	snop  }
0xad: {  	[spmem:s2] =	stream.indirect.scatter.add.f32 [tilespmem:s14], [sflag:$0x2], $0x80, s9, s13, $0xb8;
	[tilespmem:$0x1D000] =	vst v63  }
0xae: {  	_ =	swait.ge [sflag:s11], $0x4000  }
0xaf: {  	[sflag:s11] =	ssyncset.done $0x0  }
0xb0: {  	[sflag:s11] =	ssyncadd.s32 $0xFFFFC000  }
0xb1: {  	p1 =	slt.u32 @!p0 s28, $0x8;
	_ =	swait.ge [sflag:s15], $0x4000  }
0xb2: {  	p1 =	por p0, !p1;
	[sflag:s15] =	ssyncset.done $0x0  }
.Ltmp0:
0xb3: {  	[sflag:s15] =	ssyncadd.s32 $0xFFFFC000;
	(pc) =	sbr.rel @!p1 .LBB2_2-.Ltmp0, $4  }
0xb4: {  	[spmem:s2] =	stream.indirect.scatter.add.f32 [tilespmem:s16], [sflag:$0x2], $0x80, s24, s13, $0xb8;
	[tilespmem:$0x1D000] =	vst v63  }
0xb5: {  	_ =	swait.ge [sflag:s11], $0x4000  }
0xb6: {  	s28 =	sadd.s32 $0x1, s28;
	[sflag:s11] =	ssyncset.done $0x0  }
0xb7: {  	s25 =	sadd.s32 $0x100, s25;
	s26 =	sadd.s32 $0x100, s26;
	[sflag:s11] =	ssyncadd.s32 $0xFFFFC000  }
0xb8: {  	[bflag:$0x0] =	sbarrier.arrive $0xFFFF  }
0xb9: {  	s26 =	rddreg [dreg:$0x4]  }
0xba: {  	s28 =	rddreg [dreg:$0x8]  }
0xbb: {  	s0 =	rddreg [dreg:$0x9]  }
0xbc: {  	[hbm:s0], [sflag:s26] =	dma.local [spmem:s28], $0x2800  }
0xbd: {  	_ =	swait.ge [sflag:s11], $0x2800  }
0xbe: {  	s25 =	rddreg [dreg:$0xa]  }
0xbf: {  	s0 =	sadd.s32 $0x1, s25;
	s25 =	rddreg [dreg:$0x5]  }
0xc0: {  	p1 =	sne.s32 s0, s25  }
.Ltmp1:
0xc1: {  	_ = 	snop;
	(pc) =	sbr.rel @p1 .LBB2_1-.Ltmp1, $3  }
0xc2: {  	_ =	sdelay $0x1  }
0xc3: {  	[sflag:s11] =	ssyncset.done $0x0  }
0xc4: {  	[sflag:s11] =	ssyncadd.s32 $0xFFFFD800  }
0xc5: {  	_ =	sfence.sel $0x180000  }
0xc6: {  	[bflag:$0x0] =	sbarrier.arrive $0xFFFF  }
0xc7: {  	_ =	strace $0x9000004D  }
0xc8: {  	s0 =	stileid.u32;
	[bflag:$0x2] =	sbarrier.arrive $0xFFFF  }
0xc9: {  	p0 =	sne.s32 s0, $0x0;
	s0 =	rddreg [dreg:$0x2]  }
0xca: {  	s0 =	sadd.s32 @!p0 $0x100000, s0  }
0xcb: {  	[sflag:s0] =	ssyncadd.tile.s32 @!p0 $0x1;
	_ =	shalt  }
.Lfunc_end2:
_tile_overlayer_lowered:
.L_overlay_start_2:
0xcc: {  	(tag) =	ssettag $0x2  }
0xcd: {  	s0 =	rddreg [dreg:$0x0];
	s2 =	stileid.u32  }
0xce: {  	s1 =	rddreg [dreg:$0x1];
	p0 =	sne.s32 s2, $0x0  }
0xcf: {  	s3 =	rddreg [dreg:$0x2];
	[bflag:$0x3] =	sbarrier.arrive $0xFFFF;
	s2 =	simm.s32 @!p0 $0x1C02  }
0xd0: {  	[timem:s3], [sflag:s2] =	dma.local @!p0 [hbm:s0], s1  }
0xd1: {  	s0 =	simm.s32 @!p0 $0x2  }
0xd2: {  	_ =	swait.ge @!p0 [sflag:s0], s1  }
0xd3: {  	s1 =	ssub.s32 @!p0 $0x0, s1;
	[sflag:s0] =	ssyncset.done @!p0 $0x0  }
0xd4: {  	[sflag:s0] =	ssyncadd.s32 @!p0 s1  }
0xd5: {  	[bflag:$0x3] =	sbarrier.arrive $0xFFFF  }
0xd6: {  	_ =	shalt  }

// kernel: kernel.19.cloned.1.call-start
scs
__scs_entry_jumppad:
0x0: {  	(pc) =	sbr.rel $0x88, $3  }
0x1: {  	(tag) =	ssettag $0x0;
	lr =	simm.s32 $0x1  }
0x2: {  	[smem:$0x3F8F] =	sst lr;
	_ =	strace $0xD0000000  }
0x3: {  	_ = 	snop  }
0x4: {  	_ = 	snop  }
0x5: {  	_ = 	snop  }
0x6: {  	_ = 	snop  }
0x7: {  	_ = 	snop  }
__scs_overlays_trampoline_lowered:
0x8: {  	[smem:$0x3F9E] =	sst s0  }
0x9: {  	[smem:$0x3F9F] =	sst s1  }
0xa: {  	[smem:$0x3FA0] =	sst s2  }
0xb: {  	[smem:$0x3FA1] =	sst s3  }
0xc: {  	[smem:$0x3FA2] =	sst s4  }
0xd: {  	[smem:$0x3FA3] =	sst s5  }
0xe: {  	[smem:$0x3FA4] =	sst s6  }
0xf: {  	[smem:$0x3FA5] =	sst s7  }
0x10: {  	[smem:$0x3FA6] =	sst s8  }
0x11: {  	[smem:$0x3FA7] =	sst s9;
	s0 =	simm.s32 @!p0 $0x0  }
0x12: {  	s1 =	sld [smem:$0x3F8D];
	s0 =	simm.s32 @p0 $0x1  }
0x13: {  	[smem:$0x3FA8] =	sst s0;
	s0 =	simm.s32 @!p1 $0x0  }
0x14: {  	s2 =	sld [smem:$0x3F8C];
	s0 =	simm.s32 @p1 $0x1  }
0x15: {  	[smem:$0x3FA9] =	sst s0;
	s0 =	simm.s32 @!p2 $0x0  }
0x16: {  	s3 =	sld [smem:$0x3FDB];
	s0 =	simm.s32 @p2 $0x1  }
0x17: {  	s4 =	simm.s32 $0x1BF5;
	[smem:$0x3FAB] =	sst s0  }
0x18: {  	s0 =	sld [smem:$0x3F8E];
	_ =	swait.ge [sflag:s4], $0x0  }
0x19: {  	s7 =	sld [smem:$0x3F8F]  }
0x1a: {  	s8 =	sadd.s32 $0xFFFFE003, lr  }
0x1b: {  	s9 =	sadd.s32 $0xFFFFFEF7, lr;
	s5 =	simm.s32 $0xFFFFFFFF;
	p2 =	slt.u32 s8, $0xFFFFF086  }
0x1c: {  	p1 =	slt.u32 s9, $0xF7A;
	s5 =	simm.s32 @!p2 $0x0  }
0x1d: {  	s5 =	simm.s32 @p1 $0x1;
	p0 =	seq.s32 s7, s2  }
0x1e: {  	s7 =	smul.u32 @!p0 $0xF7A, s2;
	p2 =	seq.s32 @!p0 s5, $0x0  }
0x1f: {  	s9 =	smul.u32 $0xF7A, s1;
	s8 =	simm.s32 @!p0 $0x1BF5;
	p2 =	por !p2, p0  }
0x20: {  	[sflag:s8] =	ssyncset.s32 @!p0 $0xFFFFF086;
	s6 =	sadd.s32 @!p0 s3, s7;
	s7 =	simm.s32 @!p0 $0x108  }
0x21: {  	s3 =	sadd.s32 s3, s9;
	s6 =	sadd.s32 @!p0 $0x88, s6;
	s7 =	simm.s32 @p2 $0x1082  }
0x22: {  	[simem:s7], [sflag:s8] =	dma.local @!p0 [hbm:s6], $0xF7A  }
0x23: {  	s9 =	sor.u32 $0xD0000000, s2;
	s6 =	simm.s32 $0x108;
	_ =	swait.ge @!p0 [sflag:s8], $0x0  }
0x24: {  	s3 =	sadd.s32 $0x88, s3;
	s6 =	simm.s32 @!p1 $0x1082;
	[sflag:s4] =	ssyncset.s32 $0xFFFFF086  }
0x25: {  	[simem:s6], [sflag:s4] =	dma.local [hbm:s3], $0xF7A  }
0x26: {  	[smem:$0x3F8F] =	sst s1;
	(tag) =	ssettag s2;
	_ =	strace s9  }
0x27: {  	s1 =	sld [smem:$0x3F9F]  }
0x28: {  	s2 =	sld [smem:$0x3FA0]  }
0x29: {  	s4 =	sld [smem:$0x3FA2]  }
0x2a: {  	p0 =	seq.s32 s5, $0x0;
	s5 =	sld [smem:$0x3FA3]  }
0x2b: {  	s6 =	sld [smem:$0x3FA4]  }
0x2c: {  	s7 =	sld [smem:$0x3FA5]  }
0x2d: {  	s3 =	simm.s32 $0x108;
	s8 =	sld [smem:$0x3FA6]  }
0x2e: {  	s3 =	simm.s32 @!p0 $0x1082;
	s9 =	sld [smem:$0x3FA7]  }
0x2f: {  	lr =	sadd.s32 s0, s3;
	s0 =	sld [smem:$0x3F9E]  }
0x30: {  	s3 =	sld [smem:$0x3FA1]  }
0x31: {  	[smem:$0x3FAA] =	sst s10  }
0x32: {  	s10 =	sld [smem:$0x3FA8];
	_ =	sdelay $0x3  }
0x33: {  	p0 =	seq.s32 s10, $0x1;
	s10 =	sld [smem:$0x3FAA];
	_ =	sdelay $0x3  }
0x34: {  	[smem:$0x3FAA] =	sst s10  }
0x35: {  	s10 =	sld [smem:$0x3FA9];
	_ =	sdelay $0x3  }
0x36: {  	p1 =	seq.s32 s10, $0x1;
	s10 =	sld [smem:$0x3FAA];
	_ =	sdelay $0x3  }
0x37: {  	[smem:$0x3FAA] =	sst s10  }
0x38: {  	s10 =	sld [smem:$0x3FAB]  }
0x39: {  	_ = 	snop;
	(pc) =	sbr.ind lr, $3  }
0x3a: {  	_ = 	snop  }
0x3b: {  	_ = 	snop  }
0x3c: {  	p2 =	seq.s32 s10, $0x1;
	s10 =	sld [smem:$0x3FAA]  }
0x3d: {  	_ =	shalt  }
0x3e: {  	_ =	shalt  }
0x3f: {  	_ =	shalt  }
0x40: {  	_ =	shalt  }
0x41: {  	_ =	shalt  }
0x42: {  	_ =	shalt  }
0x43: {  	_ =	shalt  }
0x44: {  	_ =	shalt  }
0x45: {  	_ =	shalt  }
0x46: {  	_ =	shalt  }
0x47: {  	_ =	shalt  }
0x48: {  	_ =	shalt  }
0x49: {  	_ =	shalt  }
0x4a: {  	_ =	shalt  }
0x4b: {  	_ =	shalt  }
0x4c: {  	_ =	shalt  }
0x4d: {  	_ =	shalt  }
0x4e: {  	_ =	shalt  }
0x4f: {  	_ =	shalt  }
0x50: {  	_ =	shalt  }
0x51: {  	_ =	shalt  }
0x52: {  	_ =	shalt  }
0x53: {  	_ =	shalt  }
0x54: {  	_ =	shalt  }
0x55: {  	_ =	shalt  }
0x56: {  	_ =	shalt  }
0x57: {  	_ =	shalt  }
0x58: {  	_ =	shalt  }
0x59: {  	_ =	shalt  }
0x5a: {  	_ =	shalt  }
0x5b: {  	_ =	shalt  }
0x5c: {  	_ =	shalt  }
0x5d: {  	_ =	shalt  }
0x5e: {  	_ =	shalt  }
0x5f: {  	_ =	shalt  }
0x60: {  	_ =	shalt  }
0x61: {  	_ =	shalt  }
0x62: {  	_ =	shalt  }
0x63: {  	_ =	shalt  }
0x64: {  	_ =	shalt  }
0x65: {  	_ =	shalt  }
0x66: {  	_ =	shalt  }
0x67: {  	_ =	shalt  }
0x68: {  	_ =	shalt  }
0x69: {  	_ =	shalt  }
0x6a: {  	_ =	shalt  }
0x6b: {  	_ =	shalt  }
0x6c: {  	_ =	shalt  }
0x6d: {  	_ =	shalt  }
0x6e: {  	_ =	shalt  }
0x6f: {  	_ =	shalt  }
0x70: {  	_ =	shalt  }
0x71: {  	_ =	shalt  }
0x72: {  	_ =	shalt  }
0x73: {  	_ =	shalt  }
0x74: {  	_ =	shalt  }
0x75: {  	_ =	shalt  }
0x76: {  	_ =	shalt  }
0x77: {  	_ =	shalt  }
0x78: {  	_ =	shalt  }
0x79: {  	_ =	shalt  }
0x7a: {  	_ =	shalt  }
0x7b: {  	_ =	shalt  }
0x7c: {  	_ =	shalt  }
0x7d: {  	_ =	shalt  }
0x7e: {  	_ =	shalt  }
0x7f: {  	_ =	shalt  }
0x80: {  	_ =	shalt  }
0x81: {  	_ =	shalt  }
0x82: {  	_ =	shalt  }
0x83: {  	_ =	shalt  }
0x84: {  	_ =	shalt  }
0x85: {  	_ =	shalt  }
0x86: {  	_ =	shalt  }
0x87: {  	_ =	shalt  }
.Lfunc_end0:
.L_simem_size_0:
called_computation.3_lowered:
.L_overlay_start_0:
0x88: {  	s2 =	sld [smem:$0x3FD9]  }
0x89: {  	s3 =	sld [smem:$0x3FFE];
	_ =	sdelay $0x1  }
0x8a: {  	s1 =	srdreg.scid  }
0x8b: {  	s0 =	sand.u32 $0x1, s1  }
0x8c: {  	s16 =	sshll.u32 s0, $0xA;
	s2 =	sadd.s32 s3, s2  }
0x8d: {  	s2 =	sadd.s32 s2, s16  }
0x8e: {  	[smem:$0x3FB6] =	sst s2  }
0x8f: {  	_ = 	snop  }
0x90: {  	(tm) =	ssettm $0x1  }
0x91: {  	s17 =	sld [smem:$0x3FFB];
	_ =	sdelay $0x3  }
0x92: {  	_ =	strace s17  }
0x93: {  	s2 =	sld [smem:$0x3FFC];
	_ =	sdelay $0x3  }
0x94: {  	_ =	strace s2  }
0x95: {  	s2 =	sld [smem:$0x3FFD];
	_ =	sdelay $0x3  }
0x96: {  	_ =	strace s2  }
0x97: {  	_ =	strace $0x8FFFFFFF  }
0x98: {  	s18 =	sld [smem:$0x3FDB];
	_ =	sdelay $0x1  }
0x99: {  	s19 =	simm.s32 $_scs_section_size  }
0x9a: {  	s4 =	simm.s32 $_size__tile_overlayer_lowered;
	s5 =	simm.s32 $_tile_overlayer_lowered  }
0x9b: {  	s22 =	simm.s32 $0x1BFF;
	s21 =	sshll.u32 s5, $0x1;
	s2 =	sadd.s32 s19, s18  }
0x9c: {  	s6 =	simm.s32 $0x0;
	s20 =	sshll.u32 s4, $0x1;
	s4 =	sadd.s32 s21, s2  }
0x9d: {  	[timem:s6], [sflag:s22] =	dma.local [hbm:s4], s20  }
0x9e: {  	_ =	swait.ge [sflag:s22], s20  }
0x9f: {  	s3 =	ssub.s32 $0x0, s20;
	[sflag:s22] =	ssyncset.done $0x0  }
0xa0: {  	[sflag:s22] =	ssyncadd.s32 s3;
	_ =	sdelay $0x1  }
0xa1: {  	s23 =	simm.s32 $0x1B8B  }
0xa2: {  	_ =	swait.ge [sflag:s23], $0x1  }
0xa3: {  	[sflag:s23] =	ssyncset.done $0x0  }
0xa4: {  	s25 =	simm.s32 $0x1B8E;
	s24 =	sld [smem:$0x3FFE];
	[sflag:s23] =	ssyncadd.s32 $0xFFFFFFFF  }
0xa5: {  	s26 =	simm.s32 $execute0_lowered;
	[smem:$0x3FD2] =	sst s25  }
0xa6: {  	s4 =	sshll.u32 s26, $0x1;
	_ =	strace $0x8000004F;
	[dreg:$0x1] =	wrdreg $0xFFFFFFFF  }
0xa7: {  	s28 =	simm.s32 $_size_execute0_lowered;
	s2 =	sadd.s32 s2, s4;
	[dreg:$0x0] =	wrdreg $0x0  }
0xa8: {  	s4 =	sshll.u32 s28, $0x1;
	[dreg:$0x2] =	wrdreg s2  }
0xa9: {  	[dreg:$0x3] =	wrdreg s4  }
0xaa: {  	[dreg:$0x4] =	wrdreg $0xC0  }
0xab: {  	_ =	task [dreg:s6], $0x5FFFF  }
0xac: {  	[dreg:$0x1] =	wrdreg $0xFFFFFFFF  }
0xad: {  	[dreg:$0x0] =	wrdreg $0x60  }
0xae: {  	[dreg:$0x2] =	wrdreg s24  }
0xaf: {  	[dreg:$0x3] =	wrdreg $0x90000  }
0xb0: {  	[dreg:$0x4] =	wrdreg $0x9  }
0xb1: {  	_ =	task.clear_ibuf [dreg:s6], $0x5FFFF;
	_ =	strace $0x9000004F  }
0xb2: {  	s29 =	simm.s32 $0x9;
	_ =	strace $0x80000051  }
0xb3: {  	_ =	swait.ge [sflag:s29], $0x1  }
0xb4: {  	[sflag:s29] =	ssyncadd.s32 $0xFFFFFFFF  }
0xb5: {  	_ =	strace $0x90000051  }
0xb6: {  	_ =	sfence  }
0xb7: {  	s30 =	sld [smem:$0x0];
	_ =	sdelay $0x2  }
0xb8: {  	s31 =	sshll.u32 s1, $0xD;
	s1 =	sshrl.u32 s1, $0x2  }
0xb9: {  	s3 =	sand.u32 $0x4000, s31;
	s1 =	sadd.s32 s1, s30  }
0xba: {  	s0 =	sor.u32 s3, s0;
	s1 =	sshll.u32 s1, $0x11  }
0xbb: {  	s0 =	sor.u32 s1, s0  }
0xbc: {  	s0 =	sadd.s32 $0x8F2B, s0  }
0xbd: {  	[sflag:s0] =	ssyncadd.remote.s32 $0x1  }
0xbe: {  	_ =	sfence.sel $0xFFFF  }
0xbf: {  	[dreg:$0x0] =	wrdreg $0xFFFFFFFF;
	(pc) =	sbr.abs _section_cstart, $3  }
0xc0: {  	[dreg:$0x1] =	wrdreg $0xFFFFFFFF  }
0xc1: {  	_ =	task.clear_ibuf [dreg:s6], $0x2FFFF;
	_ =	strace $0x9FFFFFFF  }
0xc2: {  	(tm) =	ssettm $0x7FFFFFFF  }
0xc3: {  	_ =	shalt  }
tec
execute0_lowered:
.L_overlay_start_1:
0x0: {  	(tag) =	ssettag $0x1  }
0x1: {  	s0 =	rddreg [dreg:$0x0]  }
0x2: {  	s2 =	rddreg [dreg:$0x1];
	s3 =	simm.s32 $0x0  }
0x3: {  	s1 =	srdreg.scid;
	s9 =	stileid.u32;
	s11 =	simm.s32 $0x2  }
0x4: {  	s12 =	simm.s32 $0x800;
	s13 =	simm.s32 $0x80;
	s14 =	simm.s32 $0x1000  }
0x5: {  	s15 =	simm.s32 $0x1;
	s16 =	simm.s32 $0x5000;
	s10 =	simm.s32 $0xB00  }
0x6: {  	s17 =	simm.s32 $0x400;
	s18 =	simm.s32 $0xB80;
	s19 =	simm.s32 $0x480  }
0x7: {  	s20 =	simm.s32 $0xC00;
	s29 =	simm.s32 $0xD00;
	s30 =	simm.s32 $0x600  }
0x8: {  	s31 =	simm.s32 $0xD80;
	s1 =	sand.u32 $0x1, s1;
	s4 =	smul.u32 $0x90, s9  }
0x9: {  	s5 =	sshll.u32 s9, $0x4;
	[smem:$0x7FF] =	sst s3;
	s7 =	smul.u32 $0x50000, s9  }
0xa: {  	s8 =	sadd.s32 $0x18400, s0;
	s23 =	sshll.u32 s9, $0x6;
	s24 =	smul.u32 $0x2800, s9  }
0xb: {  	s9 =	simm.s32 $0xF00;
	p0 =	seq.s32 s1, $0x0;
	s5 =	sor.u32 $0x900, s5  }
0xc: {  	_ =	strace $0x80000050;
	s6 =	smul.u32 $0x28000, s1;
	[dreg:$0x3] =	wrdreg s8  }
0xd: {  	s21 =	ssub.s32 $0x2, s1;
	s26 =	sor.u32 $0x1C02, s23;
	s23 =	simm.s32 $0xC80  }
0xe: {  	s8 =	simm.s32 $0x780;
	s5 =	smov.u32 @p0 s4;
	s4 =	sadd.s32 $0x1AC00, s0  }
0xf: {  	s22 =	sshrl.u32 s21, $0x1;
	s7 =	sshrl.u32 s7, $0x2;
	p0 =	sne.s32 s1, $0x0  }
0x10: {  	[dreg:$0x4] =	wrdreg s26;
	s1 =	simm.s32 $0xE00;
	s5 =	sshll.u32 s5, $0x4  }
0x11: {  	s7 =	sadd.s32 s7, s2;
	s5 =	sadd.s32 s5, s0;
	s0 =	sadd.s32 s6, s0  }
0x12: {  	s6 =	ssub.s32 s21, s22;
	s28 =	sshrl.u32 s7, $0x3;
	s21 =	simm.s32 $0x500  }
0x13: {  	s22 =	simm.s32 $0x580;
	s6 =	smax.u32 s6, $0x1;
	[dreg:$0x8] =	wrdreg s28  }
0x14: {  	s7 =	simm.s32 $0xE80;
	s25 =	sadd.s32 $0xE400, s5;
	[dreg:$0x5] =	wrdreg s6  }
0x15: {  	s0 =	sadd.s32 $0x42C00, s0;
	s5 =	sadd.s32 $0x4400, s5;
	[dreg:$0x6] =	wrdreg s25  }
0x16: {  	[dreg:$0x7] =	wrdreg s5;
	s0 =	sadd.s32 s24, s0;
	s5 =	simm.s32 $0x700  }
0x17: {  	s24 =	simm.s32 $0xF80;
	[dreg:$0x9] =	wrdreg s0;
	s0 =	simm.s32 $0x0  }
.LBB2_1:
0x18: {  	[dreg:$0xa] =	wrdreg s0  }
0x19: {  	s25 =	rddreg [dreg:$0x3]  }
0x1a: {  	[spmem:s28], [sflag:s26] =	dma.local [hbm:s25], $0x2800  }
0x1b: {  	_ =	swait.ge [sflag:s11], $0x2800  }
0x1c: {  	[sflag:s11] =	ssyncset.done $0x0  }
0x1d: {  	[sflag:s11] =	ssyncadd.s32 $0xFFFFD800  }
0x1e: {  	[bflag:$0x0] =	sbarrier.arrive $0xFFFF  }
0x1f: {  	s25 =	rddreg [dreg:$0x7]  }
0x20: {  	s0 =	simm.s32 $0x680;
	s28 =	simm.s32 $0x0;
	s26 =	rddreg [dreg:$0x6]  }
.LBB2_2:
0x21: {  	[tilespmem:s3], [sflag:$0x2] =	stream.linear.gather [hbm4b:s25+s3], $0x800, $0x38;
	[tilespmem:$0x1D000] =	vst v63  }
0x22: {  	_ =	swait.ge [sflag:s11], $0x800  }
0x23: {  	[sflag:s11] =	ssyncset.done $0x0  }
0x24: {  	[sflag:s11] =	ssyncadd.s32 $0xFFFFF800  }
0x25: {  	[tilespmem:s12], [sflag:$0x2] =	stream.linear.gather [hbm4b:s26+s3], $0x800, $0x38;
	[tilespmem:$0x1D000] =	vst v63  }
0x26: {  	_ =	swait.ge [sflag:s11], $0x800  }
0x27: {  	[sflag:s11] =	ssyncset.done $0x0  }
0x28: {  	[sflag:s11] =	ssyncadd.s32 $0xFFFFF800  }
0x29: {  	[tilespmem:s14], [sflag:$0x1] =	stream.indirect.gather [hbm4b:s4+s13], $0x80, s3, s13, $0xb8;
	[tilespmem:$0x1D000] =	vst v63  }
0x2a: {  	_ =	swait.ge [sflag:s15], $0x4000  }
0x2b: {  	[sflag:s15] =	ssyncset.done $0x0  }
0x2c: {  	[sflag:s15] =	ssyncadd.s32 $0xFFFFC000  }
0x2d: {  	[tilespmem:s16], [sflag:$0x1] =	stream.indirect.gather [hbm4b:s4+s13], $0x80, s13, s13, $0xb8;
	[tilespmem:$0x1D000] =	vst v63  }
0x2e: {  	_ = 	snop  }
0x2f: {  	[spmem:s2] =	stream.indirect.scatter.add.f32 [tilespmem:s14], [sflag:$0x2], $0x80, s12, s13, $0xb8;
	[tilespmem:$0x1D000] =	vst v63  }
0x30: {  	_ =	swait.ge [sflag:s11], $0x4000  }
0x31: {  	[sflag:s11] =	ssyncset.done $0x0  }
0x32: {  	[sflag:s11] =	ssyncadd.s32 $0xFFFFC000  }
0x33: {  	_ =	swait.ge [sflag:s15], $0x4000  }
0x34: {  	[sflag:s15] =	ssyncset.done $0x0  }
0x35: {  	s6 =	simm.s32 $0x100;
	[sflag:s15] =	ssyncadd.s32 $0xFFFFC000  }
0x36: {  	[tilespmem:s14], [sflag:$0x1] =	stream.indirect.gather [hbm4b:s4+s13], $0x80, s6, s13, $0xb8;
	[tilespmem:$0x1D000] =	vst v63  }
0x37: {  	s6 =	simm.s32 $0x880  }
0x38: {  	[spmem:s2] =	stream.indirect.scatter.add.f32 [tilespmem:s16], [sflag:$0x2], $0x80, s6, s13, $0xb8;
	[tilespmem:$0x1D000] =	vst v63  }
0x39: {  	_ =	swait.ge [sflag:s11], $0x4000  }
0x3a: {  	[sflag:s11] =	ssyncset.done $0x0  }
0x3b: {  	[sflag:s11] =	ssyncadd.s32 $0xFFFFC000  }
0x3c: {  	_ =	swait.ge [sflag:s15], $0x4000  }
0x3d: {  	[sflag:s15] =	ssyncset.done $0x0  }
0x3e: {  	s6 =	simm.s32 $0x180;
	[sflag:s15] =	ssyncadd.s32 $0xFFFFC000  }
0x3f: {  	[tilespmem:s16], [sflag:$0x1] =	stream.indirect.gather [hbm4b:s4+s13], $0x80, s6, s13, $0xb8;
	[tilespmem:$0x1D000] =	vst v63  }
0x40: {  	s6 =	simm.s32 $0x900  }
0x41: {  	[spmem:s2] =	stream.indirect.scatter.add.f32 [tilespmem:s14], [sflag:$0x2], $0x80, s6, s13, $0xb8;
	[tilespmem:$0x1D000] =	vst v63  }
0x42: {  	_ =	swait.ge [sflag:s11], $0x4000  }
0x43: {  	[sflag:s11] =	ssyncset.done $0x0  }
0x44: {  	[sflag:s11] =	ssyncadd.s32 $0xFFFFC000  }
0x45: {  	_ =	swait.ge [sflag:s15], $0x4000  }
0x46: {  	[sflag:s15] =	ssyncset.done $0x0  }
0x47: {  	s6 =	simm.s32 $0x200;
	[sflag:s15] =	ssyncadd.s32 $0xFFFFC000  }
0x48: {  	[tilespmem:s14], [sflag:$0x1] =	stream.indirect.gather [hbm4b:s4+s13], $0x80, s6, s13, $0xb8;
	[tilespmem:$0x1D000] =	vst v63  }
0x49: {  	s6 =	simm.s32 $0x980  }
0x4a: {  	[spmem:s2] =	stream.indirect.scatter.add.f32 [tilespmem:s16], [sflag:$0x2], $0x80, s6, s13, $0xb8;
	[tilespmem:$0x1D000] =	vst v63  }
0x4b: {  	_ =	swait.ge [sflag:s11], $0x4000  }
0x4c: {  	[sflag:s11] =	ssyncset.done $0x0  }
0x4d: {  	[sflag:s11] =	ssyncadd.s32 $0xFFFFC000  }
0x4e: {  	_ =	swait.ge [sflag:s15], $0x4000  }
0x4f: {  	[sflag:s15] =	ssyncset.done $0x0  }
0x50: {  	s6 =	simm.s32 $0x280;
	[sflag:s15] =	ssyncadd.s32 $0xFFFFC000  }
0x51: {  	[tilespmem:s16], [sflag:$0x1] =	stream.indirect.gather [hbm4b:s4+s13], $0x80, s6, s13, $0xb8;
	[tilespmem:$0x1D000] =	vst v63  }
0x52: {  	s6 =	simm.s32 $0xA00  }
0x53: {  	[spmem:s2] =	stream.indirect.scatter.add.f32 [tilespmem:s14], [sflag:$0x2], $0x80, s6, s13, $0xb8;
	[tilespmem:$0x1D000] =	vst v63  }
0x54: {  	_ =	swait.ge [sflag:s11], $0x4000  }
0x55: {  	[sflag:s11] =	ssyncset.done $0x0  }
0x56: {  	[sflag:s11] =	ssyncadd.s32 $0xFFFFC000  }
0x57: {  	_ =	swait.ge [sflag:s15], $0x4000  }
0x58: {  	[sflag:s15] =	ssyncset.done $0x0  }
0x59: {  	s6 =	simm.s32 $0x300;
	[sflag:s15] =	ssyncadd.s32 $0xFFFFC000  }
0x5a: {  	[tilespmem:s14], [sflag:$0x1] =	stream.indirect.gather [hbm4b:s4+s13], $0x80, s6, s13, $0xb8;
	[tilespmem:$0x1D000] =	vst v63  }
0x5b: {  	s6 =	simm.s32 $0xA80  }
0x5c: {  	[spmem:s2] =	stream.indirect.scatter.add.f32 [tilespmem:s16], [sflag:$0x2], $0x80, s6, s13, $0xb8;
	[tilespmem:$0x1D000] =	vst v63  }
0x5d: {  	_ =	swait.ge [sflag:s11], $0x4000  }
0x5e: {  	[sflag:s11] =	ssyncset.done $0x0  }
0x5f: {  	[sflag:s11] =	ssyncadd.s32 $0xFFFFC000  }
0x60: {  	_ =	swait.ge [sflag:s15], $0x4000  }
0x61: {  	[sflag:s15] =	ssyncset.done $0x0  }
0x62: {  	s6 =	simm.s32 $0x380;
	[sflag:s15] =	ssyncadd.s32 $0xFFFFC000  }
0x63: {  	[tilespmem:s16], [sflag:$0x1] =	stream.indirect.gather [hbm4b:s4+s13], $0x80, s6, s13, $0xb8;
	[tilespmem:$0x1D000] =	vst v63  }
0x64: {  	_ = 	snop  }
0x65: {  	[spmem:s2] =	stream.indirect.scatter.add.f32 [tilespmem:s14], [sflag:$0x2], $0x80, s10, s13, $0xb8;
	[tilespmem:$0x1D000] =	vst v63  }
0x66: {  	_ =	swait.ge [sflag:s11], $0x4000  }
0x67: {  	[sflag:s11] =	ssyncset.done $0x0  }
0x68: {  	[sflag:s11] =	ssyncadd.s32 $0xFFFFC000  }
0x69: {  	_ =	swait.ge [sflag:s15], $0x4000  }
0x6a: {  	[sflag:s15] =	ssyncset.done $0x0  }
0x6b: {  	[sflag:s15] =	ssyncadd.s32 $0xFFFFC000  }
0x6c: {  	[tilespmem:s14], [sflag:$0x1] =	stream.indirect.gather [hbm4b:s4+s13], $0x80, s17, s13, $0xb8;
	[tilespmem:$0x1D000] =	vst v63  }
0x6d: {  	_ = 	snop  }
0x6e: {  	[spmem:s2] =	stream.indirect.scatter.add.f32 [tilespmem:s16], [sflag:$0x2], $0x80, s18, s13, $0xb8;
	[tilespmem:$0x1D000] =	vst v63  }
0x6f: {  	_ =	swait.ge [sflag:s11], $0x4000  }
0x70: {  	[sflag:s11] =	ssyncset.done $0x0  }
0x71: {  	[sflag:s11] =	ssyncadd.s32 $0xFFFFC000  }
0x72: {  	_ =	swait.ge [sflag:s15], $0x4000  }
0x73: {  	[sflag:s15] =	ssyncset.done $0x0  }
0x74: {  	[sflag:s15] =	ssyncadd.s32 $0xFFFFC000  }
0x75: {  	[tilespmem:s16], [sflag:$0x1] =	stream.indirect.gather [hbm4b:s4+s13], $0x80, s19, s13, $0xb8;
	[tilespmem:$0x1D000] =	vst v63  }
0x76: {  	_ = 	snop  }
0x77: {  	[spmem:s2] =	stream.indirect.scatter.add.f32 [tilespmem:s14], [sflag:$0x2], $0x80, s20, s13, $0xb8;
	[tilespmem:$0x1D000] =	vst v63  }
0x78: {  	_ =	swait.ge [sflag:s11], $0x4000  }
0x79: {  	[sflag:s11] =	ssyncset.done $0x0  }
0x7a: {  	[sflag:s11] =	ssyncadd.s32 $0xFFFFC000  }
0x7b: {  	_ =	swait.ge [sflag:s15], $0x4000  }
0x7c: {  	[sflag:s15] =	ssyncset.done $0x0  }
0x7d: {  	[sflag:s15] =	ssyncadd.s32 $0xFFFFC000  }
0x7e: {  	[tilespmem:s14], [sflag:$0x1] =	stream.indirect.gather [hbm4b:s4+s13], $0x80, s21, s13, $0xb8;
	[tilespmem:$0x1D000] =	vst v63  }
0x7f: {  	_ = 	snop  }
0x80: {  	[spmem:s2] =	stream.indirect.scatter.add.f32 [tilespmem:s16], [sflag:$0x2], $0x80, s23, s13, $0xb8;
	[tilespmem:$0x1D000] =	vst v63  }
0x81: {  	_ =	swait.ge [sflag:s11], $0x4000  }
0x82: {  	[sflag:s11] =	ssyncset.done $0x0  }
0x83: {  	[sflag:s11] =	ssyncadd.s32 $0xFFFFC000  }
0x84: {  	_ =	swait.ge [sflag:s15], $0x4000  }
0x85: {  	[sflag:s15] =	ssyncset.done $0x0  }
0x86: {  	[sflag:s15] =	ssyncadd.s32 $0xFFFFC000  }
0x87: {  	[tilespmem:s16], [sflag:$0x1] =	stream.indirect.gather [hbm4b:s4+s13], $0x80, s22, s13, $0xb8;
	[tilespmem:$0x1D000] =	vst v63  }
0x88: {  	_ = 	snop  }
0x89: {  	[spmem:s2] =	stream.indirect.scatter.add.f32 [tilespmem:s14], [sflag:$0x2], $0x80, s29, s13, $0xb8;
	[tilespmem:$0x1D000] =	vst v63  }
0x8a: {  	_ =	swait.ge [sflag:s11], $0x4000  }
0x8b: {  	[sflag:s11] =	ssyncset.done $0x0  }
0x8c: {  	[sflag:s11] =	ssyncadd.s32 $0xFFFFC000  }
0x8d: {  	_ =	swait.ge [sflag:s15], $0x4000  }
0x8e: {  	[sflag:s15] =	ssyncset.done $0x0  }
0x8f: {  	[sflag:s15] =	ssyncadd.s32 $0xFFFFC000  }
0x90: {  	[tilespmem:s14], [sflag:$0x1] =	stream.indirect.gather [hbm4b:s4+s13], $0x80, s30, s13, $0xb8;
	[tilespmem:$0x1D000] =	vst v63  }
0x91: {  	_ = 	snop  }
0x92: {  	[spmem:s2] =	stream.indirect.scatter.add.f32 [tilespmem:s16], [sflag:$0x2], $0x80, s31, s13, $0xb8;
	[tilespmem:$0x1D000] =	vst v63  }
0x93: {  	_ =	swait.ge [sflag:s11], $0x4000  }
0x94: {  	[sflag:s11] =	ssyncset.done $0x0  }
0x95: {  	[sflag:s11] =	ssyncadd.s32 $0xFFFFC000  }
0x96: {  	_ =	swait.ge [sflag:s15], $0x4000  }
0x97: {  	[sflag:s15] =	ssyncset.done $0x0  }
0x98: {  	[sflag:s15] =	ssyncadd.s32 $0xFFFFC000  }
0x99: {  	[tilespmem:s16], [sflag:$0x1] =	stream.indirect.gather [hbm4b:s4+s13], $0x80, s0, s13, $0xb8;
	[tilespmem:$0x1D000] =	vst v63  }
0x9a: {  	_ = 	snop  }
0x9b: {  	[spmem:s2] =	stream.indirect.scatter.add.f32 [tilespmem:s14], [sflag:$0x2], $0x80, s1, s13, $0xb8;
	[tilespmem:$0x1D000] =	vst v63  }
0x9c: {  	_ =	swait.ge [sflag:s11], $0x4000  }
0x9d: {  	[sflag:s11] =	ssyncset.done $0x0  }
0x9e: {  	[sflag:s11] =	ssyncadd.s32 $0xFFFFC000  }
0x9f: {  	_ =	swait.ge [sflag:s15], $0x4000  }
0xa0: {  	[sflag:s15] =	ssyncset.done $0x0  }
0xa1: {  	[sflag:s15] =	ssyncadd.s32 $0xFFFFC000  }
0xa2: {  	[tilespmem:s14], [sflag:$0x1] =	stream.indirect.gather [hbm4b:s4+s13], $0x80, s5, s13, $0xb8;
	[tilespmem:$0x1D000] =	vst v63  }
0xa3: {  	_ = 	snop  }
0xa4: {  	[spmem:s2] =	stream.indirect.scatter.add.f32 [tilespmem:s16], [sflag:$0x2], $0x80, s7, s13, $0xb8;
	[tilespmem:$0x1D000] =	vst v63  }
0xa5: {  	_ =	swait.ge [sflag:s11], $0x4000  }
0xa6: {  	[sflag:s11] =	ssyncset.done $0x0  }
0xa7: {  	[sflag:s11] =	ssyncadd.s32 $0xFFFFC000  }
0xa8: {  	_ =	swait.ge [sflag:s15], $0x4000  }
0xa9: {  	[sflag:s15] =	ssyncset.done $0x0  }
0xaa: {  	[sflag:s15] =	ssyncadd.s32 $0xFFFFC000  }
0xab: {  	[tilespmem:s16], [sflag:$0x1] =	stream.indirect.gather [hbm4b:s4+s13], $0x80, s8, s13, $0xb8;
	[tilespmem:$0x1D000] =	vst v63  }
0xac: {  	_ = 	snop  }
0xad: {  	[spmem:s2] =	stream.indirect.scatter.add.f32 [tilespmem:s14], [sflag:$0x2], $0x80, s9, s13, $0xb8;
	[tilespmem:$0x1D000] =	vst v63  }
0xae: {  	_ =	swait.ge [sflag:s11], $0x4000  }
0xaf: {  	[sflag:s11] =	ssyncset.done $0x0  }
0xb0: {  	[sflag:s11] =	ssyncadd.s32 $0xFFFFC000  }
0xb1: {  	p1 =	slt.u32 @!p0 s28, $0x8;
	_ =	swait.ge [sflag:s15], $0x4000  }
0xb2: {  	p1 =	por p0, !p1;
	[sflag:s15] =	ssyncset.done $0x0  }
.Ltmp0:
0xb3: {  	[sflag:s15] =	ssyncadd.s32 $0xFFFFC000;
	(pc) =	sbr.rel @!p1 .LBB2_2-.Ltmp0, $4  }
0xb4: {  	[spmem:s2] =	stream.indirect.scatter.add.f32 [tilespmem:s16], [sflag:$0x2], $0x80, s24, s13, $0xb8;
	[tilespmem:$0x1D000] =	vst v63  }
0xb5: {  	_ =	swait.ge [sflag:s11], $0x4000  }
0xb6: {  	s28 =	sadd.s32 $0x1, s28;
	[sflag:s11] =	ssyncset.done $0x0  }
0xb7: {  	s25 =	sadd.s32 $0x100, s25;
	s26 =	sadd.s32 $0x100, s26;
	[sflag:s11] =	ssyncadd.s32 $0xFFFFC000  }
0xb8: {  	[bflag:$0x0] =	sbarrier.arrive $0xFFFF  }
0xb9: {  	s26 =	rddreg [dreg:$0x4]  }
0xba: {  	s28 =	rddreg [dreg:$0x8]  }
0xbb: {  	s0 =	rddreg [dreg:$0x9]  }
0xbc: {  	[hbm:s0], [sflag:s26] =	dma.local [spmem:s28], $0x2800  }
0xbd: {  	_ =	swait.ge [sflag:s11], $0x2800  }
0xbe: {  	s25 =	rddreg [dreg:$0xa]  }
0xbf: {  	s0 =	sadd.s32 $0x1, s25;
	s25 =	rddreg [dreg:$0x5]  }
0xc0: {  	p1 =	sne.s32 s0, s25  }
.Ltmp1:
0xc1: {  	_ = 	snop;
	(pc) =	sbr.rel @p1 .LBB2_1-.Ltmp1, $3  }
0xc2: {  	_ =	sdelay $0x1  }
0xc3: {  	[sflag:s11] =	ssyncset.done $0x0  }
0xc4: {  	[sflag:s11] =	ssyncadd.s32 $0xFFFFD800  }
0xc5: {  	_ =	sfence.sel $0x180000  }
0xc6: {  	[bflag:$0x0] =	sbarrier.arrive $0xFFFF  }
0xc7: {  	_ =	strace $0x90000050  }
0xc8: {  	s0 =	stileid.u32;
	[bflag:$0x2] =	sbarrier.arrive $0xFFFF  }
0xc9: {  	p0 =	sne.s32 s0, $0x0;
	s0 =	rddreg [dreg:$0x2]  }
0xca: {  	s0 =	sadd.s32 @!p0 $0x100000, s0  }
0xcb: {  	[sflag:s0] =	ssyncadd.tile.s32 @!p0 $0x1;
	_ =	shalt  }
.Lfunc_end2:
_tile_overlayer_lowered:
.L_overlay_start_2:
0xcc: {  	(tag) =	ssettag $0x2  }
0xcd: {  	s0 =	rddreg [dreg:$0x0];
	s2 =	stileid.u32  }
0xce: {  	s1 =	rddreg [dreg:$0x1];
	p0 =	sne.s32 s2, $0x0  }
0xcf: {  	s3 =	rddreg [dreg:$0x2];
	[bflag:$0x3] =	sbarrier.arrive $0xFFFF;
	s2 =	simm.s32 @!p0 $0x1C02  }
0xd0: {  	[timem:s3], [sflag:s2] =	dma.local @!p0 [hbm:s0], s1  }
0xd1: {  	s0 =	simm.s32 @!p0 $0x2  }
0xd2: {  	_ =	swait.ge @!p0 [sflag:s0], s1  }
0xd3: {  	s1 =	ssub.s32 @!p0 $0x0, s1;
	[sflag:s0] =	ssyncset.done @!p0 $0x0  }
0xd4: {  	[sflag:s0] =	ssyncadd.s32 @!p0 s1  }
0xd5: {  	[bflag:$0x3] =	sbarrier.arrive $0xFFFF  }
0xd6: {  	_ =	shalt  }

</sc_bundles>
